<compile_context>
chip_gen: v7x
topology: tpu7x:2x2x1
jax: 0.10.2.dev20260603
libtpu: 0.0.44.dev20260713+nightly
codegen_flags: <defaults>
</compile_context>

<pallas_src>
import functools

import jax
import jax.numpy as jnp
from jax import lax
from jax.experimental import pallas as pl
from jax.experimental.pallas import tpu as pltpu
from jax.experimental.pallas import tpu_sc as plsc

N = 10000
K = 16
C = 128
G = 8
CG = C // G
EPS = 1e-5
NP = 10240
RB = 512
NB = NP // RB


def _gram_body(x_ref, s_ref, fs_ref):
    @pl.when(pl.program_id(0) == 0)
    def _():
        s_ref[...] = jnp.zeros_like(s_ref)
        fs_ref[...] = jnp.zeros_like(fs_ref)

    x = x_ref[...]
    s_ref[...] += lax.dot_general(x, x, (((0,), (0,)), ((), ())),
                                  preferred_element_type=jnp.float32)
    fs_ref[...] += jnp.sum(x, axis=0, keepdims=True)


def _gram(featp):
    blk = 1024
    return pl.pallas_call(
        _gram_body,
        grid=(NP // blk,),
        in_specs=[pl.BlockSpec((blk, C), lambda i: (i, 0))],
        out_specs=[pl.BlockSpec((C, C), lambda i: (0, 0)),
                   pl.BlockSpec((1, C), lambda i: (0, 0))],
        out_shape=[jax.ShapeDtypeStruct((C, C), jnp.float32),
                   jax.ShapeDtypeStruct((1, C), jnp.float32)],
    )(featp)


def _proj_body(x_ref, wq_ref, cq_ref, wk_ref, ck_ref, wv_ref, bv_ref, ww1_ref,
               ww1t_ref, v_ref, qwt_ref, kwf_ref):
    x = x_ref[...]
    q = jax.nn.relu(jnp.dot(x, wq_ref[...], preferred_element_type=jnp.float32)
                    + cq_ref[...])
    qwt_ref[...] = jnp.dot(q, ww1t_ref[...], preferred_element_type=jnp.float32)
    k = jax.nn.relu(jnp.dot(x, wk_ref[...], preferred_element_type=jnp.float32)
                    + ck_ref[...])
    kwf_ref[...] = jnp.dot(k, ww1_ref[...], preferred_element_type=jnp.float32)
    v_ref[...] = jnp.dot(x, wv_ref[...], preferred_element_type=jnp.float32) + bv_ref[...]


def _proj(featp, wq, cq, wk, ck, wv, bv, ww1, ww1t):
    full = lambda *s: pl.BlockSpec(s, lambda i: (0,) * len(s))
    return pl.pallas_call(
        _proj_body,
        grid=(NB,),
        in_specs=[pl.BlockSpec((RB, C), lambda i: (i, 0)),
                  full(C, C), full(1, C), full(C, C), full(1, C),
                  full(C, C), full(1, C), full(C, G), full(C, C)],
        out_specs=[pl.BlockSpec((RB, C), lambda i: (i, 0)),
                   pl.BlockSpec((RB, C), lambda i: (i, 0)),
                   pl.BlockSpec((RB, G), lambda i: (i, 0))],
        out_shape=[jax.ShapeDtypeStruct((NP, C), jnp.float32),
                   jax.ShapeDtypeStruct((NP, C), jnp.float32),
                   jax.ShapeDtypeStruct((NP, G), jnp.float32)],
    )(featp, wq, cq, wk, ck, wv, bv, ww1, ww1t)


def _h_block(px, py, pz, w1x, w1y, w1z, cp):
    h = (px[:, :, None] * w1x[None, :, :] + py[:, :, None] * w1y[None, :, :]
         + pz[:, :, None] * w1z[None, :, :] + cp[None, :, :])
    return jax.nn.relu(h)


def _xpass_body(px_ref, py_ref, pz_ref, kwg_ref, qwt_ref,
                w1x_ref, w1y_ref, w1z_ref, cp_ref, wp21_ref, cw1t_ref,
                eye_ref, x_ref, xs_ref, xss_ref):
    @pl.when(pl.program_id(0) == 0)
    def _():
        xs_ref[...] = jnp.zeros_like(xs_ref)
        xss_ref[...] = jnp.zeros_like(xss_ref)

    h = _h_block(px_ref[...], py_ref[...], pz_ref[...],
                 w1x_ref[...], w1y_ref[...], w1z_ref[...], cp_ref[...])
    wp21 = wp21_ref[...]
    pebw = jnp.zeros((RB, C), jnp.float32)
    for s in range(K):
        piece = jnp.dot(h[:, s, :], wp21, preferred_element_type=jnp.float32)
        pebw += jnp.dot(piece, eye_ref[s * G:(s + 1) * G, :],
                        preferred_element_type=jnp.float32)
    x = kwg_ref[...] - qwt_ref[...] + pebw + cw1t_ref[...]
    x_ref[...] = x
    gid = pl.program_id(0) * RB + lax.broadcasted_iota(jnp.int32, (RB, 1), 0)
    xm = jnp.where(gid < N, x, 0.0)
    xs_ref[...] += jnp.sum(xm, axis=0, keepdims=True)
    xss_ref[...] += jnp.sum(xm * xm, axis=0, keepdims=True)


def _xpass(px, py, pz, kwg, qwt, w1x, w1y, w1z, cp, wp21, cw1t, eye):
    full = lambda *s: pl.BlockSpec(s, lambda i: (0,) * len(s))
    return pl.pallas_call(
        _xpass_body,
        grid=(NB,),
        in_specs=[pl.BlockSpec((RB, K), lambda i: (i, 0)),
                  pl.BlockSpec((RB, K), lambda i: (i, 0)),
                  pl.BlockSpec((RB, K), lambda i: (i, 0)),
                  pl.BlockSpec((RB, C), lambda i: (i, 0)),
                  pl.BlockSpec((RB, C), lambda i: (i, 0)),
                  full(1, C), full(1, C), full(1, C), full(1, C),
                  full(C, G), full(1, C), full(C, C)],
        out_specs=[pl.BlockSpec((RB, C), lambda i: (i, 0)),
                   pl.BlockSpec((1, C), lambda i: (0, 0)),
                   pl.BlockSpec((1, C), lambda i: (0, 0))],
        out_shape=[jax.ShapeDtypeStruct((NP, C), jnp.float32),
                   jax.ShapeDtypeStruct((1, C), jnp.float32),
                   jax.ShapeDtypeStruct((1, C), jnp.float32)],
    )(px, py, pz, kwg, qwt, w1x, w1y, w1z, cp, wp21, cw1t, eye)


def _attn_body(x_ref, px_ref, py_ref, pz_ref,
               swt_ref, twt_ref, ww2l_ref, bw2t_ref, m8_ref,
               w1x_ref, w1y_ref, w1z_ref, cp_ref, wp2_ref, bp2_ref,
               out_ref, wgt_ref):
    x = x_ref[...]
    xt = jax.nn.relu(x * swt_ref[...] + twt_ref[...])
    wt = jnp.dot(xt, ww2l_ref[...],
                 preferred_element_type=jnp.float32) + bw2t_ref[...]
    e = jnp.exp(wt)
    denom = jnp.dot(e, m8_ref[...], preferred_element_type=jnp.float32)
    wgt = e / denom
    wgt_ref[...] = wgt

    h = _h_block(px_ref[...], py_ref[...], pz_ref[...],
                 w1x_ref[...], w1y_ref[...], w1z_ref[...], cp_ref[...])
    bp2 = bp2_ref[...]
    for g in range(G):
        ag = jnp.zeros((RB, C), jnp.float32)
        wsum = jnp.zeros((RB, 1), jnp.float32)
        for s in range(K):
            wcol = wgt[:, s * G + g:s * G + g + 1]
            ag += wcol * h[:, s, :]
            wsum += wcol
        og = jnp.dot(ag, wp2_ref[:, g * CG:(g + 1) * CG],
                     preferred_element_type=jnp.float32)
        og += wsum * bp2[:, g * CG:(g + 1) * CG]
        out_ref[:, g * CG:(g + 1) * CG] = og


def _attn(xarr, px, py, pz, swt, twt, ww2l, bw2t, m8, w1x, w1y, w1z, cp,
          wp2, bp2):
    full = lambda *s: pl.BlockSpec(s, lambda i: (0,) * len(s))
    return pl.pallas_call(
        _attn_body,
        grid=(NB,),
        in_specs=[pl.BlockSpec((RB, C), lambda i: (i, 0)),
                  pl.BlockSpec((RB, K), lambda i: (i, 0)),
                  pl.BlockSpec((RB, K), lambda i: (i, 0)),
                  pl.BlockSpec((RB, K), lambda i: (i, 0)),
                  full(1, C), full(1, C), full(C, C), full(1, C), full(C, C),
                  full(1, C), full(1, C), full(1, C), full(1, C),
                  full(C, C), full(1, C)],
        out_specs=[pl.BlockSpec((RB, C), lambda i: (i, 0)),
                   pl.BlockSpec((RB, C), lambda i: (i, 0))],
        out_shape=[jax.ShapeDtypeStruct((NP, C), jnp.float32),
                   jax.ShapeDtypeStruct((NP, C), jnp.float32)],
    )(xarr, px, py, pz, swt, twt, ww2l, bw2t, m8, w1x, w1y, w1z, cp, wp2, bp2)


NWORK = 32
CHP = NP // NWORK
CHF = CHP * K


def _sc1_body(cx_hbm, cy_hbm, cz_hbm, idx_hbm, kw_hbm,
              px_hbm, py_hbm, pz_hbm, kwg_hbm, pstat_hbm,
              cx_v, cy_v, cz_v, idx_v, kwg_v, pxb, pyb, pzb, statb, sem):
    wid = lax.axis_index("s") * 2 + lax.axis_index("c")
    base = wid * CHF
    pltpu.sync_copy(idx_hbm.at[pl.ds(base, CHF)], idx_v)
    pltpu.sync_copy(cx_hbm, cx_v)
    pltpu.sync_copy(cy_hbm, cy_v)
    pltpu.sync_copy(cz_hbm, cz_v)
    pltpu.async_copy(kw_hbm.at[idx_v], kwg_v, sem).wait()
    pltpu.sync_copy(kwg_v, kwg_hbm.at[pl.ds(base, CHF)])

    zero = jnp.zeros((16,), jnp.float32)

    def body(j, carry):
        sx, sy, sz, sxx, sxy, sxz, syy, syz, szz = carry
        iv = idx_v[pl.ds(j * K, K)]
        pv = jnp.zeros((16,), jnp.int32) + (wid * CHP + j)
        gx = plsc.load_gather(cx_v, [iv]) - plsc.load_gather(cx_v, [pv])
        gy = plsc.load_gather(cy_v, [iv]) - plsc.load_gather(cy_v, [pv])
        gz = plsc.load_gather(cz_v, [iv]) - plsc.load_gather(cz_v, [pv])
        pxb[pl.ds(j * K, K)] = gx
        pyb[pl.ds(j * K, K)] = gy
        pzb[pl.ds(j * K, K)] = gz
        return (sx + gx, sy + gy, sz + gz, sxx + gx * gx, sxy + gx * gy,
                sxz + gx * gz, syy + gy * gy, syz + gy * gz, szz + gz * gz)

    accs = lax.fori_loop(0, CHP, body, (zero,) * 9)
    for i in range(9):
        statb[i, :] = accs[i]
    pltpu.sync_copy(pxb, px_hbm.at[pl.ds(base, CHF)])
    pltpu.sync_copy(pyb, py_hbm.at[pl.ds(base, CHF)])
    pltpu.sync_copy(pzb, pz_hbm.at[pl.ds(base, CHF)])
    pltpu.sync_copy(statb, pstat_hbm.at[wid])


def _sc1(cx, cy, cz, idxf, kw):
    mesh = plsc.VectorSubcoreMesh(core_axis_name="c", subcore_axis_name="s")
    f = pl.kernel(
        _sc1_body,
        out_type=[jax.ShapeDtypeStruct((NP * K,), jnp.float32),
                  jax.ShapeDtypeStruct((NP * K,), jnp.float32),
                  jax.ShapeDtypeStruct((NP * K,), jnp.float32),
                  jax.ShapeDtypeStruct((NP * K, G), jnp.float32),
                  jax.ShapeDtypeStruct((NWORK, 9, 16), jnp.float32)],
        mesh=mesh,
        scratch_types=[pltpu.VMEM((NP,), jnp.float32),
                       pltpu.VMEM((NP,), jnp.float32),
                       pltpu.VMEM((NP,), jnp.float32),
                       pltpu.VMEM((CHF,), jnp.int32),
                       pltpu.VMEM((CHF, G), jnp.float32),
                       pltpu.VMEM((CHF,), jnp.float32),
                       pltpu.VMEM((CHF,), jnp.float32),
                       pltpu.VMEM((CHF,), jnp.float32),
                       pltpu.VMEM((9, 16), jnp.float32),
                       pltpu.SemaphoreType.DMA],
        compiler_params=pltpu.CompilerParams(needs_layout_passes=False,
                                              use_tc_tiling_on_sc=False),
    )
    return f(cx, cy, cz, idxf, kw)


CP = 10
NCH = CHP // CP


CPK = CP * K
NSTEP = NCH // 2
def _bcast_lane(vec, dj):
    return jnp.take_along_axis(vec, jnp.full((16,), dj, jnp.int32), axis=0,
                               mode='promise_in_bounds')


def _sc2_body(v_hbm, idx_hbm, wgt_hbm, otc_hbm, out_hbm,
              idx_v, vb0, vb1, wb0, wb1, ob0, ob1, sem0, sem1):
    wid = lax.axis_index("s") * 2 + lax.axis_index("c")
    base = wid * CHF
    pltpu.sync_copy(idx_hbm.at[pl.ds(base, CHF)], idx_v)
    vbufs = (vb0, vb1)
    wbufs = (wb0, wb1)
    obufs = (ob0, ob1)
    sems = (sem0, sem1)

    def copies(c, b):
        gbase = (base + c * CPK) * G
        pbase = wid * CHP + c * CP
        return (pltpu.make_async_copy(v_hbm.at[idx_v.at[pl.ds(c * CPK, CPK)]],
                                      vbufs[b], sems[b]),
                pltpu.make_async_copy(wgt_hbm.at[pl.ds(gbase, CPK * G)],
                                     wbufs[b], sems[b]),
                pltpu.make_async_copy(otc_hbm.at[pl.ds(pbase, CP)],
                                     obufs[b], sems[b]))

    def issue(c, b):
        for cp in copies(c, b):
            cp.start()

    def drain(c, b):
        for cp in copies(c, b):
            cp.wait()

    issue(0, 0)
    issue(1, 1)

    def step(i, carry):
        for b in range(2):
            c = 2 * i + b
            drain(c, b)
            vb, wb, ob = vbufs[b], wbufs[b], obufs[b]
            for p in range(CP):
                accs = [ob[p, pl.ds(j * CG, CG)] for j in range(G)]
                for s2 in range(K // 2):
                    wpair = wb[pl.ds((p * K + 2 * s2) * G, 2 * G)]
                    for dj in range(2 * G):
                        r = p * K + 2 * s2 + dj // G
                        j = dj % G
                        w = _bcast_lane(wpair, dj)
                        accs[j] = accs[j] + vb[r, pl.ds(j * CG, CG)] * w
                for j in range(G):
                    ob[p, pl.ds(j * CG, CG)] = accs[j]
            pltpu.sync_copy(ob, out_hbm.at[pl.ds(wid * CHP + c * CP, CP)])

            @pl.when(c + 2 < NCH)
            def _():
                issue(c + 2, b)
        return carry

    lax.fori_loop(0, NSTEP, step, 0)


def _sc2(v, idxf, wgtf, out_tc):
    mesh = plsc.VectorSubcoreMesh(core_axis_name="c", subcore_axis_name="s")
    f = pl.kernel(
        _sc2_body,
        out_type=jax.ShapeDtypeStruct((NP, C), jnp.float32),
        mesh=mesh,
        scratch_types=[pltpu.VMEM((CHF,), jnp.int32),
                       pltpu.VMEM((CPK, C), jnp.float32),
                       pltpu.VMEM((CPK, C), jnp.float32),
                       pltpu.VMEM((CPK * G,), jnp.float32),
                       pltpu.VMEM((CPK * G,), jnp.float32),
                       pltpu.VMEM((CP, C), jnp.float32),
                       pltpu.VMEM((CP, C), jnp.float32),
                       pltpu.SemaphoreType.DMA,
                       pltpu.SemaphoreType.DMA],
        compiler_params=pltpu.CompilerParams(needs_layout_passes=False,
                                              use_tc_tiling_on_sc=False),
    )
    return f(v, idxf, wgtf, out_tc)


def _qk_fold(S, fsum, W, b, g, beta, n):
    sw = fsum @ W
    m = (sw + n * b) / n
    sumsq = jnp.einsum('cj,cd,dj->j', W, S, W) + 2 * b * sw + n * b * b
    var = sumsq / n - m * m
    s = g / jnp.sqrt(var + EPS)
    t = beta - m * s
    return W * s[None, :], (b * s + t)[None, :]


def kernel(feat, coord, reference_index, Wq, bq, gq, betaq, Wk, bk, gk, betak,
           Wv, bv, Wp1, bp1, gp, betap, Wp2, bp2, Ww1, bw1, gw, betaw, Ww2, bw2):
    idx = reference_index
    featp = jnp.pad(feat, ((0, NP - N), (0, 0)))
    coordp = jnp.concatenate([coord, jnp.broadcast_to(coord[0], (NP - N, 3))], 0)
    idxp = jnp.pad(idx, ((0, NP - N), (0, 0)))

    S, fs = _gram(featp)
    fsum = fs[0]
    wq_, cq = _qk_fold(S, fsum, Wq, bq, gq, betaq, N)
    wk_, ck = _qk_fold(S, fsum, Wk, bk, gk, betak, N)

    ww1t = jnp.tile(Ww1, (1, K))
    v, qwt, kwf = _proj(featp, wq_, cq, wk_, ck, Wv, bv[None], Ww1, ww1t)

    idxf = idxp.reshape(NP * K)
    ct = coordp.T
    cx, cy, cz = ct[0], ct[1], ct[2]
    pxf, pyf, pzf, kwgf, pstat = _sc1(cx, cy, cz, idxf, kwf)
    px = pxf.reshape(NP, K)
    py = pyf.reshape(NP, K)
    pz = pzf.reshape(NP, K)
    kwg = kwgf.reshape(NP, C)
    st = pstat.sum(axis=(0, 2))
    psum = st[:3]
    pouter = jnp.stack(
        [jnp.stack([st[3], st[4], st[5]]),
         jnp.stack([st[4], st[6], st[7]]),
         jnp.stack([st[5], st[7], st[8]])])

    NK = N * K
    pw = psum @ Wp1
    m_p = pw / NK + bp1
    sumsq_p = (jnp.einsum('cj,cd,dj->j', Wp1, pouter, Wp1) / NK
               + 2 * bp1 * pw / NK + bp1 * bp1)
    var_p = sumsq_p - m_p * m_p
    sP = gp / jnp.sqrt(var_p + EPS)
    wp1_ = Wp1 * sP[None, :]
    cP = bp1 * sP + (betap - m_p * sP)
    w1x, w1y, w1z = wp1_[0][None], wp1_[1][None], wp1_[2][None]
    wp21 = Wp2 @ Ww1
    cw1t = jnp.tile((bp2 @ Ww1 + bw1)[None], (1, K))

    eye = jnp.eye(C, dtype=jnp.float32)
    xarr, xs, xss = _xpass(px, py, pz, kwg, qwt, w1x, w1y, w1z, cP[None],
                           wp21, cw1t, eye)
    m_x = xs[0].reshape(K, G).sum(0) / NK
    var_x = xss[0].reshape(K, G).sum(0) / NK - m_x * m_x
    sW = gw / jnp.sqrt(var_x + EPS)
    tW = betaw - m_x * sW

    swt = jnp.tile(sW[None], (1, K))
    twt = jnp.tile(tW[None], (1, K))
    ww2l = jnp.kron(jnp.eye(K, dtype=jnp.float32), Ww2)
    bw2t = jnp.tile(bw2[None], (1, K))
    m8 = jnp.kron(jnp.ones((K, K), jnp.float32), jnp.eye(G, dtype=jnp.float32))
    out_tc, wgt = _attn(xarr, px, py, pz, swt, twt, ww2l, bw2t, m8,
                        w1x, w1y, w1z, cP[None], Wp2, bp2[None])

    return (out_tc + v + wgt)[:N]
    out = _sc2(v, idxf, wgt.reshape(NP * C), out_tc)
    return out[:N]

# --- scband reference (transcript-rebuilt; emitter-appended) ---
"""Pipeline reference for scband-point-hr-53687091200711 (READ-ONLY COPY).

The authoritative reference and input builder live on the scoring server;
editing this copy changes nothing except your own understanding.
"""

import jax, jax.numpy as jnp
import numpy as np

N = 10000
K = 16
C = 128
G = 8

def _bn(x, g, b, eps=1e-5):
    axes = tuple(range(x.ndim - 1))
    m = jnp.mean(x, axis=axes, keepdims=True)
    v = jnp.var(x, axis=axes, keepdims=True)
    return (x - m) / jnp.sqrt(v + eps) * g + b

def setup_inputs(seed: int = 0):
    key = jax.random.key(seed)
    ks = jax.random.split(key, 16)
    def w(k, shape, scale=0.02):
        return jax.random.normal(k, shape, dtype=jnp.float32) * scale
    inp = {}
    inp['feat'] = jax.random.normal(ks[0], (N, C), dtype=jnp.float32)
    inp['coord'] = jax.random.uniform(ks[1], (N, 3), dtype=jnp.float32)
    inp['reference_index'] = jax.random.randint(ks[2], (N, K), 0, N, dtype=jnp.int32)
    inp['Wq'] = w(ks[3], (C, C)); inp['bq'] = jnp.zeros((C,), jnp.float32)
    inp['gq'] = jnp.ones((C,), jnp.float32); inp['betaq'] = jnp.zeros((C,), jnp.float32)
    inp['Wk'] = w(ks[4], (C, C)); inp['bk'] = jnp.zeros((C,), jnp.float32)
    inp['gk'] = jnp.ones((C,), jnp.float32); inp['betak'] = jnp.zeros((C,), jnp.float32)
    inp['Wv'] = w(ks[5], (C, C)); inp['bv'] = jnp.zeros((C,), jnp.float32)
    inp['Wp1'] = w(ks[6], (3, C)); inp['bp1'] = jnp.zeros((C,), jnp.float32)
    inp['gp'] = jnp.ones((C,), jnp.float32); inp['betap'] = jnp.zeros((C,), jnp.float32)
    inp['Wp2'] = w(ks[7], (C, C)); inp['bp2'] = jnp.zeros((C,), jnp.float32)
    inp['Ww1'] = w(ks[8], (C, G)); inp['bw1'] = jnp.zeros((G,), jnp.float32)
    inp['gw'] = jnp.ones((G,), jnp.float32); inp['betaw'] = jnp.zeros((G,), jnp.float32)
    inp['Ww2'] = w(ks[9], (G, G)); inp['bw2'] = jnp.zeros((G,), jnp.float32)
    return inp

def reference(feat, coord, reference_index, Wq, bq, gq, betaq, Wk, bk, gk, betak, Wv, bv, Wp1, bp1, gp, betap, Wp2, bp2, Ww1, bw1, gw, betaw, Ww2, bw2):
    q = jax.nn.relu(_bn(feat @ Wq + bq, gq, betaq))
    k = jax.nn.relu(_bn(feat @ Wk + bk, gk, betak))
    v = feat @ Wv + bv
    idx = reference_index
    pos = coord[idx] - coord[:, None, :]
    key_g = k[idx]
    val = v[idx]
    rel = key_g - q[:, None, :]
    peb = jax.nn.relu(_bn(pos @ Wp1 + bp1, gp, betap)) @ Wp2 + bp2
    rel = rel + peb
    val = val + peb
    wgt = jax.nn.relu(_bn(rel @ Ww1 + bw1, gw, betaw)) @ Ww2 + bw2
    wgt = jax.nn.softmax(wgt, axis=1)
    mask = jnp.sign(idx + 1).astype(wgt.dtype)
    wgt = wgt * mask[:, :, None]
    val = val.reshape(N, K, G, C // G)
    out = jnp.einsum('nsgi,nsg->ngi', val, wgt).reshape(N, C)
    return out

if __name__ == "__main__":
    import jax
    _d = setup_inputs()
    print(jax.jit(kernel)(*tuple(_d.values())))

</pallas_src>

<mosaic_0001>
#map = affine_map<(d0, d1) -> (0)>
#map1 = affine_map<(d0, d1) -> (0, 0)>
#map2 = affine_map<(d0, d1) -> (0, 0, 0)>
module attributes {stable_mosaic.version = 14 : i64} {
  func.func @_sc1_body(%arg0: i32, %arg1: i32, %arg2: memref<10240xf32, #tpu.memory_space<hbm>>, %arg3: memref<10240xf32, #tpu.memory_space<hbm>>, %arg4: memref<10240xf32, #tpu.memory_space<hbm>>, %arg5: memref<163840xi32, #tpu.memory_space<hbm>>, %arg6: memref<10240x8xf32, #tpu.memory_space<hbm>>, %arg7: memref<163840xf32, #tpu.memory_space<hbm>>, %arg8: memref<163840xf32, #tpu.memory_space<hbm>>, %arg9: memref<163840xf32, #tpu.memory_space<hbm>>, %arg10: memref<163840x8xf32, #tpu.memory_space<hbm>>, %arg11: memref<32x9x16xf32, #tpu.memory_space<hbm>>, %arg12: memref<10240xf32, #tpu.memory_space<vmem>>, %arg13: memref<10240xf32, #tpu.memory_space<vmem>>, %arg14: memref<10240xf32, #tpu.memory_space<vmem>>, %arg15: memref<5120xi32, #tpu.memory_space<vmem>>, %arg16: memref<5120x8xf32, #tpu.memory_space<vmem>>, %arg17: memref<5120xf32, #tpu.memory_space<vmem>>, %arg18: memref<5120xf32, #tpu.memory_space<vmem>>, %arg19: memref<5120xf32, #tpu.memory_space<vmem>>, %arg20: memref<9x16xf32, #tpu.memory_space<vmem>>, %arg21: memref<!tpu.dma_semaphore, #tpu.memory_space<semaphore_mem>>) attributes {dimension_semantics = [#tpu.dimension_semantics<core_parallel>, #tpu.dimension_semantics<subcore_parallel>], iteration_bounds = array<i64: 2, 16>, scalar_prefetch = 0 : i64, scratch_operands = 10 : i64, tpu.core_type = #tpu.core_type<sc_vector_subcore>, window_params = [{transform_indices = #map}, {transform_indices = #map}, {transform_indices = #map}, {transform_indices = #map}, {transform_indices = #map1}, {transform_indices = #map}, {transform_indices = #map}, {transform_indices = #map}, {transform_indices = #map1}, {transform_indices = #map2}]} {
    %mul3A = arith.constant 2 : i32
    %mul3A_0 = arith.muli %arg1, %mul3A : i32
    %add3A = arith.addi %mul3A_0, %arg0 : i32
    %mul3A_1 = arith.constant 5120 : i32
    %mul3A_2 = arith.muli %add3A, %mul3A_1 : i32
    "tpu.region"() ({
      %run_scoped3A = tpu.sem_alloc : memref<!tpu.dma_semaphore, #tpu.memory_space<semaphore_mem>>
      %dma_start3A_48 = tpu.memref_slice %arg5[%mul3A_2] : memref<163840xi32, #tpu.memory_space<hbm>> -> memref<5120xi32, #tpu.memory_space<hbm>>
      %dma_start3A_49 = tpu.memref_slice %arg5[%mul3A_2] : memref<163840xi32, #tpu.memory_space<hbm>> -> memref<5120xi32, #tpu.memory_space<hbm>>
      tpu.enqueue_dma source(%dma_start3A_49 : memref<5120xi32, #tpu.memory_space<hbm>>) target(%arg15 : memref<5120xi32, #tpu.memory_space<vmem>>) target_semaphore(%run_scoped3A : memref<!tpu.dma_semaphore, #tpu.memory_space<semaphore_mem>>)
      %dma_wait3A_50 = tpu.memref_slice %arg5[%mul3A_2] : memref<163840xi32, #tpu.memory_space<hbm>> -> memref<5120xi32, #tpu.memory_space<hbm>>
      %dma_wait3A_51 = tpu.memref_slice %arg5[%mul3A_2] : memref<163840xi32, #tpu.memory_space<hbm>> -> memref<5120xi32, #tpu.memory_space<hbm>>
      tpu.wait_dma2 semaphore(%run_scoped3A : memref<!tpu.dma_semaphore, #tpu.memory_space<semaphore_mem>>) src(%dma_wait3A_51 : memref<5120xi32, #tpu.memory_space<hbm>>) dst(%arg15 : memref<5120xi32, #tpu.memory_space<vmem>>)
      tpu.yield
    }) : () -> ()
    "tpu.region"() ({
      %run_scoped3A = tpu.sem_alloc : memref<!tpu.dma_semaphore, #tpu.memory_space<semaphore_mem>>
      tpu.enqueue_dma source(%arg2 : memref<10240xf32, #tpu.memory_space<hbm>>) target(%arg12 : memref<10240xf32, #tpu.memory_space<vmem>>) target_semaphore(%run_scoped3A : memref<!tpu.dma_semaphore, #tpu.memory_space<semaphore_mem>>)
      tpu.wait_dma2 semaphore(%run_scoped3A : memref<!tpu.dma_semaphore, #tpu.memory_space<semaphore_mem>>) src(%arg2 : memref<10240xf32, #tpu.memory_space<hbm>>) dst(%arg12 : memref<10240xf32, #tpu.memory_space<vmem>>)
      tpu.yield
    }) : () -> ()
    "tpu.region"() ({
      %run_scoped3A = tpu.sem_alloc : memref<!tpu.dma_semaphore, #tpu.memory_space<semaphore_mem>>
      tpu.enqueue_dma source(%arg3 : memref<10240xf32, #tpu.memory_space<hbm>>) target(%arg13 : memref<10240xf32, #tpu.memory_space<vmem>>) target_semaphore(%run_scoped3A : memref<!tpu.dma_semaphore, #tpu.memory_space<semaphore_mem>>)
      tpu.wait_dma2 semaphore(%run_scoped3A : memref<!tpu.dma_semaphore, #tpu.memory_space<semaphore_mem>>) src(%arg3 : memref<10240xf32, #tpu.memory_space<hbm>>) dst(%arg13 : memref<10240xf32, #tpu.memory_space<vmem>>)
      tpu.yield
    }) : () -> ()
    "tpu.region"() ({
      %run_scoped3A = tpu.sem_alloc : memref<!tpu.dma_semaphore, #tpu.memory_space<semaphore_mem>>
      tpu.enqueue_dma source(%arg4 : memref<10240xf32, #tpu.memory_space<hbm>>) target(%arg14 : memref<10240xf32, #tpu.memory_space<vmem>>) target_semaphore(%run_scoped3A : memref<!tpu.dma_semaphore, #tpu.memory_space<semaphore_mem>>)
      tpu.wait_dma2 semaphore(%run_scoped3A : memref<!tpu.dma_semaphore, #tpu.memory_space<semaphore_mem>>) src(%arg4 : memref<10240xf32, #tpu.memory_space<hbm>>) dst(%arg14 : memref<10240xf32, #tpu.memory_space<vmem>>)
      tpu.yield
    }) : () -> ()
    %dma_start3A = arith.constant 0 : i32
    %dma_start3A_3 = arith.constant 0 : i32
    %dma_start3A_4 = tpu.memref_slice %arg6[%dma_start3A, %dma_start3A_3] : memref<10240x8xf32, #tpu.memory_space<hbm>> -> memref<10240x8xf32, #tpu.memory_space<hbm>>
    tpu.enqueue_indirect_dma source(%dma_start3A_4 : memref<10240x8xf32, #tpu.memory_space<hbm>>) target(%arg16 : memref<5120x8xf32, #tpu.memory_space<vmem>>) offsets(%arg15 : memref<5120xi32, #tpu.memory_space<vmem>>) semaphore(%arg21 : memref<!tpu.dma_semaphore, #tpu.memory_space<semaphore_mem>>)
    %dma_wait3A = arith.constant 0 : i32
    %dma_wait3A_5 = arith.constant 0 : i32
    %dma_wait3A_6 = tpu.memref_slice %arg6[%dma_wait3A, %dma_wait3A_5] : memref<10240x8xf32, #tpu.memory_space<hbm>> -> memref<10240x8xf32, #tpu.memory_space<hbm>>
    tpu.wait_indirect_dma semaphore(%arg21 : memref<!tpu.dma_semaphore, #tpu.memory_space<semaphore_mem>>) src(%dma_wait3A_6 : memref<10240x8xf32, #tpu.memory_space<hbm>>) dst(%arg16 : memref<5120x8xf32, #tpu.memory_space<vmem>>)
    "tpu.region"() ({
      %run_scoped3A = tpu.sem_alloc : memref<!tpu.dma_semaphore, #tpu.memory_space<semaphore_mem>>
      %dma_start3A_48 = arith.constant 0 : i32
      %dma_start3A_49 = tpu.memref_slice %arg10[%mul3A_2, %dma_start3A_48] : memref<163840x8xf32, #tpu.memory_space<hbm>> -> memref<5120x8xf32, #tpu.memory_space<hbm>>
      %dma_start3A_50 = arith.constant 0 : i32
      %dma_start3A_51 = tpu.memref_slice %arg10[%mul3A_2, %dma_start3A_50] : memref<163840x8xf32, #tpu.memory_space<hbm>> -> memref<5120x8xf32, #tpu.memory_space<hbm>>
      tpu.enqueue_dma source(%arg16 : memref<5120x8xf32, #tpu.memory_space<vmem>>) target(%dma_start3A_51 : memref<5120x8xf32, #tpu.memory_space<hbm>>) target_semaphore(%run_scoped3A : memref<!tpu.dma_semaphore, #tpu.memory_space<semaphore_mem>>)
      %dma_wait3A_52 = arith.constant 0 : i32
      %dma_wait3A_53 = tpu.memref_slice %arg10[%mul3A_2, %dma_wait3A_52] : memref<163840x8xf32, #tpu.memory_space<hbm>> -> memref<5120x8xf32, #tpu.memory_space<hbm>>
      %dma_wait3A_54 = arith.constant 0 : i32
      %dma_wait3A_55 = tpu.memref_slice %arg10[%mul3A_2, %dma_wait3A_54] : memref<163840x8xf32, #tpu.memory_space<hbm>> -> memref<5120x8xf32, #tpu.memory_space<hbm>>
      tpu.wait_dma2 semaphore(%run_scoped3A : memref<!tpu.dma_semaphore, #tpu.memory_space<semaphore_mem>>) src(%arg16 : memref<5120x8xf32, #tpu.memory_space<vmem>>) dst(%dma_wait3A_55 : memref<5120x8xf32, #tpu.memory_space<hbm>>)
      tpu.yield
    }) : () -> ()
    %broadcast_in_dim3A = arith.constant 0.000000e+00 : f32
    %broadcast_in_dim3A_7 = vector.broadcast %broadcast_in_dim3A : f32 to vector<16xf32>
    %scan3A = arith.constant 0 : i32
    %scan3A_8 = arith.constant 320 : i32
    %scan3A_9 = arith.addi %scan3A, %scan3A_8 : i32
    %scan3A_10 = arith.constant 1 : i32
    %scan3A_11:9 = scf.for %scan3A_48 = %scan3A to %scan3A_9 step %scan3A_10 iter_args(%scan3A_49 = %broadcast_in_dim3A_7, %scan3A_50 = %broadcast_in_dim3A_7, %scan3A_51 = %broadcast_in_dim3A_7, %scan3A_52 = %broadcast_in_dim3A_7, %scan3A_53 = %broadcast_in_dim3A_7, %scan3A_54 = %broadcast_in_dim3A_7, %scan3A_55 = %broadcast_in_dim3A_7, %scan3A_56 = %broadcast_in_dim3A_7, %scan3A_57 = %broadcast_in_dim3A_7) -> (vector<16xf32>, vector<16xf32>, vector<16xf32>, vector<16xf32>, vector<16xf32>, vector<16xf32>, vector<16xf32>, vector<16xf32>, vector<16xf32>)  : i32 {
      %mul3A_58 = arith.constant 16 : i32
      %mul3A_59 = arith.muli %scan3A_48, %mul3A_58 : i32
      %get3A = arith.index_cast %mul3A_59 : i32 to index
      %get3A_60 = tpu.vector_load %arg15[%get3A] {strides = array<i32>} : memref<5120xi32, #tpu.memory_space<vmem>>, vector<16xi32>,
      %broadcast_in_dim3A_61 = arith.constant 0 : i32
      %broadcast_in_dim3A_62 = vector.broadcast %broadcast_in_dim3A_61 : i32 to vector<16xi32>
      %mul3A_63 = arith.constant 320 : i32
      %mul3A_64 = arith.muli %add3A, %mul3A_63 : i32
      %add3A_65 = arith.addi %mul3A_64, %scan3A_48 : i32
      %add3A_66 = vector.broadcast %add3A_65 : i32 to vector<16xi32>
      %add3A_67 = arith.addi %broadcast_in_dim3A_62, %add3A_66 : vector<16xi32>
      %gather3A = tpu.vector_load_idx %arg12[%get3A_60] : memref<10240xf32, #tpu.memory_space<vmem>>[vector<16xi32>], vector<16xf32>,
      %gather3A_68 = tpu.vector_load_idx %arg12[%add3A_67] : memref<10240xf32, #tpu.memory_space<vmem>>[vector<16xi32>], vector<16xf32>,
      %sub3A = arith.subf %gather3A, %gather3A_68 : vector<16xf32>
      %gather3A_69 = tpu.vector_load_idx %arg13[%get3A_60] : memref<10240xf32, #tpu.memory_space<vmem>>[vector<16xi32>], vector<16xf32>,
      %gather3A_70 = tpu.vector_load_idx %arg13[%add3A_67] : memref<10240xf32, #tpu.memory_space<vmem>>[vector<16xi32>], vector<16xf32>,
      %sub3A_71 = arith.subf %gather3A_69, %gather3A_70 : vector<16xf32>
      %gather3A_72 = tpu.vector_load_idx %arg14[%get3A_60] : memref<10240xf32, #tpu.memory_space<vmem>>[vector<16xi32>], vector<16xf32>,
      %gather3A_73 = tpu.vector_load_idx %arg14[%add3A_67] : memref<10240xf32, #tpu.memory_space<vmem>>[vector<16xi32>], vector<16xf32>,
      %sub3A_74 = arith.subf %gather3A_72, %gather3A_73 : vector<16xf32>
      %mul3A_75 = arith.constant 16 : i32
      %mul3A_76 = arith.muli %scan3A_48, %mul3A_75 : i32
      %swap3A_77 = arith.index_cast %mul3A_76 : i32 to index
      %swap3A_78 = tpu.vector_load %arg17[%swap3A_77] {strides = array<i32>} : memref<5120xf32, #tpu.memory_space<vmem>>, vector<16xf32>,
      tpu.vector_store %arg17[%swap3A_77], %sub3A {strides = array<i32>} : memref<5120xf32, #tpu.memory_space<vmem>>, vector<16xf32>,
      %mul3A_79 = arith.constant 16 : i32
      %mul3A_80 = arith.muli %scan3A_48, %mul3A_79 : i32
      %swap3A_81 = arith.index_cast %mul3A_80 : i32 to index
      %swap3A_82 = tpu.vector_load %arg18[%swap3A_81] {strides = array<i32>} : memref<5120xf32, #tpu.memory_space<vmem>>, vector<16xf32>,
      tpu.vector_store %arg18[%swap3A_81], %sub3A_71 {strides = array<i32>} : memref<5120xf32, #tpu.memory_space<vmem>>, vector<16xf32>,
      %mul3A_83 = arith.constant 16 : i32
      %mul3A_84 = arith.muli %scan3A_48, %mul3A_83 : i32
      %swap3A_85 = arith.index_cast %mul3A_84 : i32 to index
      %swap3A_86 = tpu.vector_load %arg19[%swap3A_85] {strides = array<i32>} : memref<5120xf32, #tpu.memory_space<vmem>>, vector<16xf32>,
      tpu.vector_store %arg19[%swap3A_85], %sub3A_74 {strides = array<i32>} : memref<5120xf32, #tpu.memory_space<vmem>>, vector<16xf32>,
      %add3A_87 = arith.addf %scan3A_49, %sub3A : vector<16xf32>
      %add3A_88 = arith.addf %scan3A_50, %sub3A_71 : vector<16xf32>
      %add3A_89 = arith.addf %scan3A_51, %sub3A_74 : vector<16xf32>
      %mul3A_90 = arith.mulf %sub3A, %sub3A : vector<16xf32>
      %add3A_91 = arith.addf %scan3A_52, %mul3A_90 : vector<16xf32>
      %mul3A_92 = arith.mulf %sub3A, %sub3A_71 : vector<16xf32>
      %add3A_93 = arith.addf %scan3A_53, %mul3A_92 : vector<16xf32>
      %mul3A_94 = arith.mulf %sub3A, %sub3A_74 : vector<16xf32>
      %add3A_95 = arith.addf %scan3A_54, %mul3A_94 : vector<16xf32>
      %mul3A_96 = arith.mulf %sub3A_71, %sub3A_71 : vector<16xf32>
      %add3A_97 = arith.addf %scan3A_55, %mul3A_96 : vector<16xf32>
      %mul3A_98 = arith.mulf %sub3A_71, %sub3A_74 : vector<16xf32>
      %add3A_99 = arith.addf %scan3A_56, %mul3A_98 : vector<16xf32>
      %mul3A_100 = arith.mulf %sub3A_74, %sub3A_74 : vector<16xf32>
      %add3A_101 = arith.addf %scan3A_57, %mul3A_100 : vector<16xf32>
      scf.yield %add3A_87, %add3A_88, %add3A_89, %add3A_91, %add3A_93, %add3A_95, %add3A_97, %add3A_99, %add3A_101 : vector<16xf32>, vector<16xf32>, vector<16xf32>, vector<16xf32>, vector<16xf32>, vector<16xf32>, vector<16xf32>, vector<16xf32>, vector<16xf32>
    }
    %scan3A_12 = arith.constant 320 : i32
    %swap3A = arith.constant 0 : i32
    %swap3A_13 = arith.index_cast %swap3A : i32 to index
    %swap3A_14 = arith.constant 0 : index
    %swap3A_15 = tpu.vector_load %arg20[%swap3A_13, %swap3A_14] {strides = array<i32>} : memref<9x16xf32, #tpu.memory_space<vmem>>, vector<16xf32>,
    tpu.vector_store %arg20[%swap3A_13, %swap3A_14], %scan3A_11#0 {strides = array<i32>} : memref<9x16xf32, #tpu.memory_space<vmem>>, vector<16xf32>,
    %swap3A_16 = arith.constant 1 : i32
    %swap3A_17 = arith.index_cast %swap3A_16 : i32 to index
    %swap3A_18 = arith.constant 0 : index
    %swap3A_19 = tpu.vector_load %arg20[%swap3A_17, %swap3A_18] {strides = array<i32>} : memref<9x16xf32, #tpu.memory_space<vmem>>, vector<16xf32>,
    tpu.vector_store %arg20[%swap3A_17, %swap3A_18], %scan3A_11#1 {strides = array<i32>} : memref<9x16xf32, #tpu.memory_space<vmem>>, vector<16xf32>,
    %swap3A_20 = arith.constant 2 : i32
    %swap3A_21 = arith.index_cast %swap3A_20 : i32 to index
    %swap3A_22 = arith.constant 0 : index
    %swap3A_23 = tpu.vector_load %arg20[%swap3A_21, %swap3A_22] {strides = array<i32>} : memref<9x16xf32, #tpu.memory_space<vmem>>, vector<16xf32>,
    tpu.vector_store %arg20[%swap3A_21, %swap3A_22], %scan3A_11#2 {strides = array<i32>} : memref<9x16xf32, #tpu.memory_space<vmem>>, vector<16xf32>,
    %swap3A_24 = arith.constant 3 : i32
    %swap3A_25 = arith.index_cast %swap3A_24 : i32 to index
    %swap3A_26 = arith.constant 0 : index
    %swap3A_27 = tpu.vector_load %arg20[%swap3A_25, %swap3A_26] {strides = array<i32>} : memref<9x16xf32, #tpu.memory_space<vmem>>, vector<16xf32>,
    tpu.vector_store %arg20[%swap3A_25, %swap3A_26], %scan3A_11#3 {strides = array<i32>} : memref<9x16xf32, #tpu.memory_space<vmem>>, vector<16xf32>,
    %swap3A_28 = arith.constant 4 : i32
    %swap3A_29 = arith.index_cast %swap3A_28 : i32 to index
    %swap3A_30 = arith.constant 0 : index
    %swap3A_31 = tpu.vector_load %arg20[%swap3A_29, %swap3A_30] {strides = array<i32>} : memref<9x16xf32, #tpu.memory_space<vmem>>, vector<16xf32>,
    tpu.vector_store %arg20[%swap3A_29, %swap3A_30], %scan3A_11#4 {strides = array<i32>} : memref<9x16xf32, #tpu.memory_space<vmem>>, vector<16xf32>,
    %swap3A_32 = arith.constant 5 : i32
    %swap3A_33 = arith.index_cast %swap3A_32 : i32 to index
    %swap3A_34 = arith.constant 0 : index
    %swap3A_35 = tpu.vector_load %arg20[%swap3A_33, %swap3A_34] {strides = array<i32>} : memref<9x16xf32, #tpu.memory_space<vmem>>, vector<16xf32>,
    tpu.vector_store %arg20[%swap3A_33, %swap3A_34], %scan3A_11#5 {strides = array<i32>} : memref<9x16xf32, #tpu.memory_space<vmem>>, vector<16xf32>,
    %swap3A_36 = arith.constant 6 : i32
    %swap3A_37 = arith.index_cast %swap3A_36 : i32 to index
    %swap3A_38 = arith.constant 0 : index
    %swap3A_39 = tpu.vector_load %arg20[%swap3A_37, %swap3A_38] {strides = array<i32>} : memref<9x16xf32, #tpu.memory_space<vmem>>, vector<16xf32>,
    tpu.vector_store %arg20[%swap3A_37, %swap3A_38], %scan3A_11#6 {strides = array<i32>} : memref<9x16xf32, #tpu.memory_space<vmem>>, vector<16xf32>,
    %swap3A_40 = arith.constant 7 : i32
    %swap3A_41 = arith.index_cast %swap3A_40 : i32 to index
    %swap3A_42 = arith.constant 0 : index
    %swap3A_43 = tpu.vector_load %arg20[%swap3A_41, %swap3A_42] {strides = array<i32>} : memref<9x16xf32, #tpu.memory_space<vmem>>, vector<16xf32>,
    tpu.vector_store %arg20[%swap3A_41, %swap3A_42], %scan3A_11#7 {strides = array<i32>} : memref<9x16xf32, #tpu.memory_space<vmem>>, vector<16xf32>,
    %swap3A_44 = arith.constant 8 : i32
    %swap3A_45 = arith.index_cast %swap3A_44 : i32 to index
    %swap3A_46 = arith.constant 0 : index
    %swap3A_47 = tpu.vector_load %arg20[%swap3A_45, %swap3A_46] {strides = array<i32>} : memref<9x16xf32, #tpu.memory_space<vmem>>, vector<16xf32>,
    tpu.vector_store %arg20[%swap3A_45, %swap3A_46], %scan3A_11#8 {strides = array<i32>} : memref<9x16xf32, #tpu.memory_space<vmem>>, vector<16xf32>,
    "tpu.region"() ({
      %run_scoped3A = tpu.sem_alloc : memref<!tpu.dma_semaphore, #tpu.memory_space<semaphore_mem>>
      %dma_start3A_48 = tpu.memref_slice %arg7[%mul3A_2] : memref<163840xf32, #tpu.memory_space<hbm>> -> memref<5120xf32, #tpu.memory_space<hbm>>
      %dma_start3A_49 = tpu.memref_slice %arg7[%mul3A_2] : memref<163840xf32, #tpu.memory_space<hbm>> -> memref<5120xf32, #tpu.memory_space<hbm>>
      tpu.enqueue_dma source(%arg17 : memref<5120xf32, #tpu.memory_space<vmem>>) target(%dma_start3A_49 : memref<5120xf32, #tpu.memory_space<hbm>>) target_semaphore(%run_scoped3A : memref<!tpu.dma_semaphore, #tpu.memory_space<semaphore_mem>>)
      %dma_wait3A_50 = tpu.memref_slice %arg7[%mul3A_2] : memref<163840xf32, #tpu.memory_space<hbm>> -> memref<5120xf32, #tpu.memory_space<hbm>>
      %dma_wait3A_51 = tpu.memref_slice %arg7[%mul3A_2] : memref<163840xf32, #tpu.memory_space<hbm>> -> memref<5120xf32, #tpu.memory_space<hbm>>
      tpu.wait_dma2 semaphore(%run_scoped3A : memref<!tpu.dma_semaphore, #tpu.memory_space<semaphore_mem>>) src(%arg17 : memref<5120xf32, #tpu.memory_space<vmem>>) dst(%dma_wait3A_51 : memref<5120xf32, #tpu.memory_space<hbm>>)
      tpu.yield
    }) : () -> ()
    "tpu.region"() ({
      %run_scoped3A = tpu.sem_alloc : memref<!tpu.dma_semaphore, #tpu.memory_space<semaphore_mem>>
      %dma_start3A_48 = tpu.memref_slice %arg8[%mul3A_2] : memref<163840xf32, #tpu.memory_space<hbm>> -> memref<5120xf32, #tpu.memory_space<hbm>>
      %dma_start3A_49 = tpu.memref_slice %arg8[%mul3A_2] : memref<163840xf32, #tpu.memory_space<hbm>> -> memref<5120xf32, #tpu.memory_space<hbm>>
      tpu.enqueue_dma source(%arg18 : memref<5120xf32, #tpu.memory_space<vmem>>) target(%dma_start3A_49 : memref<5120xf32, #tpu.memory_space<hbm>>) target_semaphore(%run_scoped3A : memref<!tpu.dma_semaphore, #tpu.memory_space<semaphore_mem>>)
      %dma_wait3A_50 = tpu.memref_slice %arg8[%mul3A_2] : memref<163840xf32, #tpu.memory_space<hbm>> -> memref<5120xf32, #tpu.memory_space<hbm>>
      %dma_wait3A_51 = tpu.memref_slice %arg8[%mul3A_2] : memref<163840xf32, #tpu.memory_space<hbm>> -> memref<5120xf32, #tpu.memory_space<hbm>>
      tpu.wait_dma2 semaphore(%run_scoped3A : memref<!tpu.dma_semaphore, #tpu.memory_space<semaphore_mem>>) src(%arg18 : memref<5120xf32, #tpu.memory_space<vmem>>) dst(%dma_wait3A_51 : memref<5120xf32, #tpu.memory_space<hbm>>)
      tpu.yield
    }) : () -> ()
    "tpu.region"() ({
      %run_scoped3A = tpu.sem_alloc : memref<!tpu.dma_semaphore, #tpu.memory_space<semaphore_mem>>
      %dma_start3A_48 = tpu.memref_slice %arg9[%mul3A_2] : memref<163840xf32, #tpu.memory_space<hbm>> -> memref<5120xf32, #tpu.memory_space<hbm>>
      %dma_start3A_49 = tpu.memref_slice %arg9[%mul3A_2] : memref<163840xf32, #tpu.memory_space<hbm>> -> memref<5120xf32, #tpu.memory_space<hbm>>
      tpu.enqueue_dma source(%arg19 : memref<5120xf32, #tpu.memory_space<vmem>>) target(%dma_start3A_49 : memref<5120xf32, #tpu.memory_space<hbm>>) target_semaphore(%run_scoped3A : memref<!tpu.dma_semaphore, #tpu.memory_space<semaphore_mem>>)
      %dma_wait3A_50 = tpu.memref_slice %arg9[%mul3A_2] : memref<163840xf32, #tpu.memory_space<hbm>> -> memref<5120xf32, #tpu.memory_space<hbm>>
      %dma_wait3A_51 = tpu.memref_slice %arg9[%mul3A_2] : memref<163840xf32, #tpu.memory_space<hbm>> -> memref<5120xf32, #tpu.memory_space<hbm>>
      tpu.wait_dma2 semaphore(%run_scoped3A : memref<!tpu.dma_semaphore, #tpu.memory_space<semaphore_mem>>) src(%arg19 : memref<5120xf32, #tpu.memory_space<vmem>>) dst(%dma_wait3A_51 : memref<5120xf32, #tpu.memory_space<hbm>>)
      tpu.yield
    }) : () -> ()
    "tpu.region"() ({
      %run_scoped3A = tpu.sem_alloc : memref<!tpu.dma_semaphore, #tpu.memory_space<semaphore_mem>>
      %dma_start3A_48 = arith.constant 0 : i32
      %dma_start3A_49 = arith.constant 0 : i32
      %dma_start3A_50 = tpu.memref_slice %arg11[%add3A, %dma_start3A_48, %dma_start3A_49] : memref<32x9x16xf32, #tpu.memory_space<hbm>> -> memref<1x9x16xf32, #tpu.memory_space<hbm>>
      %dma_start3A_51 = tpu.memref_squeeze %dma_start3A_50 : memref<1x9x16xf32, #tpu.memory_space<hbm>> -> memref<9x16xf32, #tpu.memory_space<hbm>>
      %dma_start3A_52 = arith.constant 0 : i32
      %dma_start3A_53 = arith.constant 0 : i32
      %dma_start3A_54 = tpu.memref_slice %arg11[%add3A, %dma_start3A_52, %dma_start3A_53] : memref<32x9x16xf32, #tpu.memory_space<hbm>> -> memref<1x9x16xf32, #tpu.memory_space<hbm>>
      %dma_start3A_55 = tpu.memref_squeeze %dma_start3A_54 : memref<1x9x16xf32, #tpu.memory_space<hbm>> -> memref<9x16xf32, #tpu.memory_space<hbm>>
      tpu.enqueue_dma source(%arg20 : memref<9x16xf32, #tpu.memory_space<vmem>>) target(%dma_start3A_55 : memref<9x16xf32, #tpu.memory_space<hbm>>) target_semaphore(%run_scoped3A : memref<!tpu.dma_semaphore, #tpu.memory_space<semaphore_mem>>)
      %dma_wait3A_56 = arith.constant 0 : i32
      %dma_wait3A_57 = arith.constant 0 : i32
      %dma_wait3A_58 = tpu.memref_slice %arg11[%add3A, %dma_wait3A_56, %dma_wait3A_57] : memref<32x9x16xf32, #tpu.memory_space<hbm>> -> memref<1x9x16xf32, #tpu.memory_space<hbm>>
      %dma_wait3A_59 = tpu.memref_squeeze %dma_wait3A_58 : memref<1x9x16xf32, #tpu.memory_space<hbm>> -> memref<9x16xf32, #tpu.memory_space<hbm>>
      %dma_wait3A_60 = arith.constant 0 : i32
      %dma_wait3A_61 = arith.constant 0 : i32
      %dma_wait3A_62 = tpu.memref_slice %arg11[%add3A, %dma_wait3A_60, %dma_wait3A_61] : memref<32x9x16xf32, #tpu.memory_space<hbm>> -> memref<1x9x16xf32, #tpu.memory_space<hbm>>
      %dma_wait3A_63 = tpu.memref_squeeze %dma_wait3A_62 : memref<1x9x16xf32, #tpu.memory_space<hbm>> -> memref<9x16xf32, #tpu.memory_space<hbm>>
      tpu.wait_dma2 semaphore(%run_scoped3A : memref<!tpu.dma_semaphore, #tpu.memory_space<semaphore_mem>>) src(%arg20 : memref<9x16xf32, #tpu.memory_space<vmem>>) dst(%dma_wait3A_63 : memref<9x16xf32, #tpu.memory_space<hbm>>)
      tpu.yield
    }) : () -> ()
    return
  }
}

module attributes {stable_mosaic.version = 14 : i64} {
  func.func @_proj_body(%arg0: i32, %arg1: memref<512x128xf32, #tpu.memory_space<vmem>>, %arg2: memref<128x128xf32, #tpu.memory_space<vmem>>, %arg3: memref<1x128xf32, #tpu.memory_space<vmem>>, %arg4: memref<128x128xf32, #tpu.memory_space<vmem>>, %arg5: memref<1x128xf32, #tpu.memory_space<vmem>>, %arg6: memref<128x128xf32, #tpu.memory_space<vmem>>, %arg7: memref<1x128xf32, #tpu.memory_space<vmem>>, %arg8: memref<128x8xf32, #tpu.memory_space<vmem>>, %arg9: memref<128x128xf32, #tpu.memory_space<vmem>>, %arg10: memref<512x128xf32, #tpu.memory_space<vmem>>, %arg11: memref<512x128xf32, #tpu.memory_space<vmem>>, %arg12: memref<512x8xf32, #tpu.memory_space<vmem>>) attributes {dimension_semantics = [#tpu.dimension_semantics<arbitrary>], iteration_bounds = array<i64: 20>, scalar_prefetch = 0 : i64, scratch_operands = 0 : i64, tpu.core_type = #tpu.core_type<tc>, window_params = [{transform_indices = @transform_0, window_bounds = array<i64: 512, 128>}, {pipeline_mode = #tpu.pipeline_mode<synchronous>, transform_indices = @transform_1, window_bounds = array<i64: 128, 128>}, {pipeline_mode = #tpu.pipeline_mode<synchronous>, transform_indices = @transform_2, window_bounds = array<i64: 1, 128>}, {pipeline_mode = #tpu.pipeline_mode<synchronous>, transform_indices = @transform_3, window_bounds = array<i64: 128, 128>}, {pipeline_mode = #tpu.pipeline_mode<synchronous>, transform_indices = @transform_4, window_bounds = array<i64: 1, 128>}, {pipeline_mode = #tpu.pipeline_mode<synchronous>, transform_indices = @transform_5, window_bounds = array<i64: 128, 128>}, {pipeline_mode = #tpu.pipeline_mode<synchronous>, transform_indices = @transform_6, window_bounds = array<i64: 1, 128>}, {pipeline_mode = #tpu.pipeline_mode<synchronous>, transform_indices = @transform_7, window_bounds = array<i64: 128, 8>}, {pipeline_mode = #tpu.pipeline_mode<synchronous>, transform_indices = @transform_8, window_bounds = array<i64: 128, 128>}, {transform_indices = @transform_9, window_bounds = array<i64: 512, 128>}, {transform_indices = @transform_10, window_bounds = array<i64: 512, 128>}, {transform_indices = @transform_11, window_bounds = array<i64: 512, 8>}]} {
    %get3A = arith.constant 0 : index
    %get3A_0 = arith.constant 0 : index
    %get3A_1 = vector.load %arg1[%get3A, %get3A_0] : memref<512x128xf32, #tpu.memory_space<vmem>>, vector<512x128xf32>
    %get3A_2 = arith.constant 0 : index
    %get3A_3 = arith.constant 0 : index
    %get3A_4 = vector.load %arg2[%get3A_2, %get3A_3] : memref<128x128xf32, #tpu.memory_space<vmem>>, vector<128x128xf32>
    %dot_general3A = arith.constant dense<0.000000e+00> : vector<512x128xf32>
    %dot_general3A_5 = tpu.matmul %get3A_1, %get3A_4, %dot_general3A {dimension_numbers = #tpu.dot_dimension_numbers<[1], [0], [0], [1], [0, 0, 1, 1], [], []>, transpose_lhs_hint = false} : vector<512x128xf32>, vector<128x128xf32>, vector<512x128xf32> -> vector<512x128xf32>
    %get3A_6 = arith.constant 0 : index
    %get3A_7 = arith.constant 0 : index
    %get3A_8 = vector.load %arg3[%get3A_6, %get3A_7] : memref<1x128xf32, #tpu.memory_space<vmem>>, vector<1x128xf32>
    %add3A = vector.broadcast %get3A_8 : vector<1x128xf32> to vector<512x128xf32>
    %add3A_9 = arith.addf %dot_general3A_5, %add3A : vector<512x128xf32>
    %max3A = arith.constant 0.000000e+00 : f32
    %max3A_10 = vector.broadcast %max3A : f32 to vector<512x128xf32>
    %max3A_11 = arith.maximumf %add3A_9, %max3A_10 : vector<512x128xf32>
    %get3A_12 = arith.constant 0 : index
    %get3A_13 = arith.constant 0 : index
    %get3A_14 = vector.load %arg9[%get3A_12, %get3A_13] : memref<128x128xf32, #tpu.memory_space<vmem>>, vector<128x128xf32>
    %dot_general3A_15 = arith.constant dense<0.000000e+00> : vector<512x128xf32>
    %dot_general3A_16 = tpu.matmul %max3A_11, %get3A_14, %dot_general3A_15 {dimension_numbers = #tpu.dot_dimension_numbers<[1], [0], [0], [1], [0, 0, 1, 1], [], []>, transpose_lhs_hint = false} : vector<512x128xf32>, vector<128x128xf32>, vector<512x128xf32> -> vector<512x128xf32>
    %swap3A = arith.constant 0 : index
    %swap3A_17 = arith.constant 0 : index
    %swap3A_18 = vector.load %arg11[%swap3A, %swap3A_17] : memref<512x128xf32, #tpu.memory_space<vmem>>, vector<512x128xf32>
    tpu.vector_store %arg11[%swap3A, %swap3A_17], %dot_general3A_16 {strides = array<i32>} : memref<512x128xf32, #tpu.memory_space<vmem>>, vector<512x128xf32>,
    %get3A_19 = arith.constant 0 : index
    %get3A_20 = arith.constant 0 : index
    %get3A_21 = vector.load %arg4[%get3A_19, %get3A_20] : memref<128x128xf32, #tpu.memory_space<vmem>>, vector<128x128xf32>
    %dot_general3A_22 = arith.constant dense<0.000000e+00> : vector<512x128xf32>
    %dot_general3A_23 = tpu.matmul %get3A_1, %get3A_21, %dot_general3A_22 {dimension_numbers = #tpu.dot_dimension_numbers<[1], [0], [0], [1], [0, 0, 1, 1], [], []>, transpose_lhs_hint = false} : vector<512x128xf32>, vector<128x128xf32>, vector<512x128xf32> -> vector<512x128xf32>
    %get3A_24 = arith.constant 0 : index
    %get3A_25 = arith.constant 0 : index
    %get3A_26 = vector.load %arg5[%get3A_24, %get3A_25] : memref<1x128xf32, #tpu.memory_space<vmem>>, vector<1x128xf32>
    %add3A_27 = vector.broadcast %get3A_26 : vector<1x128xf32> to vector<512x128xf32>
    %add3A_28 = arith.addf %dot_general3A_23, %add3A_27 : vector<512x128xf32>
    %max3A_29 = arith.constant 0.000000e+00 : f32
    %max3A_30 = vector.broadcast %max3A_29 : f32 to vector<512x128xf32>
    %max3A_31 = arith.maximumf %add3A_28, %max3A_30 : vector<512x128xf32>
    %get3A_32 = arith.constant 0 : index
    %get3A_33 = arith.constant 0 : index
    %get3A_34 = vector.load %arg8[%get3A_32, %get3A_33] : memref<128x8xf32, #tpu.memory_space<vmem>>, vector<128x8xf32>
    %dot_general3A_35 = arith.constant dense<0.000000e+00> : vector<512x8xf32>
    %dot_general3A_36 = tpu.matmul %max3A_31, %get3A_34, %dot_general3A_35 {dimension_numbers = #tpu.dot_dimension_numbers<[1], [0], [0], [1], [0, 0, 1, 1], [], []>, transpose_lhs_hint = false} : vector<512x128xf32>, vector<128x8xf32>, vector<512x8xf32> -> vector<512x8xf32>
    %swap3A_37 = arith.constant 0 : index
    %swap3A_38 = arith.constant 0 : index
    %swap3A_39 = vector.load %arg12[%swap3A_37, %swap3A_38] : memref<512x8xf32, #tpu.memory_space<vmem>>, vector<512x8xf32>
    tpu.vector_store %arg12[%swap3A_37, %swap3A_38], %dot_general3A_36 {strides = array<i32>} : memref<512x8xf32, #tpu.memory_space<vmem>>, vector<512x8xf32>,
    %get3A_40 = arith.constant 0 : index
    %get3A_41 = arith.constant 0 : index
    %get3A_42 = vector.load %arg6[%get3A_40, %get3A_41] : memref<128x128xf32, #tpu.memory_space<vmem>>, vector<128x128xf32>
    %dot_general3A_43 = arith.constant dense<0.000000e+00> : vector<512x128xf32>
    %dot_general3A_44 = tpu.matmul %get3A_1, %get3A_42, %dot_general3A_43 {dimension_numbers = #tpu.dot_dimension_numbers<[1], [0], [0], [1], [0, 0, 1, 1], [], []>, transpose_lhs_hint = false} : vector<512x128xf32>, vector<128x128xf32>, vector<512x128xf32> -> vector<512x128xf32>
    %get3A_45 = arith.constant 0 : index
    %get3A_46 = arith.constant 0 : index
    %get3A_47 = vector.load %arg7[%get3A_45, %get3A_46] : memref<1x128xf32, #tpu.memory_space<vmem>>, vector<1x128xf32>
    %add3A_48 = vector.broadcast %get3A_47 : vector<1x128xf32> to vector<512x128xf32>
    %add3A_49 = arith.addf %dot_general3A_44, %add3A_48 : vector<512x128xf32>
    %swap3A_50 = arith.constant 0 : index
    %swap3A_51 = arith.constant 0 : index
    %swap3A_52 = vector.load %arg10[%swap3A_50, %swap3A_51] : memref<512x128xf32, #tpu.memory_space<vmem>>, vector<512x128xf32>
    tpu.vector_store %arg10[%swap3A_50, %swap3A_51], %add3A_49 {strides = array<i32>} : memref<512x128xf32, #tpu.memory_space<vmem>>, vector<512x128xf32>,
    return
  }
  func.func @transform_0(%arg0: i32) -> (i32, i32) {
    %c0_i32 = arith.constant 0 : i32
    %c0_i32_0 = arith.constant 0 : i32
    return %arg0, %c0_i32 : i32, i32
  }
  func.func @transform_1(%arg0: i32) -> (i32, i32) {
    %c0_i32 = arith.constant 0 : i32
    %c0_i32_0 = arith.constant 0 : i32
    %c0_i32_1 = arith.constant 0 : i32
    return %c0_i32, %c0_i32_0 : i32, i32
  }
  func.func @transform_2(%arg0: i32) -> (i32, i32) {
    %c0_i32 = arith.constant 0 : i32
    %c0_i32_0 = arith.constant 0 : i32
    %c0_i32_1 = arith.constant 0 : i32
    return %c0_i32, %c0_i32_0 : i32, i32
  }
  func.func @transform_3(%arg0: i32) -> (i32, i32) {
    %c0_i32 = arith.constant 0 : i32
    %c0_i32_0 = arith.constant 0 : i32
    %c0_i32_1 = arith.constant 0 : i32
    return %c0_i32, %c0_i32_0 : i32, i32
  }
  func.func @transform_4(%arg0: i32) -> (i32, i32) {
    %c0_i32 = arith.constant 0 : i32
    %c0_i32_0 = arith.constant 0 : i32
    %c0_i32_1 = arith.constant 0 : i32
    return %c0_i32, %c0_i32_0 : i32, i32
  }
  func.func @transform_5(%arg0: i32) -> (i32, i32) {
    %c0_i32 = arith.constant 0 : i32
    %c0_i32_0 = arith.constant 0 : i32
    %c0_i32_1 = arith.constant 0 : i32
    return %c0_i32, %c0_i32_0 : i32, i32
  }
  func.func @transform_6(%arg0: i32) -> (i32, i32) {
    %c0_i32 = arith.constant 0 : i32
    %c0_i32_0 = arith.constant 0 : i32
    %c0_i32_1 = arith.constant 0 : i32
    return %c0_i32, %c0_i32_0 : i32, i32
  }
  func.func @transform_7(%arg0: i32) -> (i32, i32) {
    %c0_i32 = arith.constant 0 : i32
    %c0_i32_0 = arith.constant 0 : i32
    %c0_i32_1 = arith.constant 0 : i32
    return %c0_i32, %c0_i32_0 : i32, i32
  }
  func.func @transform_8(%arg0: i32) -> (i32, i32) {
    %c0_i32 = arith.constant 0 : i32
    %c0_i32_0 = arith.constant 0 : i32
    %c0_i32_1 = arith.constant 0 : i32
    return %c0_i32, %c0_i32_0 : i32, i32
  }
  func.func @transform_9(%arg0: i32) -> (i32, i32) {
    %c0_i32 = arith.constant 0 : i32
    %c0_i32_0 = arith.constant 0 : i32
    return %arg0, %c0_i32 : i32, i32
  }
  func.func @transform_10(%arg0: i32) -> (i32, i32) {
    %c0_i32 = arith.constant 0 : i32
    %c0_i32_0 = arith.constant 0 : i32
    return %arg0, %c0_i32 : i32, i32
  }
  func.func @transform_11(%arg0: i32) -> (i32, i32) {
    %c0_i32 = arith.constant 0 : i32
    %c0_i32_0 = arith.constant 0 : i32
    return %arg0, %c0_i32 : i32, i32
  }
}

module attributes {stable_mosaic.version = 14 : i64} {
  func.func @_gram_body(%arg0: i32, %arg1: memref<1024x128xf32, #tpu.memory_space<vmem>>, %arg2: memref<128x128xf32, #tpu.memory_space<vmem>>, %arg3: memref<1x128xf32, #tpu.memory_space<vmem>>) attributes {dimension_semantics = [#tpu.dimension_semantics<arbitrary>], iteration_bounds = array<i64: 10>, scalar_prefetch = 0 : i64, scratch_operands = 0 : i64, tpu.core_type = #tpu.core_type<tc>, window_params = [{transform_indices = @transform_0, window_bounds = array<i64: 1024, 128>}, {pipeline_mode = #tpu.pipeline_mode<synchronous>, transform_indices = @transform_1, window_bounds = array<i64: 128, 128>}, {pipeline_mode = #tpu.pipeline_mode<synchronous>, transform_indices = @transform_2, window_bounds = array<i64: 1, 128>}]} {
    %eq3A = arith.constant 0 : i32
    %eq3A_0 = arith.cmpi eq, %arg0, %eq3A : i32
    %convert_element_type3A = arith.extui %eq3A_0 : i1 to i32
    %cond3A = arith.constant 0 : i32
    %cond3A_1 = arith.cmpi ne, %convert_element_type3A, %cond3A : i32
    scf.if %cond3A_1 {
      %broadcast_in_dim3A_18 = arith.constant 0.000000e+00 : f32
      %broadcast_in_dim3A_19 = vector.broadcast %broadcast_in_dim3A_18 : f32 to vector<128x128xf32>
      %swap3A_20 = arith.constant 0 : index
      %swap3A_21 = arith.constant 0 : index
      %swap3A_22 = vector.load %arg2[%swap3A_20, %swap3A_21] : memref<128x128xf32, #tpu.memory_space<vmem>>, vector<128x128xf32>
      tpu.vector_store %arg2[%swap3A_20, %swap3A_21], %broadcast_in_dim3A_19 {strides = array<i32>} : memref<128x128xf32, #tpu.memory_space<vmem>>, vector<128x128xf32>,
      %broadcast_in_dim3A_23 = arith.constant 0.000000e+00 : f32
      %broadcast_in_dim3A_24 = vector.broadcast %broadcast_in_dim3A_23 : f32 to vector<1x128xf32>
      %swap3A_25 = arith.constant 0 : index
      %swap3A_26 = arith.constant 0 : index
      %swap3A_27 = vector.load %arg3[%swap3A_25, %swap3A_26] : memref<1x128xf32, #tpu.memory_space<vmem>>, vector<1x128xf32>
      tpu.vector_store %arg3[%swap3A_25, %swap3A_26], %broadcast_in_dim3A_24 {strides = array<i32>} : memref<1x128xf32, #tpu.memory_space<vmem>>, vector<1x128xf32>,
    } else {
    }
    %get3A = arith.constant 0 : index
    %get3A_2 = arith.constant 0 : index
    %get3A_3 = vector.load %arg1[%get3A, %get3A_2] : memref<1024x128xf32, #tpu.memory_space<vmem>>, vector<1024x128xf32>
    %get3A_4 = arith.constant 0 : index
    %get3A_5 = arith.constant 0 : index
    %get3A_6 = vector.load %arg2[%get3A_4, %get3A_5] : memref<128x128xf32, #tpu.memory_space<vmem>>, vector<128x128xf32>
    %dot_general3A = arith.constant dense<0.000000e+00> : vector<128x128xf32>
    %dot_general3A_7 = tpu.matmul %get3A_3, %get3A_3, %dot_general3A {dimension_numbers = #tpu.dot_dimension_numbers<[0], [0], [1], [1], [0, 1, 1, 1], [], []>, transpose_lhs_hint = false} : vector<1024x128xf32>, vector<1024x128xf32>, vector<128x128xf32> -> vector<128x128xf32>
    %add3A = arith.addf %get3A_6, %dot_general3A_7 : vector<128x128xf32>
    %swap3A = arith.constant 0 : index
    %swap3A_8 = arith.constant 0 : index
    %swap3A_9 = vector.load %arg2[%swap3A, %swap3A_8] : memref<128x128xf32, #tpu.memory_space<vmem>>, vector<128x128xf32>
    tpu.vector_store %arg2[%swap3A, %swap3A_8], %add3A {strides = array<i32>} : memref<128x128xf32, #tpu.memory_space<vmem>>, vector<128x128xf32>,
    %get3A_10 = arith.constant 0 : index
    %get3A_11 = arith.constant 0 : index
    %get3A_12 = vector.load %arg3[%get3A_10, %get3A_11] : memref<1x128xf32, #tpu.memory_space<vmem>>, vector<1x128xf32>
    %reduce_sum3A = arith.constant dense<0.000000e+00> : vector<128xf32>
    %reduce_sum3A_13 = vector.multi_reduction <add>, %get3A_3, %reduce_sum3A [0] : vector<1024x128xf32> to vector<128xf32>
    %broadcast_in_dim3A = vector.shape_cast %reduce_sum3A_13 : vector<128xf32> to vector<1x128xf32>
    %add3A_14 = arith.addf %get3A_12, %broadcast_in_dim3A : vector<1x128xf32>
    %swap3A_15 = arith.constant 0 : index
    %swap3A_16 = arith.constant 0 : index
    %swap3A_17 = vector.load %arg3[%swap3A_15, %swap3A_16] : memref<1x128xf32, #tpu.memory_space<vmem>>, vector<1x128xf32>
    tpu.vector_store %arg3[%swap3A_15, %swap3A_16], %add3A_14 {strides = array<i32>} : memref<1x128xf32, #tpu.memory_space<vmem>>, vector<1x128xf32>,
    return
  }
  func.func @transform_0(%arg0: i32) -> (i32, i32) {
    %c0_i32 = arith.constant 0 : i32
    %c0_i32_0 = arith.constant 0 : i32
    return %arg0, %c0_i32 : i32, i32
  }
  func.func @transform_1(%arg0: i32) -> (i32, i32) {
    %c0_i32 = arith.constant 0 : i32
    %c0_i32_0 = arith.constant 0 : i32
    %c0_i32_1 = arith.constant 0 : i32
    return %c0_i32, %c0_i32_0 : i32, i32
  }
  func.func @transform_2(%arg0: i32) -> (i32, i32) {
    %c0_i32 = arith.constant 0 : i32
    %c0_i32_0 = arith.constant 0 : i32
    %c0_i32_1 = arith.constant 0 : i32
    return %c0_i32, %c0_i32_0 : i32, i32
  }
}

module attributes {stable_mosaic.version = 14 : i64} {
  func.func @_xpass_body(%arg0: i32, %arg1: memref<512x16xf32, #tpu.memory_space<vmem>>, %arg2: memref<512x16xf32, #tpu.memory_space<vmem>>, %arg3: memref<512x16xf32, #tpu.memory_space<vmem>>, %arg4: memref<512x128xf32, #tpu.memory_space<vmem>>, %arg5: memref<512x128xf32, #tpu.memory_space<vmem>>, %arg6: memref<1x128xf32, #tpu.memory_space<vmem>>, %arg7: memref<1x128xf32, #tpu.memory_space<vmem>>, %arg8: memref<1x128xf32, #tpu.memory_space<vmem>>, %arg9: memref<1x128xf32, #tpu.memory_space<vmem>>, %arg10: memref<128x8xf32, #tpu.memory_space<vmem>>, %arg11: memref<1x128xf32, #tpu.memory_space<vmem>>, %arg12: memref<128x128xf32, #tpu.memory_space<vmem>>, %arg13: memref<512x128xf32, #tpu.memory_space<vmem>>, %arg14: memref<1x128xf32, #tpu.memory_space<vmem>>, %arg15: memref<1x128xf32, #tpu.memory_space<vmem>>) attributes {dimension_semantics = [#tpu.dimension_semantics<arbitrary>], iteration_bounds = array<i64: 20>, scalar_prefetch = 0 : i64, scratch_operands = 0 : i64, tpu.core_type = #tpu.core_type<tc>, window_params = [{transform_indices = @transform_0, window_bounds = array<i64: 512, 16>}, {transform_indices = @transform_1, window_bounds = array<i64: 512, 16>}, {transform_indices = @transform_2, window_bounds = array<i64: 512, 16>}, {transform_indices = @transform_3, window_bounds = array<i64: 512, 128>}, {transform_indices = @transform_4, window_bounds = array<i64: 512, 128>}, {pipeline_mode = #tpu.pipeline_mode<synchronous>, transform_indices = @transform_5, window_bounds = array<i64: 1, 128>}, {pipeline_mode = #tpu.pipeline_mode<synchronous>, transform_indices = @transform_6, window_bounds = array<i64: 1, 128>}, {pipeline_mode = #tpu.pipeline_mode<synchronous>, transform_indices = @transform_7, window_bounds = array<i64: 1, 128>}, {pipeline_mode = #tpu.pipeline_mode<synchronous>, transform_indices = @transform_8, window_bounds = array<i64: 1, 128>}, {pipeline_mode = #tpu.pipeline_mode<synchronous>, transform_indices = @transform_9, window_bounds = array<i64: 128, 8>}, {pipeline_mode = #tpu.pipeline_mode<synchronous>, transform_indices = @transform_10, window_bounds = array<i64: 1, 128>}, {pipeline_mode = #tpu.pipeline_mode<synchronous>, transform_indices = @transform_11, window_bounds = array<i64: 128, 128>}, {transform_indices = @transform_12, window_bounds = array<i64: 512, 128>}, {pipeline_mode = #tpu.pipeline_mode<synchronous>, transform_indices = @transform_13, window_bounds = array<i64: 1, 128>}, {pipeline_mode = #tpu.pipeline_mode<synchronous>, transform_indices = @transform_14, window_bounds = array<i64: 1, 128>}]} {
    %eq3A = arith.constant 0 : i32
    %eq3A_0 = arith.cmpi eq, %arg0, %eq3A : i32
    %convert_element_type3A = arith.extui %eq3A_0 : i1 to i32
    %cond3A = arith.constant 0 : i32
    %cond3A_1 = arith.cmpi ne, %convert_element_type3A, %cond3A : i32
    scf.if %cond3A_1 {
      %broadcast_in_dim3A_246 = arith.constant 0.000000e+00 : f32
      %broadcast_in_dim3A_247 = vector.broadcast %broadcast_in_dim3A_246 : f32 to vector<1x128xf32>
      %swap3A_248 = arith.constant 0 : index
      %swap3A_249 = arith.constant 0 : index
      %swap3A_250 = vector.load %arg14[%swap3A_248, %swap3A_249] : memref<1x128xf32, #tpu.memory_space<vmem>>, vector<1x128xf32>
      tpu.vector_store %arg14[%swap3A_248, %swap3A_249], %broadcast_in_dim3A_247 {strides = array<i32>} : memref<1x128xf32, #tpu.memory_space<vmem>>, vector<1x128xf32>,
      %broadcast_in_dim3A_251 = arith.constant 0.000000e+00 : f32
      %broadcast_in_dim3A_252 = vector.broadcast %broadcast_in_dim3A_251 : f32 to vector<1x128xf32>
      %swap3A_253 = arith.constant 0 : index
      %swap3A_254 = arith.constant 0 : index
      %swap3A_255 = vector.load %arg15[%swap3A_253, %swap3A_254] : memref<1x128xf32, #tpu.memory_space<vmem>>, vector<1x128xf32>
      tpu.vector_store %arg15[%swap3A_253, %swap3A_254], %broadcast_in_dim3A_252 {strides = array<i32>} : memref<1x128xf32, #tpu.memory_space<vmem>>, vector<1x128xf32>,
    } else {
    }
    %get3A = arith.constant 0 : index
    %get3A_2 = arith.constant 0 : index
    %get3A_3 = vector.load %arg1[%get3A, %get3A_2] : memref<512x16xf32, #tpu.memory_space<vmem>>, vector<512x16xf32>
    %get3A_4 = arith.constant 0 : index
    %get3A_5 = arith.constant 0 : index
    %get3A_6 = vector.load %arg2[%get3A_4, %get3A_5] : memref<512x16xf32, #tpu.memory_space<vmem>>, vector<512x16xf32>
    %get3A_7 = arith.constant 0 : index
    %get3A_8 = arith.constant 0 : index
    %get3A_9 = vector.load %arg3[%get3A_7, %get3A_8] : memref<512x16xf32, #tpu.memory_space<vmem>>, vector<512x16xf32>
    %get3A_10 = arith.constant 0 : index
    %get3A_11 = arith.constant 0 : index
    %get3A_12 = vector.load %arg6[%get3A_10, %get3A_11] : memref<1x128xf32, #tpu.memory_space<vmem>>, vector<1x128xf32>
    %get3A_13 = arith.constant 0 : index
    %get3A_14 = arith.constant 0 : index
    %get3A_15 = vector.load %arg7[%get3A_13, %get3A_14] : memref<1x128xf32, #tpu.memory_space<vmem>>, vector<1x128xf32>
    %get3A_16 = arith.constant 0 : index
    %get3A_17 = arith.constant 0 : index
    %get3A_18 = vector.load %arg8[%get3A_16, %get3A_17] : memref<1x128xf32, #tpu.memory_space<vmem>>, vector<1x128xf32>
    %get3A_19 = arith.constant 0 : index
    %get3A_20 = arith.constant 0 : index
    %get3A_21 = vector.load %arg9[%get3A_19, %get3A_20] : memref<1x128xf32, #tpu.memory_space<vmem>>, vector<1x128xf32>
    %broadcast_in_dim3A = vector.shape_cast %get3A_3 : vector<512x16xf32> to vector<512x16x1xf32>
    %broadcast_in_dim3A_22 = vector.shape_cast %get3A_12 : vector<1x128xf32> to vector<1x1x128xf32>
    %mul3A = vector.broadcast %broadcast_in_dim3A : vector<512x16x1xf32> to vector<512x16x128xf32>
    %mul3A_23 = vector.broadcast %broadcast_in_dim3A_22 : vector<1x1x128xf32> to vector<512x16x128xf32>
    %mul3A_24 = arith.mulf %mul3A, %mul3A_23 : vector<512x16x128xf32>
    %broadcast_in_dim3A_25 = vector.shape_cast %get3A_6 : vector<512x16xf32> to vector<512x16x1xf32>
    %broadcast_in_dim3A_26 = vector.shape_cast %get3A_15 : vector<1x128xf32> to vector<1x1x128xf32>
    %mul3A_27 = vector.broadcast %broadcast_in_dim3A_25 : vector<512x16x1xf32> to vector<512x16x128xf32>
    %mul3A_28 = vector.broadcast %broadcast_in_dim3A_26 : vector<1x1x128xf32> to vector<512x16x128xf32>
    %mul3A_29 = arith.mulf %mul3A_27, %mul3A_28 : vector<512x16x128xf32>
    %add3A = arith.addf %mul3A_24, %mul3A_29 : vector<512x16x128xf32>
    %broadcast_in_dim3A_30 = vector.shape_cast %get3A_9 : vector<512x16xf32> to vector<512x16x1xf32>
    %broadcast_in_dim3A_31 = vector.shape_cast %get3A_18 : vector<1x128xf32> to vector<1x1x128xf32>
    %mul3A_32 = vector.broadcast %broadcast_in_dim3A_30 : vector<512x16x1xf32> to vector<512x16x128xf32>
    %mul3A_33 = vector.broadcast %broadcast_in_dim3A_31 : vector<1x1x128xf32> to vector<512x16x128xf32>
    %mul3A_34 = arith.mulf %mul3A_32, %mul3A_33 : vector<512x16x128xf32>
    %add3A_35 = arith.addf %add3A, %mul3A_34 : vector<512x16x128xf32>
    %broadcast_in_dim3A_36 = vector.shape_cast %get3A_21 : vector<1x128xf32> to vector<1x1x128xf32>
    %add3A_37 = vector.broadcast %broadcast_in_dim3A_36 : vector<1x1x128xf32> to vector<512x16x128xf32>
    %add3A_38 = arith.addf %add3A_35, %add3A_37 : vector<512x16x128xf32>
    %max3A = arith.constant 0.000000e+00 : f32
    %max3A_39 = vector.broadcast %max3A : f32 to vector<512x16x128xf32>
    %max3A_40 = arith.maximumf %add3A_38, %max3A_39 : vector<512x16x128xf32>
    %get3A_41 = arith.constant 0 : index
    %get3A_42 = arith.constant 0 : index
    %get3A_43 = vector.load %arg10[%get3A_41, %get3A_42] : memref<128x8xf32, #tpu.memory_space<vmem>>, vector<128x8xf32>
    %broadcast_in_dim3A_44 = arith.constant 0.000000e+00 : f32
    %broadcast_in_dim3A_45 = vector.broadcast %broadcast_in_dim3A_44 : f32 to vector<512x128xf32>
    %slice3A = vector.extract_strided_slice %max3A_40 {offsets = [0, 0, 0], sizes = [512, 1, 128], strides = [1, 1, 1]} : vector<512x16x128xf32> to vector<512x1x128xf32>
    %squeeze3A = vector.shape_cast %slice3A : vector<512x1x128xf32> to vector<512x128xf32>
    %dot_general3A = arith.constant dense<0.000000e+00> : vector<512x8xf32>
    %dot_general3A_46 = tpu.matmul %squeeze3A, %get3A_43, %dot_general3A {dimension_numbers = #tpu.dot_dimension_numbers<[1], [0], [0], [1], [0, 0, 1, 1], [], []>, transpose_lhs_hint = false} : vector<512x128xf32>, vector<128x8xf32>, vector<512x8xf32> -> vector<512x8xf32>
    %get3A_47 = arith.constant 0 : index
    %get3A_48 = arith.constant 0 : index
    %get3A_49 = vector.load %arg12[%get3A_47, %get3A_48] : memref<128x128xf32, #tpu.memory_space<vmem>>, vector<8x128xf32>
    %dot_general3A_50 = arith.constant dense<0.000000e+00> : vector<512x128xf32>
    %dot_general3A_51 = tpu.matmul %dot_general3A_46, %get3A_49, %dot_general3A_50 {dimension_numbers = #tpu.dot_dimension_numbers<[1], [0], [0], [1], [0, 0, 1, 1], [], []>, transpose_lhs_hint = false} : vector<512x8xf32>, vector<8x128xf32>, vector<512x128xf32> -> vector<512x128xf32>
    %add3A_52 = arith.addf %broadcast_in_dim3A_45, %dot_general3A_51 : vector<512x128xf32>
    %slice3A_53 = vector.extract_strided_slice %max3A_40 {offsets = [0, 1, 0], sizes = [512, 1, 128], strides = [1, 1, 1]} : vector<512x16x128xf32> to vector<512x1x128xf32>
    %squeeze3A_54 = vector.shape_cast %slice3A_53 : vector<512x1x128xf32> to vector<512x128xf32>
    %dot_general3A_55 = arith.constant dense<0.000000e+00> : vector<512x8xf32>
    %dot_general3A_56 = tpu.matmul %squeeze3A_54, %get3A_43, %dot_general3A_55 {dimension_numbers = #tpu.dot_dimension_numbers<[1], [0], [0], [1], [0, 0, 1, 1], [], []>, transpose_lhs_hint = false} : vector<512x128xf32>, vector<128x8xf32>, vector<512x8xf32> -> vector<512x8xf32>
    %get3A_57 = arith.constant 8 : index
    %get3A_58 = arith.constant 0 : index
    %get3A_59 = vector.load %arg12[%get3A_57, %get3A_58] : memref<128x128xf32, #tpu.memory_space<vmem>>, vector<8x128xf32>
    %dot_general3A_60 = arith.constant dense<0.000000e+00> : vector<512x128xf32>
    %dot_general3A_61 = tpu.matmul %dot_general3A_56, %get3A_59, %dot_general3A_60 {dimension_numbers = #tpu.dot_dimension_numbers<[1], [0], [0], [1], [0, 0, 1, 1], [], []>, transpose_lhs_hint = false} : vector<512x8xf32>, vector<8x128xf32>, vector<512x128xf32> -> vector<512x128xf32>
    %add3A_62 = arith.addf %add3A_52, %dot_general3A_61 : vector<512x128xf32>
    %slice3A_63 = vector.extract_strided_slice %max3A_40 {offsets = [0, 2, 0], sizes = [512, 1, 128], strides = [1, 1, 1]} : vector<512x16x128xf32> to vector<512x1x128xf32>
    %squeeze3A_64 = vector.shape_cast %slice3A_63 : vector<512x1x128xf32> to vector<512x128xf32>
    %dot_general3A_65 = arith.constant dense<0.000000e+00> : vector<512x8xf32>
    %dot_general3A_66 = tpu.matmul %squeeze3A_64, %get3A_43, %dot_general3A_65 {dimension_numbers = #tpu.dot_dimension_numbers<[1], [0], [0], [1], [0, 0, 1, 1], [], []>, transpose_lhs_hint = false} : vector<512x128xf32>, vector<128x8xf32>, vector<512x8xf32> -> vector<512x8xf32>
    %get3A_67 = arith.constant 16 : index
    %get3A_68 = arith.constant 0 : index
    %get3A_69 = vector.load %arg12[%get3A_67, %get3A_68] : memref<128x128xf32, #tpu.memory_space<vmem>>, vector<8x128xf32>
    %dot_general3A_70 = arith.constant dense<0.000000e+00> : vector<512x128xf32>
    %dot_general3A_71 = tpu.matmul %dot_general3A_66, %get3A_69, %dot_general3A_70 {dimension_numbers = #tpu.dot_dimension_numbers<[1], [0], [0], [1], [0, 0, 1, 1], [], []>, transpose_lhs_hint = false} : vector<512x8xf32>, vector<8x128xf32>, vector<512x128xf32> -> vector<512x128xf32>
    %add3A_72 = arith.addf %add3A_62, %dot_general3A_71 : vector<512x128xf32>
    %slice3A_73 = vector.extract_strided_slice %max3A_40 {offsets = [0, 3, 0], sizes = [512, 1, 128], strides = [1, 1, 1]} : vector<512x16x128xf32> to vector<512x1x128xf32>
    %squeeze3A_74 = vector.shape_cast %slice3A_73 : vector<512x1x128xf32> to vector<512x128xf32>
    %dot_general3A_75 = arith.constant dense<0.000000e+00> : vector<512x8xf32>
    %dot_general3A_76 = tpu.matmul %squeeze3A_74, %get3A_43, %dot_general3A_75 {dimension_numbers = #tpu.dot_dimension_numbers<[1], [0], [0], [1], [0, 0, 1, 1], [], []>, transpose_lhs_hint = false} : vector<512x128xf32>, vector<128x8xf32>, vector<512x8xf32> -> vector<512x8xf32>
    %get3A_77 = arith.constant 24 : index
    %get3A_78 = arith.constant 0 : index
    %get3A_79 = vector.load %arg12[%get3A_77, %get3A_78] : memref<128x128xf32, #tpu.memory_space<vmem>>, vector<8x128xf32>
    %dot_general3A_80 = arith.constant dense<0.000000e+00> : vector<512x128xf32>
    %dot_general3A_81 = tpu.matmul %dot_general3A_76, %get3A_79, %dot_general3A_80 {dimension_numbers = #tpu.dot_dimension_numbers<[1], [0], [0], [1], [0, 0, 1, 1], [], []>, transpose_lhs_hint = false} : vector<512x8xf32>, vector<8x128xf32>, vector<512x128xf32> -> vector<512x128xf32>
    %add3A_82 = arith.addf %add3A_72, %dot_general3A_81 : vector<512x128xf32>
    %slice3A_83 = vector.extract_strided_slice %max3A_40 {offsets = [0, 4, 0], sizes = [512, 1, 128], strides = [1, 1, 1]} : vector<512x16x128xf32> to vector<512x1x128xf32>
    %squeeze3A_84 = vector.shape_cast %slice3A_83 : vector<512x1x128xf32> to vector<512x128xf32>
    %dot_general3A_85 = arith.constant dense<0.000000e+00> : vector<512x8xf32>
    %dot_general3A_86 = tpu.matmul %squeeze3A_84, %get3A_43, %dot_general3A_85 {dimension_numbers = #tpu.dot_dimension_numbers<[1], [0], [0], [1], [0, 0, 1, 1], [], []>, transpose_lhs_hint = false} : vector<512x128xf32>, vector<128x8xf32>, vector<512x8xf32> -> vector<512x8xf32>
    %get3A_87 = arith.constant 32 : index
    %get3A_88 = arith.constant 0 : index
    %get3A_89 = vector.load %arg12[%get3A_87, %get3A_88] : memref<128x128xf32, #tpu.memory_space<vmem>>, vector<8x128xf32>
    %dot_general3A_90 = arith.constant dense<0.000000e+00> : vector<512x128xf32>
    %dot_general3A_91 = tpu.matmul %dot_general3A_86, %get3A_89, %dot_general3A_90 {dimension_numbers = #tpu.dot_dimension_numbers<[1], [0], [0], [1], [0, 0, 1, 1], [], []>, transpose_lhs_hint = false} : vector<512x8xf32>, vector<8x128xf32>, vector<512x128xf32> -> vector<512x128xf32>
    %add3A_92 = arith.addf %add3A_82, %dot_general3A_91 : vector<512x128xf32>
    %slice3A_93 = vector.extract_strided_slice %max3A_40 {offsets = [0, 5, 0], sizes = [512, 1, 128], strides = [1, 1, 1]} : vector<512x16x128xf32> to vector<512x1x128xf32>
    %squeeze3A_94 = vector.shape_cast %slice3A_93 : vector<512x1x128xf32> to vector<512x128xf32>
    %dot_general3A_95 = arith.constant dense<0.000000e+00> : vector<512x8xf32>
    %dot_general3A_96 = tpu.matmul %squeeze3A_94, %get3A_43, %dot_general3A_95 {dimension_numbers = #tpu.dot_dimension_numbers<[1], [0], [0], [1], [0, 0, 1, 1], [], []>, transpose_lhs_hint = false} : vector<512x128xf32>, vector<128x8xf32>, vector<512x8xf32> -> vector<512x8xf32>
    %get3A_97 = arith.constant 40 : index
    %get3A_98 = arith.constant 0 : index
    %get3A_99 = vector.load %arg12[%get3A_97, %get3A_98] : memref<128x128xf32, #tpu.memory_space<vmem>>, vector<8x128xf32>
    %dot_general3A_100 = arith.constant dense<0.000000e+00> : vector<512x128xf32>
    %dot_general3A_101 = tpu.matmul %dot_general3A_96, %get3A_99, %dot_general3A_100 {dimension_numbers = #tpu.dot_dimension_numbers<[1], [0], [0], [1], [0, 0, 1, 1], [], []>, transpose_lhs_hint = false} : vector<512x8xf32>, vector<8x128xf32>, vector<512x128xf32> -> vector<512x128xf32>
    %add3A_102 = arith.addf %add3A_92, %dot_general3A_101 : vector<512x128xf32>
    %slice3A_103 = vector.extract_strided_slice %max3A_40 {offsets = [0, 6, 0], sizes = [512, 1, 128], strides = [1, 1, 1]} : vector<512x16x128xf32> to vector<512x1x128xf32>
    %squeeze3A_104 = vector.shape_cast %slice3A_103 : vector<512x1x128xf32> to vector<512x128xf32>
    %dot_general3A_105 = arith.constant dense<0.000000e+00> : vector<512x8xf32>
    %dot_general3A_106 = tpu.matmul %squeeze3A_104, %get3A_43, %dot_general3A_105 {dimension_numbers = #tpu.dot_dimension_numbers<[1], [0], [0], [1], [0, 0, 1, 1], [], []>, transpose_lhs_hint = false} : vector<512x128xf32>, vector<128x8xf32>, vector<512x8xf32> -> vector<512x8xf32>
    %get3A_107 = arith.constant 48 : index
    %get3A_108 = arith.constant 0 : index
    %get3A_109 = vector.load %arg12[%get3A_107, %get3A_108] : memref<128x128xf32, #tpu.memory_space<vmem>>, vector<8x128xf32>
    %dot_general3A_110 = arith.constant dense<0.000000e+00> : vector<512x128xf32>
    %dot_general3A_111 = tpu.matmul %dot_general3A_106, %get3A_109, %dot_general3A_110 {dimension_numbers = #tpu.dot_dimension_numbers<[1], [0], [0], [1], [0, 0, 1, 1], [], []>, transpose_lhs_hint = false} : vector<512x8xf32>, vector<8x128xf32>, vector<512x128xf32> -> vector<512x128xf32>
    %add3A_112 = arith.addf %add3A_102, %dot_general3A_111 : vector<512x128xf32>
    %slice3A_113 = vector.extract_strided_slice %max3A_40 {offsets = [0, 7, 0], sizes = [512, 1, 128], strides = [1, 1, 1]} : vector<512x16x128xf32> to vector<512x1x128xf32>
    %squeeze3A_114 = vector.shape_cast %slice3A_113 : vector<512x1x128xf32> to vector<512x128xf32>
    %dot_general3A_115 = arith.constant dense<0.000000e+00> : vector<512x8xf32>
    %dot_general3A_116 = tpu.matmul %squeeze3A_114, %get3A_43, %dot_general3A_115 {dimension_numbers = #tpu.dot_dimension_numbers<[1], [0], [0], [1], [0, 0, 1, 1], [], []>, transpose_lhs_hint = false} : vector<512x128xf32>, vector<128x8xf32>, vector<512x8xf32> -> vector<512x8xf32>
    %get3A_117 = arith.constant 56 : index
    %get3A_118 = arith.constant 0 : index
    %get3A_119 = vector.load %arg12[%get3A_117, %get3A_118] : memref<128x128xf32, #tpu.memory_space<vmem>>, vector<8x128xf32>
    %dot_general3A_120 = arith.constant dense<0.000000e+00> : vector<512x128xf32>
    %dot_general3A_121 = tpu.matmul %dot_general3A_116, %get3A_119, %dot_general3A_120 {dimension_numbers = #tpu.dot_dimension_numbers<[1], [0], [0], [1], [0, 0, 1, 1], [], []>, transpose_lhs_hint = false} : vector<512x8xf32>, vector<8x128xf32>, vector<512x128xf32> -> vector<512x128xf32>
    %add3A_122 = arith.addf %add3A_112, %dot_general3A_121 : vector<512x128xf32>
    %slice3A_123 = vector.extract_strided_slice %max3A_40 {offsets = [0, 8, 0], sizes = [512, 1, 128], strides = [1, 1, 1]} : vector<512x16x128xf32> to vector<512x1x128xf32>
    %squeeze3A_124 = vector.shape_cast %slice3A_123 : vector<512x1x128xf32> to vector<512x128xf32>
    %dot_general3A_125 = arith.constant dense<0.000000e+00> : vector<512x8xf32>
    %dot_general3A_126 = tpu.matmul %squeeze3A_124, %get3A_43, %dot_general3A_125 {dimension_numbers = #tpu.dot_dimension_numbers<[1], [0], [0], [1], [0, 0, 1, 1], [], []>, transpose_lhs_hint = false} : vector<512x128xf32>, vector<128x8xf32>, vector<512x8xf32> -> vector<512x8xf32>
    %get3A_127 = arith.constant 64 : index
    %get3A_128 = arith.constant 0 : index
    %get3A_129 = vector.load %arg12[%get3A_127, %get3A_128] : memref<128x128xf32, #tpu.memory_space<vmem>>, vector<8x128xf32>
    %dot_general3A_130 = arith.constant dense<0.000000e+00> : vector<512x128xf32>
    %dot_general3A_131 = tpu.matmul %dot_general3A_126, %get3A_129, %dot_general3A_130 {dimension_numbers = #tpu.dot_dimension_numbers<[1], [0], [0], [1], [0, 0, 1, 1], [], []>, transpose_lhs_hint = false} : vector<512x8xf32>, vector<8x128xf32>, vector<512x128xf32> -> vector<512x128xf32>
    %add3A_132 = arith.addf %add3A_122, %dot_general3A_131 : vector<512x128xf32>
    %slice3A_133 = vector.extract_strided_slice %max3A_40 {offsets = [0, 9, 0], sizes = [512, 1, 128], strides = [1, 1, 1]} : vector<512x16x128xf32> to vector<512x1x128xf32>
    %squeeze3A_134 = vector.shape_cast %slice3A_133 : vector<512x1x128xf32> to vector<512x128xf32>
    %dot_general3A_135 = arith.constant dense<0.000000e+00> : vector<512x8xf32>
    %dot_general3A_136 = tpu.matmul %squeeze3A_134, %get3A_43, %dot_general3A_135 {dimension_numbers = #tpu.dot_dimension_numbers<[1], [0], [0], [1], [0, 0, 1, 1], [], []>, transpose_lhs_hint = false} : vector<512x128xf32>, vector<128x8xf32>, vector<512x8xf32> -> vector<512x8xf32>
    %get3A_137 = arith.constant 72 : index
    %get3A_138 = arith.constant 0 : index
    %get3A_139 = vector.load %arg12[%get3A_137, %get3A_138] : memref<128x128xf32, #tpu.memory_space<vmem>>, vector<8x128xf32>
    %dot_general3A_140 = arith.constant dense<0.000000e+00> : vector<512x128xf32>
    %dot_general3A_141 = tpu.matmul %dot_general3A_136, %get3A_139, %dot_general3A_140 {dimension_numbers = #tpu.dot_dimension_numbers<[1], [0], [0], [1], [0, 0, 1, 1], [], []>, transpose_lhs_hint = false} : vector<512x8xf32>, vector<8x128xf32>, vector<512x128xf32> -> vector<512x128xf32>
    %add3A_142 = arith.addf %add3A_132, %dot_general3A_141 : vector<512x128xf32>
    %slice3A_143 = vector.extract_strided_slice %max3A_40 {offsets = [0, 10, 0], sizes = [512, 1, 128], strides = [1, 1, 1]} : vector<512x16x128xf32> to vector<512x1x128xf32>
    %squeeze3A_144 = vector.shape_cast %slice3A_143 : vector<512x1x128xf32> to vector<512x128xf32>
    %dot_general3A_145 = arith.constant dense<0.000000e+00> : vector<512x8xf32>
    %dot_general3A_146 = tpu.matmul %squeeze3A_144, %get3A_43, %dot_general3A_145 {dimension_numbers = #tpu.dot_dimension_numbers<[1], [0], [0], [1], [0, 0, 1, 1], [], []>, transpose_lhs_hint = false} : vector<512x128xf32>, vector<128x8xf32>, vector<512x8xf32> -> vector<512x8xf32>
    %get3A_147 = arith.constant 80 : index
    %get3A_148 = arith.constant 0 : index
    %get3A_149 = vector.load %arg12[%get3A_147, %get3A_148] : memref<128x128xf32, #tpu.memory_space<vmem>>, vector<8x128xf32>
    %dot_general3A_150 = arith.constant dense<0.000000e+00> : vector<512x128xf32>
    %dot_general3A_151 = tpu.matmul %dot_general3A_146, %get3A_149, %dot_general3A_150 {dimension_numbers = #tpu.dot_dimension_numbers<[1], [0], [0], [1], [0, 0, 1, 1], [], []>, transpose_lhs_hint = false} : vector<512x8xf32>, vector<8x128xf32>, vector<512x128xf32> -> vector<512x128xf32>
    %add3A_152 = arith.addf %add3A_142, %dot_general3A_151 : vector<512x128xf32>
    %slice3A_153 = vector.extract_strided_slice %max3A_40 {offsets = [0, 11, 0], sizes = [512, 1, 128], strides = [1, 1, 1]} : vector<512x16x128xf32> to vector<512x1x128xf32>
    %squeeze3A_154 = vector.shape_cast %slice3A_153 : vector<512x1x128xf32> to vector<512x128xf32>
    %dot_general3A_155 = arith.constant dense<0.000000e+00> : vector<512x8xf32>
    %dot_general3A_156 = tpu.matmul %squeeze3A_154, %get3A_43, %dot_general3A_155 {dimension_numbers = #tpu.dot_dimension_numbers<[1], [0], [0], [1], [0, 0, 1, 1], [], []>, transpose_lhs_hint = false} : vector<512x128xf32>, vector<128x8xf32>, vector<512x8xf32> -> vector<512x8xf32>
    %get3A_157 = arith.constant 88 : index
    %get3A_158 = arith.constant 0 : index
    %get3A_159 = vector.load %arg12[%get3A_157, %get3A_158] : memref<128x128xf32, #tpu.memory_space<vmem>>, vector<8x128xf32>
    %dot_general3A_160 = arith.constant dense<0.000000e+00> : vector<512x128xf32>
    %dot_general3A_161 = tpu.matmul %dot_general3A_156, %get3A_159, %dot_general3A_160 {dimension_numbers = #tpu.dot_dimension_numbers<[1], [0], [0], [1], [0, 0, 1, 1], [], []>, transpose_lhs_hint = false} : vector<512x8xf32>, vector<8x128xf32>, vector<512x128xf32> -> vector<512x128xf32>
    %add3A_162 = arith.addf %add3A_152, %dot_general3A_161 : vector<512x128xf32>
    %slice3A_163 = vector.extract_strided_slice %max3A_40 {offsets = [0, 12, 0], sizes = [512, 1, 128], strides = [1, 1, 1]} : vector<512x16x128xf32> to vector<512x1x128xf32>
    %squeeze3A_164 = vector.shape_cast %slice3A_163 : vector<512x1x128xf32> to vector<512x128xf32>
    %dot_general3A_165 = arith.constant dense<0.000000e+00> : vector<512x8xf32>
    %dot_general3A_166 = tpu.matmul %squeeze3A_164, %get3A_43, %dot_general3A_165 {dimension_numbers = #tpu.dot_dimension_numbers<[1], [0], [0], [1], [0, 0, 1, 1], [], []>, transpose_lhs_hint = false} : vector<512x128xf32>, vector<128x8xf32>, vector<512x8xf32> -> vector<512x8xf32>
    %get3A_167 = arith.constant 96 : index
    %get3A_168 = arith.constant 0 : index
    %get3A_169 = vector.load %arg12[%get3A_167, %get3A_168] : memref<128x128xf32, #tpu.memory_space<vmem>>, vector<8x128xf32>
    %dot_general3A_170 = arith.constant dense<0.000000e+00> : vector<512x128xf32>
    %dot_general3A_171 = tpu.matmul %dot_general3A_166, %get3A_169, %dot_general3A_170 {dimension_numbers = #tpu.dot_dimension_numbers<[1], [0], [0], [1], [0, 0, 1, 1], [], []>, transpose_lhs_hint = false} : vector<512x8xf32>, vector<8x128xf32>, vector<512x128xf32> -> vector<512x128xf32>
    %add3A_172 = arith.addf %add3A_162, %dot_general3A_171 : vector<512x128xf32>
    %slice3A_173 = vector.extract_strided_slice %max3A_40 {offsets = [0, 13, 0], sizes = [512, 1, 128], strides = [1, 1, 1]} : vector<512x16x128xf32> to vector<512x1x128xf32>
    %squeeze3A_174 = vector.shape_cast %slice3A_173 : vector<512x1x128xf32> to vector<512x128xf32>
    %dot_general3A_175 = arith.constant dense<0.000000e+00> : vector<512x8xf32>
    %dot_general3A_176 = tpu.matmul %squeeze3A_174, %get3A_43, %dot_general3A_175 {dimension_numbers = #tpu.dot_dimension_numbers<[1], [0], [0], [1], [0, 0, 1, 1], [], []>, transpose_lhs_hint = false} : vector<512x128xf32>, vector<128x8xf32>, vector<512x8xf32> -> vector<512x8xf32>
    %get3A_177 = arith.constant 104 : index
    %get3A_178 = arith.constant 0 : index
    %get3A_179 = vector.load %arg12[%get3A_177, %get3A_178] : memref<128x128xf32, #tpu.memory_space<vmem>>, vector<8x128xf32>
    %dot_general3A_180 = arith.constant dense<0.000000e+00> : vector<512x128xf32>
    %dot_general3A_181 = tpu.matmul %dot_general3A_176, %get3A_179, %dot_general3A_180 {dimension_numbers = #tpu.dot_dimension_numbers<[1], [0], [0], [1], [0, 0, 1, 1], [], []>, transpose_lhs_hint = false} : vector<512x8xf32>, vector<8x128xf32>, vector<512x128xf32> -> vector<512x128xf32>
    %add3A_182 = arith.addf %add3A_172, %dot_general3A_181 : vector<512x128xf32>
    %slice3A_183 = vector.extract_strided_slice %max3A_40 {offsets = [0, 14, 0], sizes = [512, 1, 128], strides = [1, 1, 1]} : vector<512x16x128xf32> to vector<512x1x128xf32>
    %squeeze3A_184 = vector.shape_cast %slice3A_183 : vector<512x1x128xf32> to vector<512x128xf32>
    %dot_general3A_185 = arith.constant dense<0.000000e+00> : vector<512x8xf32>
    %dot_general3A_186 = tpu.matmul %squeeze3A_184, %get3A_43, %dot_general3A_185 {dimension_numbers = #tpu.dot_dimension_numbers<[1], [0], [0], [1], [0, 0, 1, 1], [], []>, transpose_lhs_hint = false} : vector<512x128xf32>, vector<128x8xf32>, vector<512x8xf32> -> vector<512x8xf32>
    %get3A_187 = arith.constant 112 : index
    %get3A_188 = arith.constant 0 : index
    %get3A_189 = vector.load %arg12[%get3A_187, %get3A_188] : memref<128x128xf32, #tpu.memory_space<vmem>>, vector<8x128xf32>
    %dot_general3A_190 = arith.constant dense<0.000000e+00> : vector<512x128xf32>
    %dot_general3A_191 = tpu.matmul %dot_general3A_186, %get3A_189, %dot_general3A_190 {dimension_numbers = #tpu.dot_dimension_numbers<[1], [0], [0], [1], [0, 0, 1, 1], [], []>, transpose_lhs_hint = false} : vector<512x8xf32>, vector<8x128xf32>, vector<512x128xf32> -> vector<512x128xf32>
    %add3A_192 = arith.addf %add3A_182, %dot_general3A_191 : vector<512x128xf32>
    %slice3A_193 = vector.extract_strided_slice %max3A_40 {offsets = [0, 15, 0], sizes = [512, 1, 128], strides = [1, 1, 1]} : vector<512x16x128xf32> to vector<512x1x128xf32>
    %squeeze3A_194 = vector.shape_cast %slice3A_193 : vector<512x1x128xf32> to vector<512x128xf32>
    %dot_general3A_195 = arith.constant dense<0.000000e+00> : vector<512x8xf32>
    %dot_general3A_196 = tpu.matmul %squeeze3A_194, %get3A_43, %dot_general3A_195 {dimension_numbers = #tpu.dot_dimension_numbers<[1], [0], [0], [1], [0, 0, 1, 1], [], []>, transpose_lhs_hint = false} : vector<512x128xf32>, vector<128x8xf32>, vector<512x8xf32> -> vector<512x8xf32>
    %get3A_197 = arith.constant 120 : index
    %get3A_198 = arith.constant 0 : index
    %get3A_199 = vector.load %arg12[%get3A_197, %get3A_198] : memref<128x128xf32, #tpu.memory_space<vmem>>, vector<8x128xf32>
    %dot_general3A_200 = arith.constant dense<0.000000e+00> : vector<512x128xf32>
    %dot_general3A_201 = tpu.matmul %dot_general3A_196, %get3A_199, %dot_general3A_200 {dimension_numbers = #tpu.dot_dimension_numbers<[1], [0], [0], [1], [0, 0, 1, 1], [], []>, transpose_lhs_hint = false} : vector<512x8xf32>, vector<8x128xf32>, vector<512x128xf32> -> vector<512x128xf32>
    %add3A_202 = arith.addf %add3A_192, %dot_general3A_201 : vector<512x128xf32>
    %get3A_203 = arith.constant 0 : index
    %get3A_204 = arith.constant 0 : index
    %get3A_205 = vector.load %arg4[%get3A_203, %get3A_204] : memref<512x128xf32, #tpu.memory_space<vmem>>, vector<512x128xf32>
    %get3A_206 = arith.constant 0 : index
    %get3A_207 = arith.constant 0 : index
    %get3A_208 = vector.load %arg5[%get3A_206, %get3A_207] : memref<512x128xf32, #tpu.memory_space<vmem>>, vector<512x128xf32>
    %sub3A = arith.subf %get3A_205, %get3A_208 : vector<512x128xf32>
    %add3A_209 = arith.addf %sub3A, %add3A_202 : vector<512x128xf32>
    %get3A_210 = arith.constant 0 : index
    %get3A_211 = arith.constant 0 : index
    %get3A_212 = vector.load %arg11[%get3A_210, %get3A_211] : memref<1x128xf32, #tpu.memory_space<vmem>>, vector<1x128xf32>
    %add3A_213 = vector.broadcast %get3A_212 : vector<1x128xf32> to vector<512x128xf32>
    %add3A_214 = arith.addf %add3A_209, %add3A_213 : vector<512x128xf32>
    %swap3A = arith.constant 0 : index
    %swap3A_215 = arith.constant 0 : index
    %swap3A_216 = vector.load %arg13[%swap3A, %swap3A_215] : memref<512x128xf32, #tpu.memory_space<vmem>>, vector<512x128xf32>
    tpu.vector_store %arg13[%swap3A, %swap3A_215], %add3A_214 {strides = array<i32>} : memref<512x128xf32, #tpu.memory_space<vmem>>, vector<512x128xf32>,
    %mul3A_217 = arith.constant 512 : i32
    %mul3A_218 = arith.muli %arg0, %mul3A_217 : i32
    %iota3A = tpu.iota {dimensions = array<i32: 0>} : vector<512x1xi32>
    %add3A_219 = vector.broadcast %mul3A_218 : i32 to vector<512x1xi32>
    %add3A_220 = arith.addi %add3A_219, %iota3A : vector<512x1xi32>
    %lt3A = arith.constant 10000 : i32
    %lt3A_221 = vector.broadcast %lt3A : i32 to vector<512x1xi32>
    %lt3A_222 = arith.cmpi slt, %add3A_220, %lt3A_221 : vector<512x1xi32>
    %jit3A = arith.constant 0.000000e+00 : f32
    %broadcast_in_dim3A_223 = vector.shape_cast %lt3A_222 : vector<512x1xi1> to vector<512x1xi1>
    %broadcast_in_dim3A_224 = vector.broadcast %broadcast_in_dim3A_223 : vector<512x1xi1> to vector<512x128xi1>
    %broadcast_in_dim3A_225 = vector.broadcast %jit3A : f32 to vector<512x128xf32>
    %select_n3A = arith.select %broadcast_in_dim3A_224, %add3A_214, %broadcast_in_dim3A_225 : vector<512x128xi1>, vector<512x128xf32>
    %get3A_226 = arith.constant 0 : index
    %get3A_227 = arith.constant 0 : index
    %get3A_228 = vector.load %arg14[%get3A_226, %get3A_227] : memref<1x128xf32, #tpu.memory_space<vmem>>, vector<1x128xf32>
    %reduce_sum3A = arith.constant dense<0.000000e+00> : vector<128xf32>
    %reduce_sum3A_229 = vector.multi_reduction <add>, %select_n3A, %reduce_sum3A [0] : vector<512x128xf32> to vector<128xf32>
    %broadcast_in_dim3A_230 = vector.shape_cast %reduce_sum3A_229 : vector<128xf32> to vector<1x128xf32>
    %add3A_231 = arith.addf %get3A_228, %broadcast_in_dim3A_230 : vector<1x128xf32>
    %swap3A_232 = arith.constant 0 : index
    %swap3A_233 = arith.constant 0 : index
    %swap3A_234 = vector.load %arg14[%swap3A_232, %swap3A_233] : memref<1x128xf32, #tpu.memory_space<vmem>>, vector<1x128xf32>
    tpu.vector_store %arg14[%swap3A_232, %swap3A_233], %add3A_231 {strides = array<i32>} : memref<1x128xf32, #tpu.memory_space<vmem>>, vector<1x128xf32>,
    %get3A_235 = arith.constant 0 : index
    %get3A_236 = arith.constant 0 : index
    %get3A_237 = vector.load %arg15[%get3A_235, %get3A_236] : memref<1x128xf32, #tpu.memory_space<vmem>>, vector<1x128xf32>
    %mul3A_238 = arith.mulf %select_n3A, %select_n3A : vector<512x128xf32>
    %reduce_sum3A_239 = arith.constant dense<0.000000e+00> : vector<128xf32>
    %reduce_sum3A_240 = vector.multi_reduction <add>, %mul3A_238, %reduce_sum3A_239 [0] : vector<512x128xf32> to vector<128xf32>
    %broadcast_in_dim3A_241 = vector.shape_cast %reduce_sum3A_240 : vector<128xf32> to vector<1x128xf32>
    %add3A_242 = arith.addf %get3A_237, %broadcast_in_dim3A_241 : vector<1x128xf32>
    %swap3A_243 = arith.constant 0 : index
    %swap3A_244 = arith.constant 0 : index
    %swap3A_245 = vector.load %arg15[%swap3A_243, %swap3A_244] : memref<1x128xf32, #tpu.memory_space<vmem>>, vector<1x128xf32>
    tpu.vector_store %arg15[%swap3A_243, %swap3A_244], %add3A_242 {strides = array<i32>} : memref<1x128xf32, #tpu.memory_space<vmem>>, vector<1x128xf32>,
    return
  }
  func.func @transform_0(%arg0: i32) -> (i32, i32) {
    %c0_i32 = arith.constant 0 : i32
    %c0_i32_0 = arith.constant 0 : i32
    return %arg0, %c0_i32 : i32, i32
  }
  func.func @transform_1(%arg0: i32) -> (i32, i32) {
    %c0_i32 = arith.constant 0 : i32
    %c0_i32_0 = arith.constant 0 : i32
    return %arg0, %c0_i32 : i32, i32
  }
  func.func @transform_2(%arg0: i32) -> (i32, i32) {
    %c0_i32 = arith.constant 0 : i32
    %c0_i32_0 = arith.constant 0 : i32
    return %arg0, %c0_i32 : i32, i32
  }
  func.func @transform_3(%arg0: i32) -> (i32, i32) {
    %c0_i32 = arith.constant 0 : i32
    %c0_i32_0 = arith.constant 0 : i32
    return %arg0, %c0_i32 : i32, i32
  }
  func.func @transform_4(%arg0: i32) -> (i32, i32) {
    %c0_i32 = arith.constant 0 : i32
    %c0_i32_0 = arith.constant 0 : i32
    return %arg0, %c0_i32 : i32, i32
  }
  func.func @transform_5(%arg0: i32) -> (i32, i32) {
    %c0_i32 = arith.constant 0 : i32
    %c0_i32_0 = arith.constant 0 : i32
    %c0_i32_1 = arith.constant 0 : i32
    return %c0_i32, %c0_i32_0 : i32, i32
  }
  func.func @transform_6(%arg0: i32) -> (i32, i32) {
    %c0_i32 = arith.constant 0 : i32
    %c0_i32_0 = arith.constant 0 : i32
    %c0_i32_1 = arith.constant 0 : i32
    return %c0_i32, %c0_i32_0 : i32, i32
  }
  func.func @transform_7(%arg0: i32) -> (i32, i32) {
    %c0_i32 = arith.constant 0 : i32
    %c0_i32_0 = arith.constant 0 : i32
    %c0_i32_1 = arith.constant 0 : i32
    return %c0_i32, %c0_i32_0 : i32, i32
  }
  func.func @transform_8(%arg0: i32) -> (i32, i32) {
    %c0_i32 = arith.constant 0 : i32
    %c0_i32_0 = arith.constant 0 : i32
    %c0_i32_1 = arith.constant 0 : i32
    return %c0_i32, %c0_i32_0 : i32, i32
  }
  func.func @transform_9(%arg0: i32) -> (i32, i32) {
    %c0_i32 = arith.constant 0 : i32
    %c0_i32_0 = arith.constant 0 : i32
    %c0_i32_1 = arith.constant 0 : i32
    return %c0_i32, %c0_i32_0 : i32, i32
  }
  func.func @transform_10(%arg0: i32) -> (i32, i32) {
    %c0_i32 = arith.constant 0 : i32
    %c0_i32_0 = arith.constant 0 : i32
    %c0_i32_1 = arith.constant 0 : i32
    return %c0_i32, %c0_i32_0 : i32, i32
  }
  func.func @transform_11(%arg0: i32) -> (i32, i32) {
    %c0_i32 = arith.constant 0 : i32
    %c0_i32_0 = arith.constant 0 : i32
    %c0_i32_1 = arith.constant 0 : i32
    return %c0_i32, %c0_i32_0 : i32, i32
  }
  func.func @transform_12(%arg0: i32) -> (i32, i32) {
    %c0_i32 = arith.constant 0 : i32
    %c0_i32_0 = arith.constant 0 : i32
    return %arg0, %c0_i32 : i32, i32
  }
  func.func @transform_13(%arg0: i32) -> (i32, i32) {
    %c0_i32 = arith.constant 0 : i32
    %c0_i32_0 = arith.constant 0 : i32
    %c0_i32_1 = arith.constant 0 : i32
    return %c0_i32, %c0_i32_0 : i32, i32
  }
  func.func @transform_14(%arg0: i32) -> (i32, i32) {
    %c0_i32 = arith.constant 0 : i32
    %c0_i32_0 = arith.constant 0 : i32
    %c0_i32_1 = arith.constant 0 : i32
    return %c0_i32, %c0_i32_0 : i32, i32
  }
}

module attributes {stable_mosaic.version = 14 : i64} {
  func.func @_attn_body(%arg0: i32, %arg1: memref<512x128xf32, #tpu.memory_space<vmem>>, %arg2: memref<512x16xf32, #tpu.memory_space<vmem>>, %arg3: memref<512x16xf32, #tpu.memory_space<vmem>>, %arg4: memref<512x16xf32, #tpu.memory_space<vmem>>, %arg5: memref<1x128xf32, #tpu.memory_space<vmem>>, %arg6: memref<1x128xf32, #tpu.memory_space<vmem>>, %arg7: memref<128x128xf32, #tpu.memory_space<vmem>>, %arg8: memref<1x128xf32, #tpu.memory_space<vmem>>, %arg9: memref<128x128xf32, #tpu.memory_space<vmem>>, %arg10: memref<1x128xf32, #tpu.memory_space<vmem>>, %arg11: memref<1x128xf32, #tpu.memory_space<vmem>>, %arg12: memref<1x128xf32, #tpu.memory_space<vmem>>, %arg13: memref<1x128xf32, #tpu.memory_space<vmem>>, %arg14: memref<128x128xf32, #tpu.memory_space<vmem>>, %arg15: memref<1x128xf32, #tpu.memory_space<vmem>>, %arg16: memref<512x128xf32, #tpu.memory_space<vmem>>, %arg17: memref<512x128xf32, #tpu.memory_space<vmem>>) attributes {dimension_semantics = [#tpu.dimension_semantics<arbitrary>], iteration_bounds = array<i64: 20>, scalar_prefetch = 0 : i64, scratch_operands = 0 : i64, tpu.core_type = #tpu.core_type<tc>, window_params = [{transform_indices = @transform_0, window_bounds = array<i64: 512, 128>}, {transform_indices = @transform_1, window_bounds = array<i64: 512, 16>}, {transform_indices = @transform_2, window_bounds = array<i64: 512, 16>}, {transform_indices = @transform_3, window_bounds = array<i64: 512, 16>}, {pipeline_mode = #tpu.pipeline_mode<synchronous>, transform_indices = @transform_4, window_bounds = array<i64: 1, 128>}, {pipeline_mode = #tpu.pipeline_mode<synchronous>, transform_indices = @transform_5, window_bounds = array<i64: 1, 128>}, {pipeline_mode = #tpu.pipeline_mode<synchronous>, transform_indices = @transform_6, window_bounds = array<i64: 128, 128>}, {pipeline_mode = #tpu.pipeline_mode<synchronous>, transform_indices = @transform_7, window_bounds = array<i64: 1, 128>}, {pipeline_mode = #tpu.pipeline_mode<synchronous>, transform_indices = @transform_8, window_bounds = array<i64: 128, 128>}, {pipeline_mode = #tpu.pipeline_mode<synchronous>, transform_indices = @transform_9, window_bounds = array<i64: 1, 128>}, {pipeline_mode = #tpu.pipeline_mode<synchronous>, transform_indices = @transform_10, window_bounds = array<i64: 1, 128>}, {pipeline_mode = #tpu.pipeline_mode<synchronous>, transform_indices = @transform_11, window_bounds = array<i64: 1, 128>}, {pipeline_mode = #tpu.pipeline_mode<synchronous>, transform_indices = @transform_12, window_bounds = array<i64: 1, 128>}, {pipeline_mode = #tpu.pipeline_mode<synchronous>, transform_indices = @transform_13, window_bounds = array<i64: 128, 128>}, {pipeline_mode = #tpu.pipeline_mode<synchronous>, transform_indices = @transform_14, window_bounds = array<i64: 1, 128>}, {transform_indices = @transform_15, window_bounds = array<i64: 512, 128>}, {transform_indices = @transform_16, window_bounds = array<i64: 512, 128>}]} {
    %get3A = arith.constant 0 : index
    %get3A_0 = arith.constant 0 : index
    %get3A_1 = vector.load %arg1[%get3A, %get3A_0] : memref<512x128xf32, #tpu.memory_space<vmem>>, vector<512x128xf32>
    %get3A_2 = arith.constant 0 : index
    %get3A_3 = arith.constant 0 : index
    %get3A_4 = vector.load %arg5[%get3A_2, %get3A_3] : memref<1x128xf32, #tpu.memory_space<vmem>>, vector<1x128xf32>
    %mul3A = vector.broadcast %get3A_4 : vector<1x128xf32> to vector<512x128xf32>
    %mul3A_5 = arith.mulf %get3A_1, %mul3A : vector<512x128xf32>
    %get3A_6 = arith.constant 0 : index
    %get3A_7 = arith.constant 0 : index
    %get3A_8 = vector.load %arg6[%get3A_6, %get3A_7] : memref<1x128xf32, #tpu.memory_space<vmem>>, vector<1x128xf32>
    %add3A = vector.broadcast %get3A_8 : vector<1x128xf32> to vector<512x128xf32>
    %add3A_9 = arith.addf %mul3A_5, %add3A : vector<512x128xf32>
    %max3A = arith.constant 0.000000e+00 : f32
    %max3A_10 = vector.broadcast %max3A : f32 to vector<512x128xf32>
    %max3A_11 = arith.maximumf %add3A_9, %max3A_10 : vector<512x128xf32>
    %get3A_12 = arith.constant 0 : index
    %get3A_13 = arith.constant 0 : index
    %get3A_14 = vector.load %arg7[%get3A_12, %get3A_13] : memref<128x128xf32, #tpu.memory_space<vmem>>, vector<128x128xf32>
    %dot_general3A = arith.constant dense<0.000000e+00> : vector<512x128xf32>
    %dot_general3A_15 = tpu.matmul %max3A_11, %get3A_14, %dot_general3A {dimension_numbers = #tpu.dot_dimension_numbers<[1], [0], [0], [1], [0, 0, 1, 1], [], []>, transpose_lhs_hint = false} : vector<512x128xf32>, vector<128x128xf32>, vector<512x128xf32> -> vector<512x128xf32>
    %get3A_16 = arith.constant 0 : index
    %get3A_17 = arith.constant 0 : index
    %get3A_18 = vector.load %arg8[%get3A_16, %get3A_17] : memref<1x128xf32, #tpu.memory_space<vmem>>, vector<1x128xf32>
    %add3A_19 = vector.broadcast %get3A_18 : vector<1x128xf32> to vector<512x128xf32>
    %add3A_20 = arith.addf %dot_general3A_15, %add3A_19 : vector<512x128xf32>
    %exp3A = math.exp %add3A_20 : vector<512x128xf32>
    %get3A_21 = arith.constant 0 : index
    %get3A_22 = arith.constant 0 : index
    %get3A_23 = vector.load %arg9[%get3A_21, %get3A_22] : memref<128x128xf32, #tpu.memory_space<vmem>>, vector<128x128xf32>
    %dot_general3A_24 = arith.constant dense<0.000000e+00> : vector<512x128xf32>
    %dot_general3A_25 = tpu.matmul %exp3A, %get3A_23, %dot_general3A_24 {dimension_numbers = #tpu.dot_dimension_numbers<[1], [0], [0], [1], [0, 0, 1, 1], [], []>, transpose_lhs_hint = false} : vector<512x128xf32>, vector<128x128xf32>, vector<512x128xf32> -> vector<512x128xf32>
    %div3A = arith.divf %exp3A, %dot_general3A_25 : vector<512x128xf32>
    %swap3A = arith.constant 0 : index
    %swap3A_26 = arith.constant 0 : index
    %swap3A_27 = vector.load %arg17[%swap3A, %swap3A_26] : memref<512x128xf32, #tpu.memory_space<vmem>>, vector<512x128xf32>
    tpu.vector_store %arg17[%swap3A, %swap3A_26], %div3A {strides = array<i32>} : memref<512x128xf32, #tpu.memory_space<vmem>>, vector<512x128xf32>,
    %get3A_28 = arith.constant 0 : index
    %get3A_29 = arith.constant 0 : index
    %get3A_30 = vector.load %arg2[%get3A_28, %get3A_29] : memref<512x16xf32, #tpu.memory_space<vmem>>, vector<512x16xf32>
    %get3A_31 = arith.constant 0 : index
    %get3A_32 = arith.constant 0 : index
    %get3A_33 = vector.load %arg3[%get3A_31, %get3A_32] : memref<512x16xf32, #tpu.memory_space<vmem>>, vector<512x16xf32>
    %get3A_34 = arith.constant 0 : index
    %get3A_35 = arith.constant 0 : index
    %get3A_36 = vector.load %arg4[%get3A_34, %get3A_35] : memref<512x16xf32, #tpu.memory_space<vmem>>, vector<512x16xf32>
    %get3A_37 = arith.constant 0 : index
    %get3A_38 = arith.constant 0 : index
    %get3A_39 = vector.load %arg10[%get3A_37, %get3A_38] : memref<1x128xf32, #tpu.memory_space<vmem>>, vector<1x128xf32>
    %get3A_40 = arith.constant 0 : index
    %get3A_41 = arith.constant 0 : index
    %get3A_42 = vector.load %arg11[%get3A_40, %get3A_41] : memref<1x128xf32, #tpu.memory_space<vmem>>, vector<1x128xf32>
    %get3A_43 = arith.constant 0 : index
    %get3A_44 = arith.constant 0 : index
    %get3A_45 = vector.load %arg12[%get3A_43, %get3A_44] : memref<1x128xf32, #tpu.memory_space<vmem>>, vector<1x128xf32>
    %get3A_46 = arith.constant 0 : index
    %get3A_47 = arith.constant 0 : index
    %get3A_48 = vector.load %arg13[%get3A_46, %get3A_47] : memref<1x128xf32, #tpu.memory_space<vmem>>, vector<1x128xf32>
    %broadcast_in_dim3A = vector.shape_cast %get3A_30 : vector<512x16xf32> to vector<512x16x1xf32>
    %broadcast_in_dim3A_49 = vector.shape_cast %get3A_39 : vector<1x128xf32> to vector<1x1x128xf32>
    %mul3A_50 = vector.broadcast %broadcast_in_dim3A : vector<512x16x1xf32> to vector<512x16x128xf32>
    %mul3A_51 = vector.broadcast %broadcast_in_dim3A_49 : vector<1x1x128xf32> to vector<512x16x128xf32>
    %mul3A_52 = arith.mulf %mul3A_50, %mul3A_51 : vector<512x16x128xf32>
    %broadcast_in_dim3A_53 = vector.shape_cast %get3A_33 : vector<512x16xf32> to vector<512x16x1xf32>
    %broadcast_in_dim3A_54 = vector.shape_cast %get3A_42 : vector<1x128xf32> to vector<1x1x128xf32>
    %mul3A_55 = vector.broadcast %broadcast_in_dim3A_53 : vector<512x16x1xf32> to vector<512x16x128xf32>
    %mul3A_56 = vector.broadcast %broadcast_in_dim3A_54 : vector<1x1x128xf32> to vector<512x16x128xf32>
    %mul3A_57 = arith.mulf %mul3A_55, %mul3A_56 : vector<512x16x128xf32>
    %add3A_58 = arith.addf %mul3A_52, %mul3A_57 : vector<512x16x128xf32>
    %broadcast_in_dim3A_59 = vector.shape_cast %get3A_36 : vector<512x16xf32> to vector<512x16x1xf32>
    %broadcast_in_dim3A_60 = vector.shape_cast %get3A_45 : vector<1x128xf32> to vector<1x1x128xf32>
    %mul3A_61 = vector.broadcast %broadcast_in_dim3A_59 : vector<512x16x1xf32> to vector<512x16x128xf32>
    %mul3A_62 = vector.broadcast %broadcast_in_dim3A_60 : vector<1x1x128xf32> to vector<512x16x128xf32>
    %mul3A_63 = arith.mulf %mul3A_61, %mul3A_62 : vector<512x16x128xf32>
    %add3A_64 = arith.addf %add3A_58, %mul3A_63 : vector<512x16x128xf32>
    %broadcast_in_dim3A_65 = vector.shape_cast %get3A_48 : vector<1x128xf32> to vector<1x1x128xf32>
    %add3A_66 = vector.broadcast %broadcast_in_dim3A_65 : vector<1x1x128xf32> to vector<512x16x128xf32>
    %add3A_67 = arith.addf %add3A_64, %add3A_66 : vector<512x16x128xf32>
    %max3A_68 = arith.constant 0.000000e+00 : f32
    %max3A_69 = vector.broadcast %max3A_68 : f32 to vector<512x16x128xf32>
    %max3A_70 = arith.maximumf %add3A_67, %max3A_69 : vector<512x16x128xf32>
    %get3A_71 = arith.constant 0 : index
    %get3A_72 = arith.constant 0 : index
    %get3A_73 = vector.load %arg15[%get3A_71, %get3A_72] : memref<1x128xf32, #tpu.memory_space<vmem>>, vector<1x128xf32>
    %broadcast_in_dim3A_74 = arith.constant 0.000000e+00 : f32
    %broadcast_in_dim3A_75 = vector.broadcast %broadcast_in_dim3A_74 : f32 to vector<512x128xf32>
    %broadcast_in_dim3A_76 = arith.constant 0.000000e+00 : f32
    %broadcast_in_dim3A_77 = vector.broadcast %broadcast_in_dim3A_76 : f32 to vector<512x1xf32>
    %slice3A = vector.extract_strided_slice %div3A {offsets = [0, 0], sizes = [512, 1], strides = [1, 1]} : vector<512x128xf32> to vector<512x1xf32>
    %slice3A_78 = vector.extract_strided_slice %max3A_70 {offsets = [0, 0, 0], sizes = [512, 1, 128], strides = [1, 1, 1]} : vector<512x16x128xf32> to vector<512x1x128xf32>
    %squeeze3A = vector.shape_cast %slice3A_78 : vector<512x1x128xf32> to vector<512x128xf32>
    %mul3A_79 = vector.broadcast %slice3A : vector<512x1xf32> to vector<512x128xf32>
    %mul3A_80 = arith.mulf %mul3A_79, %squeeze3A : vector<512x128xf32>
    %add3A_81 = arith.addf %broadcast_in_dim3A_75, %mul3A_80 : vector<512x128xf32>
    %add3A_82 = arith.addf %broadcast_in_dim3A_77, %slice3A : vector<512x1xf32>
    %slice3A_83 = vector.extract_strided_slice %div3A {offsets = [0, 8], sizes = [512, 1], strides = [1, 1]} : vector<512x128xf32> to vector<512x1xf32>
    %slice3A_84 = vector.extract_strided_slice %max3A_70 {offsets = [0, 1, 0], sizes = [512, 1, 128], strides = [1, 1, 1]} : vector<512x16x128xf32> to vector<512x1x128xf32>
    %squeeze3A_85 = vector.shape_cast %slice3A_84 : vector<512x1x128xf32> to vector<512x128xf32>
    %mul3A_86 = vector.broadcast %slice3A_83 : vector<512x1xf32> to vector<512x128xf32>
    %mul3A_87 = arith.mulf %mul3A_86, %squeeze3A_85 : vector<512x128xf32>
    %add3A_88 = arith.addf %add3A_81, %mul3A_87 : vector<512x128xf32>
    %add3A_89 = arith.addf %add3A_82, %slice3A_83 : vector<512x1xf32>
    %slice3A_90 = vector.extract_strided_slice %div3A {offsets = [0, 16], sizes = [512, 1], strides = [1, 1]} : vector<512x128xf32> to vector<512x1xf32>
    %slice3A_91 = vector.extract_strided_slice %max3A_70 {offsets = [0, 2, 0], sizes = [512, 1, 128], strides = [1, 1, 1]} : vector<512x16x128xf32> to vector<512x1x128xf32>
    %squeeze3A_92 = vector.shape_cast %slice3A_91 : vector<512x1x128xf32> to vector<512x128xf32>
    %mul3A_93 = vector.broadcast %slice3A_90 : vector<512x1xf32> to vector<512x128xf32>
    %mul3A_94 = arith.mulf %mul3A_93, %squeeze3A_92 : vector<512x128xf32>
    %add3A_95 = arith.addf %add3A_88, %mul3A_94 : vector<512x128xf32>
    %add3A_96 = arith.addf %add3A_89, %slice3A_90 : vector<512x1xf32>
    %slice3A_97 = vector.extract_strided_slice %div3A {offsets = [0, 24], sizes = [512, 1], strides = [1, 1]} : vector<512x128xf32> to vector<512x1xf32>
    %slice3A_98 = vector.extract_strided_slice %max3A_70 {offsets = [0, 3, 0], sizes = [512, 1, 128], strides = [1, 1, 1]} : vector<512x16x128xf32> to vector<512x1x128xf32>
    %squeeze3A_99 = vector.shape_cast %slice3A_98 : vector<512x1x128xf32> to vector<512x128xf32>
    %mul3A_100 = vector.broadcast %slice3A_97 : vector<512x1xf32> to vector<512x128xf32>
    %mul3A_101 = arith.mulf %mul3A_100, %squeeze3A_99 : vector<512x128xf32>
    %add3A_102 = arith.addf %add3A_95, %mul3A_101 : vector<512x128xf32>
    %add3A_103 = arith.addf %add3A_96, %slice3A_97 : vector<512x1xf32>
    %slice3A_104 = vector.extract_strided_slice %div3A {offsets = [0, 32], sizes = [512, 1], strides = [1, 1]} : vector<512x128xf32> to vector<512x1xf32>
    %slice3A_105 = vector.extract_strided_slice %max3A_70 {offsets = [0, 4, 0], sizes = [512, 1, 128], strides = [1, 1, 1]} : vector<512x16x128xf32> to vector<512x1x128xf32>
    %squeeze3A_106 = vector.shape_cast %slice3A_105 : vector<512x1x128xf32> to vector<512x128xf32>
    %mul3A_107 = vector.broadcast %slice3A_104 : vector<512x1xf32> to vector<512x128xf32>
    %mul3A_108 = arith.mulf %mul3A_107, %squeeze3A_106 : vector<512x128xf32>
    %add3A_109 = arith.addf %add3A_102, %mul3A_108 : vector<512x128xf32>
    %add3A_110 = arith.addf %add3A_103, %slice3A_104 : vector<512x1xf32>
    %slice3A_111 = vector.extract_strided_slice %div3A {offsets = [0, 40], sizes = [512, 1], strides = [1, 1]} : vector<512x128xf32> to vector<512x1xf32>
    %slice3A_112 = vector.extract_strided_slice %max3A_70 {offsets = [0, 5, 0], sizes = [512, 1, 128], strides = [1, 1, 1]} : vector<512x16x128xf32> to vector<512x1x128xf32>
    %squeeze3A_113 = vector.shape_cast %slice3A_112 : vector<512x1x128xf32> to vector<512x128xf32>
    %mul3A_114 = vector.broadcast %slice3A_111 : vector<512x1xf32> to vector<512x128xf32>
    %mul3A_115 = arith.mulf %mul3A_114, %squeeze3A_113 : vector<512x128xf32>
    %add3A_116 = arith.addf %add3A_109, %mul3A_115 : vector<512x128xf32>
    %add3A_117 = arith.addf %add3A_110, %slice3A_111 : vector<512x1xf32>
    %slice3A_118 = vector.extract_strided_slice %div3A {offsets = [0, 48], sizes = [512, 1], strides = [1, 1]} : vector<512x128xf32> to vector<512x1xf32>
    %slice3A_119 = vector.extract_strided_slice %max3A_70 {offsets = [0, 6, 0], sizes = [512, 1, 128], strides = [1, 1, 1]} : vector<512x16x128xf32> to vector<512x1x128xf32>
    %squeeze3A_120 = vector.shape_cast %slice3A_119 : vector<512x1x128xf32> to vector<512x128xf32>
    %mul3A_121 = vector.broadcast %slice3A_118 : vector<512x1xf32> to vector<512x128xf32>
    %mul3A_122 = arith.mulf %mul3A_121, %squeeze3A_120 : vector<512x128xf32>
    %add3A_123 = arith.addf %add3A_116, %mul3A_122 : vector<512x128xf32>
    %add3A_124 = arith.addf %add3A_117, %slice3A_118 : vector<512x1xf32>
    %slice3A_125 = vector.extract_strided_slice %div3A {offsets = [0, 56], sizes = [512, 1], strides = [1, 1]} : vector<512x128xf32> to vector<512x1xf32>
    %slice3A_126 = vector.extract_strided_slice %max3A_70 {offsets = [0, 7, 0], sizes = [512, 1, 128], strides = [1, 1, 1]} : vector<512x16x128xf32> to vector<512x1x128xf32>
    %squeeze3A_127 = vector.shape_cast %slice3A_126 : vector<512x1x128xf32> to vector<512x128xf32>
    %mul3A_128 = vector.broadcast %slice3A_125 : vector<512x1xf32> to vector<512x128xf32>
    %mul3A_129 = arith.mulf %mul3A_128, %squeeze3A_127 : vector<512x128xf32>
    %add3A_130 = arith.addf %add3A_123, %mul3A_129 : vector<512x128xf32>
    %add3A_131 = arith.addf %add3A_124, %slice3A_125 : vector<512x1xf32>
    %slice3A_132 = vector.extract_strided_slice %div3A {offsets = [0, 64], sizes = [512, 1], strides = [1, 1]} : vector<512x128xf32> to vector<512x1xf32>
    %slice3A_133 = vector.extract_strided_slice %max3A_70 {offsets = [0, 8, 0], sizes = [512, 1, 128], strides = [1, 1, 1]} : vector<512x16x128xf32> to vector<512x1x128xf32>
    %squeeze3A_134 = vector.shape_cast %slice3A_133 : vector<512x1x128xf32> to vector<512x128xf32>
    %mul3A_135 = vector.broadcast %slice3A_132 : vector<512x1xf32> to vector<512x128xf32>
    %mul3A_136 = arith.mulf %mul3A_135, %squeeze3A_134 : vector<512x128xf32>
    %add3A_137 = arith.addf %add3A_130, %mul3A_136 : vector<512x128xf32>
    %add3A_138 = arith.addf %add3A_131, %slice3A_132 : vector<512x1xf32>
    %slice3A_139 = vector.extract_strided_slice %div3A {offsets = [0, 72], sizes = [512, 1], strides = [1, 1]} : vector<512x128xf32> to vector<512x1xf32>
    %slice3A_140 = vector.extract_strided_slice %max3A_70 {offsets = [0, 9, 0], sizes = [512, 1, 128], strides = [1, 1, 1]} : vector<512x16x128xf32> to vector<512x1x128xf32>
    %squeeze3A_141 = vector.shape_cast %slice3A_140 : vector<512x1x128xf32> to vector<512x128xf32>
    %mul3A_142 = vector.broadcast %slice3A_139 : vector<512x1xf32> to vector<512x128xf32>
    %mul3A_143 = arith.mulf %mul3A_142, %squeeze3A_141 : vector<512x128xf32>
    %add3A_144 = arith.addf %add3A_137, %mul3A_143 : vector<512x128xf32>
    %add3A_145 = arith.addf %add3A_138, %slice3A_139 : vector<512x1xf32>
    %slice3A_146 = vector.extract_strided_slice %div3A {offsets = [0, 80], sizes = [512, 1], strides = [1, 1]} : vector<512x128xf32> to vector<512x1xf32>
    %slice3A_147 = vector.extract_strided_slice %max3A_70 {offsets = [0, 10, 0], sizes = [512, 1, 128], strides = [1, 1, 1]} : vector<512x16x128xf32> to vector<512x1x128xf32>
    %squeeze3A_148 = vector.shape_cast %slice3A_147 : vector<512x1x128xf32> to vector<512x128xf32>
    %mul3A_149 = vector.broadcast %slice3A_146 : vector<512x1xf32> to vector<512x128xf32>
    %mul3A_150 = arith.mulf %mul3A_149, %squeeze3A_148 : vector<512x128xf32>
    %add3A_151 = arith.addf %add3A_144, %mul3A_150 : vector<512x128xf32>
    %add3A_152 = arith.addf %add3A_145, %slice3A_146 : vector<512x1xf32>
    %slice3A_153 = vector.extract_strided_slice %div3A {offsets = [0, 88], sizes = [512, 1], strides = [1, 1]} : vector<512x128xf32> to vector<512x1xf32>
    %slice3A_154 = vector.extract_strided_slice %max3A_70 {offsets = [0, 11, 0], sizes = [512, 1, 128], strides = [1, 1, 1]} : vector<512x16x128xf32> to vector<512x1x128xf32>
    %squeeze3A_155 = vector.shape_cast %slice3A_154 : vector<512x1x128xf32> to vector<512x128xf32>
    %mul3A_156 = vector.broadcast %slice3A_153 : vector<512x1xf32> to vector<512x128xf32>
    %mul3A_157 = arith.mulf %mul3A_156, %squeeze3A_155 : vector<512x128xf32>
    %add3A_158 = arith.addf %add3A_151, %mul3A_157 : vector<512x128xf32>
    %add3A_159 = arith.addf %add3A_152, %slice3A_153 : vector<512x1xf32>
    %slice3A_160 = vector.extract_strided_slice %div3A {offsets = [0, 96], sizes = [512, 1], strides = [1, 1]} : vector<512x128xf32> to vector<512x1xf32>
    %slice3A_161 = vector.extract_strided_slice %max3A_70 {offsets = [0, 12, 0], sizes = [512, 1, 128], strides = [1, 1, 1]} : vector<512x16x128xf32> to vector<512x1x128xf32>
    %squeeze3A_162 = vector.shape_cast %slice3A_161 : vector<512x1x128xf32> to vector<512x128xf32>
    %mul3A_163 = vector.broadcast %slice3A_160 : vector<512x1xf32> to vector<512x128xf32>
    %mul3A_164 = arith.mulf %mul3A_163, %squeeze3A_162 : vector<512x128xf32>
    %add3A_165 = arith.addf %add3A_158, %mul3A_164 : vector<512x128xf32>
    %add3A_166 = arith.addf %add3A_159, %slice3A_160 : vector<512x1xf32>
    %slice3A_167 = vector.extract_strided_slice %div3A {offsets = [0, 104], sizes = [512, 1], strides = [1, 1]} : vector<512x128xf32> to vector<512x1xf32>
    %slice3A_168 = vector.extract_strided_slice %max3A_70 {offsets = [0, 13, 0], sizes = [512, 1, 128], strides = [1, 1, 1]} : vector<512x16x128xf32> to vector<512x1x128xf32>
    %squeeze3A_169 = vector.shape_cast %slice3A_168 : vector<512x1x128xf32> to vector<512x128xf32>
    %mul3A_170 = vector.broadcast %slice3A_167 : vector<512x1xf32> to vector<512x128xf32>
    %mul3A_171 = arith.mulf %mul3A_170, %squeeze3A_169 : vector<512x128xf32>
    %add3A_172 = arith.addf %add3A_165, %mul3A_171 : vector<512x128xf32>
    %add3A_173 = arith.addf %add3A_166, %slice3A_167 : vector<512x1xf32>
    %slice3A_174 = vector.extract_strided_slice %div3A {offsets = [0, 112], sizes = [512, 1], strides = [1, 1]} : vector<512x128xf32> to vector<512x1xf32>
    %slice3A_175 = vector.extract_strided_slice %max3A_70 {offsets = [0, 14, 0], sizes = [512, 1, 128], strides = [1, 1, 1]} : vector<512x16x128xf32> to vector<512x1x128xf32>
    %squeeze3A_176 = vector.shape_cast %slice3A_175 : vector<512x1x128xf32> to vector<512x128xf32>
    %mul3A_177 = vector.broadcast %slice3A_174 : vector<512x1xf32> to vector<512x128xf32>
    %mul3A_178 = arith.mulf %mul3A_177, %squeeze3A_176 : vector<512x128xf32>
    %add3A_179 = arith.addf %add3A_172, %mul3A_178 : vector<512x128xf32>
    %add3A_180 = arith.addf %add3A_173, %slice3A_174 : vector<512x1xf32>
    %slice3A_181 = vector.extract_strided_slice %div3A {offsets = [0, 120], sizes = [512, 1], strides = [1, 1]} : vector<512x128xf32> to vector<512x1xf32>
    %slice3A_182 = vector.extract_strided_slice %max3A_70 {offsets = [0, 15, 0], sizes = [512, 1, 128], strides = [1, 1, 1]} : vector<512x16x128xf32> to vector<512x1x128xf32>
    %squeeze3A_183 = vector.shape_cast %slice3A_182 : vector<512x1x128xf32> to vector<512x128xf32>
    %mul3A_184 = vector.broadcast %slice3A_181 : vector<512x1xf32> to vector<512x128xf32>
    %mul3A_185 = arith.mulf %mul3A_184, %squeeze3A_183 : vector<512x128xf32>
    %add3A_186 = arith.addf %add3A_179, %mul3A_185 : vector<512x128xf32>
    %add3A_187 = arith.addf %add3A_180, %slice3A_181 : vector<512x1xf32>
    %get3A_188 = arith.constant 0 : index
    %get3A_189 = arith.constant 0 : index
    %get3A_190 = vector.load %arg14[%get3A_188, %get3A_189] : memref<128x128xf32, #tpu.memory_space<vmem>>, vector<128x16xf32>
    %dot_general3A_191 = arith.constant dense<0.000000e+00> : vector<512x16xf32>
    %dot_general3A_192 = tpu.matmul %add3A_186, %get3A_190, %dot_general3A_191 {dimension_numbers = #tpu.dot_dimension_numbers<[1], [0], [0], [1], [0, 0, 1, 1], [], []>, transpose_lhs_hint = false} : vector<512x128xf32>, vector<128x16xf32>, vector<512x16xf32> -> vector<512x16xf32>
    %slice3A_193 = vector.extract_strided_slice %get3A_73 {offsets = [0, 0], sizes = [1, 16], strides = [1, 1]} : vector<1x128xf32> to vector<1x16xf32>
    %mul3A_194 = vector.broadcast %add3A_187 : vector<512x1xf32> to vector<512x16xf32>
    %mul3A_195 = vector.broadcast %slice3A_193 : vector<1x16xf32> to vector<512x16xf32>
    %mul3A_196 = arith.mulf %mul3A_194, %mul3A_195 : vector<512x16xf32>
    %add3A_197 = arith.addf %dot_general3A_192, %mul3A_196 : vector<512x16xf32>
    %swap3A_198 = arith.constant 0 : index
    %swap3A_199 = arith.constant 0 : index
    %swap3A_200 = vector.load %arg16[%swap3A_198, %swap3A_199] : memref<512x128xf32, #tpu.memory_space<vmem>>, vector<512x16xf32>
    tpu.vector_store %arg16[%swap3A_198, %swap3A_199], %add3A_197 {strides = array<i32>} : memref<512x128xf32, #tpu.memory_space<vmem>>, vector<512x16xf32>,
    %broadcast_in_dim3A_201 = arith.constant 0.000000e+00 : f32
    %broadcast_in_dim3A_202 = vector.broadcast %broadcast_in_dim3A_201 : f32 to vector<512x128xf32>
    %broadcast_in_dim3A_203 = arith.constant 0.000000e+00 : f32
    %broadcast_in_dim3A_204 = vector.broadcast %broadcast_in_dim3A_203 : f32 to vector<512x1xf32>
    %slice3A_205 = vector.extract_strided_slice %div3A {offsets = [0, 1], sizes = [512, 1], strides = [1, 1]} : vector<512x128xf32> to vector<512x1xf32>
    %slice3A_206 = vector.extract_strided_slice %max3A_70 {offsets = [0, 0, 0], sizes = [512, 1, 128], strides = [1, 1, 1]} : vector<512x16x128xf32> to vector<512x1x128xf32>
    %squeeze3A_207 = vector.shape_cast %slice3A_206 : vector<512x1x128xf32> to vector<512x128xf32>
    %mul3A_208 = vector.broadcast %slice3A_205 : vector<512x1xf32> to vector<512x128xf32>
    %mul3A_209 = arith.mulf %mul3A_208, %squeeze3A_207 : vector<512x128xf32>
    %add3A_210 = arith.addf %broadcast_in_dim3A_202, %mul3A_209 : vector<512x128xf32>
    %add3A_211 = arith.addf %broadcast_in_dim3A_204, %slice3A_205 : vector<512x1xf32>
    %slice3A_212 = vector.extract_strided_slice %div3A {offsets = [0, 9], sizes = [512, 1], strides = [1, 1]} : vector<512x128xf32> to vector<512x1xf32>
    %slice3A_213 = vector.extract_strided_slice %max3A_70 {offsets = [0, 1, 0], sizes = [512, 1, 128], strides = [1, 1, 1]} : vector<512x16x128xf32> to vector<512x1x128xf32>
    %squeeze3A_214 = vector.shape_cast %slice3A_213 : vector<512x1x128xf32> to vector<512x128xf32>
    %mul3A_215 = vector.broadcast %slice3A_212 : vector<512x1xf32> to vector<512x128xf32>
    %mul3A_216 = arith.mulf %mul3A_215, %squeeze3A_214 : vector<512x128xf32>
    %add3A_217 = arith.addf %add3A_210, %mul3A_216 : vector<512x128xf32>
    %add3A_218 = arith.addf %add3A_211, %slice3A_212 : vector<512x1xf32>
    %slice3A_219 = vector.extract_strided_slice %div3A {offsets = [0, 17], sizes = [512, 1], strides = [1, 1]} : vector<512x128xf32> to vector<512x1xf32>
    %slice3A_220 = vector.extract_strided_slice %max3A_70 {offsets = [0, 2, 0], sizes = [512, 1, 128], strides = [1, 1, 1]} : vector<512x16x128xf32> to vector<512x1x128xf32>
    %squeeze3A_221 = vector.shape_cast %slice3A_220 : vector<512x1x128xf32> to vector<512x128xf32>
    %mul3A_222 = vector.broadcast %slice3A_219 : vector<512x1xf32> to vector<512x128xf32>
    %mul3A_223 = arith.mulf %mul3A_222, %squeeze3A_221 : vector<512x128xf32>
    %add3A_224 = arith.addf %add3A_217, %mul3A_223 : vector<512x128xf32>
    %add3A_225 = arith.addf %add3A_218, %slice3A_219 : vector<512x1xf32>
    %slice3A_226 = vector.extract_strided_slice %div3A {offsets = [0, 25], sizes = [512, 1], strides = [1, 1]} : vector<512x128xf32> to vector<512x1xf32>
    %slice3A_227 = vector.extract_strided_slice %max3A_70 {offsets = [0, 3, 0], sizes = [512, 1, 128], strides = [1, 1, 1]} : vector<512x16x128xf32> to vector<512x1x128xf32>
    %squeeze3A_228 = vector.shape_cast %slice3A_227 : vector<512x1x128xf32> to vector<512x128xf32>
    %mul3A_229 = vector.broadcast %slice3A_226 : vector<512x1xf32> to vector<512x128xf32>
    %mul3A_230 = arith.mulf %mul3A_229, %squeeze3A_228 : vector<512x128xf32>
    %add3A_231 = arith.addf %add3A_224, %mul3A_230 : vector<512x128xf32>
    %add3A_232 = arith.addf %add3A_225, %slice3A_226 : vector<512x1xf32>
    %slice3A_233 = vector.extract_strided_slice %div3A {offsets = [0, 33], sizes = [512, 1], strides = [1, 1]} : vector<512x128xf32> to vector<512x1xf32>
    %slice3A_234 = vector.extract_strided_slice %max3A_70 {offsets = [0, 4, 0], sizes = [512, 1, 128], strides = [1, 1, 1]} : vector<512x16x128xf32> to vector<512x1x128xf32>
    %squeeze3A_235 = vector.shape_cast %slice3A_234 : vector<512x1x128xf32> to vector<512x128xf32>
    %mul3A_236 = vector.broadcast %slice3A_233 : vector<512x1xf32> to vector<512x128xf32>
    %mul3A_237 = arith.mulf %mul3A_236, %squeeze3A_235 : vector<512x128xf32>
    %add3A_238 = arith.addf %add3A_231, %mul3A_237 : vector<512x128xf32>
    %add3A_239 = arith.addf %add3A_232, %slice3A_233 : vector<512x1xf32>
    %slice3A_240 = vector.extract_strided_slice %div3A {offsets = [0, 41], sizes = [512, 1], strides = [1, 1]} : vector<512x128xf32> to vector<512x1xf32>
    %slice3A_241 = vector.extract_strided_slice %max3A_70 {offsets = [0, 5, 0], sizes = [512, 1, 128], strides = [1, 1, 1]} : vector<512x16x128xf32> to vector<512x1x128xf32>
    %squeeze3A_242 = vector.shape_cast %slice3A_241 : vector<512x1x128xf32> to vector<512x128xf32>
    %mul3A_243 = vector.broadcast %slice3A_240 : vector<512x1xf32> to vector<512x128xf32>
    %mul3A_244 = arith.mulf %mul3A_243, %squeeze3A_242 : vector<512x128xf32>
    %add3A_245 = arith.addf %add3A_238, %mul3A_244 : vector<512x128xf32>
    %add3A_246 = arith.addf %add3A_239, %slice3A_240 : vector<512x1xf32>
    %slice3A_247 = vector.extract_strided_slice %div3A {offsets = [0, 49], sizes = [512, 1], strides = [1, 1]} : vector<512x128xf32> to vector<512x1xf32>
    %slice3A_248 = vector.extract_strided_slice %max3A_70 {offsets = [0, 6, 0], sizes = [512, 1, 128], strides = [1, 1, 1]} : vector<512x16x128xf32> to vector<512x1x128xf32>
    %squeeze3A_249 = vector.shape_cast %slice3A_248 : vector<512x1x128xf32> to vector<512x128xf32>
    %mul3A_250 = vector.broadcast %slice3A_247 : vector<512x1xf32> to vector<512x128xf32>
    %mul3A_251 = arith.mulf %mul3A_250, %squeeze3A_249 : vector<512x128xf32>
    %add3A_252 = arith.addf %add3A_245, %mul3A_251 : vector<512x128xf32>
    %add3A_253 = arith.addf %add3A_246, %slice3A_247 : vector<512x1xf32>
    %slice3A_254 = vector.extract_strided_slice %div3A {offsets = [0, 57], sizes = [512, 1], strides = [1, 1]} : vector<512x128xf32> to vector<512x1xf32>
    %slice3A_255 = vector.extract_strided_slice %max3A_70 {offsets = [0, 7, 0], sizes = [512, 1, 128], strides = [1, 1, 1]} : vector<512x16x128xf32> to vector<512x1x128xf32>
    %squeeze3A_256 = vector.shape_cast %slice3A_255 : vector<512x1x128xf32> to vector<512x128xf32>
    %mul3A_257 = vector.broadcast %slice3A_254 : vector<512x1xf32> to vector<512x128xf32>
    %mul3A_258 = arith.mulf %mul3A_257, %squeeze3A_256 : vector<512x128xf32>
    %add3A_259 = arith.addf %add3A_252, %mul3A_258 : vector<512x128xf32>
    %add3A_260 = arith.addf %add3A_253, %slice3A_254 : vector<512x1xf32>
    %slice3A_261 = vector.extract_strided_slice %div3A {offsets = [0, 65], sizes = [512, 1], strides = [1, 1]} : vector<512x128xf32> to vector<512x1xf32>
    %slice3A_262 = vector.extract_strided_slice %max3A_70 {offsets = [0, 8, 0], sizes = [512, 1, 128], strides = [1, 1, 1]} : vector<512x16x128xf32> to vector<512x1x128xf32>
    %squeeze3A_263 = vector.shape_cast %slice3A_262 : vector<512x1x128xf32> to vector<512x128xf32>
    %mul3A_264 = vector.broadcast %slice3A_261 : vector<512x1xf32> to vector<512x128xf32>
    %mul3A_265 = arith.mulf %mul3A_264, %squeeze3A_263 : vector<512x128xf32>
    %add3A_266 = arith.addf %add3A_259, %mul3A_265 : vector<512x128xf32>
    %add3A_267 = arith.addf %add3A_260, %slice3A_261 : vector<512x1xf32>
    %slice3A_268 = vector.extract_strided_slice %div3A {offsets = [0, 73], sizes = [512, 1], strides = [1, 1]} : vector<512x128xf32> to vector<512x1xf32>
    %slice3A_269 = vector.extract_strided_slice %max3A_70 {offsets = [0, 9, 0], sizes = [512, 1, 128], strides = [1, 1, 1]} : vector<512x16x128xf32> to vector<512x1x128xf32>
    %squeeze3A_270 = vector.shape_cast %slice3A_269 : vector<512x1x128xf32> to vector<512x128xf32>
    %mul3A_271 = vector.broadcast %slice3A_268 : vector<512x1xf32> to vector<512x128xf32>
    %mul3A_272 = arith.mulf %mul3A_271, %squeeze3A_270 : vector<512x128xf32>
    %add3A_273 = arith.addf %add3A_266, %mul3A_272 : vector<512x128xf32>
    %add3A_274 = arith.addf %add3A_267, %slice3A_268 : vector<512x1xf32>
    %slice3A_275 = vector.extract_strided_slice %div3A {offsets = [0, 81], sizes = [512, 1], strides = [1, 1]} : vector<512x128xf32> to vector<512x1xf32>
    %slice3A_276 = vector.extract_strided_slice %max3A_70 {offsets = [0, 10, 0], sizes = [512, 1, 128], strides = [1, 1, 1]} : vector<512x16x128xf32> to vector<512x1x128xf32>
    %squeeze3A_277 = vector.shape_cast %slice3A_276 : vector<512x1x128xf32> to vector<512x128xf32>
    %mul3A_278 = vector.broadcast %slice3A_275 : vector<512x1xf32> to vector<512x128xf32>
    %mul3A_279 = arith.mulf %mul3A_278, %squeeze3A_277 : vector<512x128xf32>
    %add3A_280 = arith.addf %add3A_273, %mul3A_279 : vector<512x128xf32>
    %add3A_281 = arith.addf %add3A_274, %slice3A_275 : vector<512x1xf32>
    %slice3A_282 = vector.extract_strided_slice %div3A {offsets = [0, 89], sizes = [512, 1], strides = [1, 1]} : vector<512x128xf32> to vector<512x1xf32>
    %slice3A_283 = vector.extract_strided_slice %max3A_70 {offsets = [0, 11, 0], sizes = [512, 1, 128], strides = [1, 1, 1]} : vector<512x16x128xf32> to vector<512x1x128xf32>
    %squeeze3A_284 = vector.shape_cast %slice3A_283 : vector<512x1x128xf32> to vector<512x128xf32>
    %mul3A_285 = vector.broadcast %slice3A_282 : vector<512x1xf32> to vector<512x128xf32>
    %mul3A_286 = arith.mulf %mul3A_285, %squeeze3A_284 : vector<512x128xf32>
    %add3A_287 = arith.addf %add3A_280, %mul3A_286 : vector<512x128xf32>
    %add3A_288 = arith.addf %add3A_281, %slice3A_282 : vector<512x1xf32>
    %slice3A_289 = vector.extract_strided_slice %div3A {offsets = [0, 97], sizes = [512, 1], strides = [1, 1]} : vector<512x128xf32> to vector<512x1xf32>
    %slice3A_290 = vector.extract_strided_slice %max3A_70 {offsets = [0, 12, 0], sizes = [512, 1, 128], strides = [1, 1, 1]} : vector<512x16x128xf32> to vector<512x1x128xf32>
    %squeeze3A_291 = vector.shape_cast %slice3A_290 : vector<512x1x128xf32> to vector<512x128xf32>
    %mul3A_292 = vector.broadcast %slice3A_289 : vector<512x1xf32> to vector<512x128xf32>
    %mul3A_293 = arith.mulf %mul3A_292, %squeeze3A_291 : vector<512x128xf32>
    %add3A_294 = arith.addf %add3A_287, %mul3A_293 : vector<512x128xf32>
    %add3A_295 = arith.addf %add3A_288, %slice3A_289 : vector<512x1xf32>
    %slice3A_296 = vector.extract_strided_slice %div3A {offsets = [0, 105], sizes = [512, 1], strides = [1, 1]} : vector<512x128xf32> to vector<512x1xf32>
    %slice3A_297 = vector.extract_strided_slice %max3A_70 {offsets = [0, 13, 0], sizes = [512, 1, 128], strides = [1, 1, 1]} : vector<512x16x128xf32> to vector<512x1x128xf32>
    %squeeze3A_298 = vector.shape_cast %slice3A_297 : vector<512x1x128xf32> to vector<512x128xf32>
    %mul3A_299 = vector.broadcast %slice3A_296 : vector<512x1xf32> to vector<512x128xf32>
    %mul3A_300 = arith.mulf %mul3A_299, %squeeze3A_298 : vector<512x128xf32>
    %add3A_301 = arith.addf %add3A_294, %mul3A_300 : vector<512x128xf32>
    %add3A_302 = arith.addf %add3A_295, %slice3A_296 : vector<512x1xf32>
    %slice3A_303 = vector.extract_strided_slice %div3A {offsets = [0, 113], sizes = [512, 1], strides = [1, 1]} : vector<512x128xf32> to vector<512x1xf32>
    %slice3A_304 = vector.extract_strided_slice %max3A_70 {offsets = [0, 14, 0], sizes = [512, 1, 128], strides = [1, 1, 1]} : vector<512x16x128xf32> to vector<512x1x128xf32>
    %squeeze3A_305 = vector.shape_cast %slice3A_304 : vector<512x1x128xf32> to vector<512x128xf32>
    %mul3A_306 = vector.broadcast %slice3A_303 : vector<512x1xf32> to vector<512x128xf32>
    %mul3A_307 = arith.mulf %mul3A_306, %squeeze3A_305 : vector<512x128xf32>
    %add3A_308 = arith.addf %add3A_301, %mul3A_307 : vector<512x128xf32>
    %add3A_309 = arith.addf %add3A_302, %slice3A_303 : vector<512x1xf32>
    %slice3A_310 = vector.extract_strided_slice %div3A {offsets = [0, 121], sizes = [512, 1], strides = [1, 1]} : vector<512x128xf32> to vector<512x1xf32>
    %slice3A_311 = vector.extract_strided_slice %max3A_70 {offsets = [0, 15, 0], sizes = [512, 1, 128], strides = [1, 1, 1]} : vector<512x16x128xf32> to vector<512x1x128xf32>
    %squeeze3A_312 = vector.shape_cast %slice3A_311 : vector<512x1x128xf32> to vector<512x128xf32>
    %mul3A_313 = vector.broadcast %slice3A_310 : vector<512x1xf32> to vector<512x128xf32>
    %mul3A_314 = arith.mulf %mul3A_313, %squeeze3A_312 : vector<512x128xf32>
    %add3A_315 = arith.addf %add3A_308, %mul3A_314 : vector<512x128xf32>
    %add3A_316 = arith.addf %add3A_309, %slice3A_310 : vector<512x1xf32>
    %get3A_317 = arith.constant 0 : index
    %get3A_318 = arith.constant 16 : index
    %get3A_319 = vector.load %arg14[%get3A_317, %get3A_318] : memref<128x128xf32, #tpu.memory_space<vmem>>, vector<128x16xf32>
    %dot_general3A_320 = arith.constant dense<0.000000e+00> : vector<512x16xf32>
    %dot_general3A_321 = tpu.matmul %add3A_315, %get3A_319, %dot_general3A_320 {dimension_numbers = #tpu.dot_dimension_numbers<[1], [0], [0], [1], [0, 0, 1, 1], [], []>, transpose_lhs_hint = false} : vector<512x128xf32>, vector<128x16xf32>, vector<512x16xf32> -> vector<512x16xf32>
    %slice3A_322 = vector.extract_strided_slice %get3A_73 {offsets = [0, 16], sizes = [1, 16], strides = [1, 1]} : vector<1x128xf32> to vector<1x16xf32>
    %mul3A_323 = vector.broadcast %add3A_316 : vector<512x1xf32> to vector<512x16xf32>
    %mul3A_324 = vector.broadcast %slice3A_322 : vector<1x16xf32> to vector<512x16xf32>
    %mul3A_325 = arith.mulf %mul3A_323, %mul3A_324 : vector<512x16xf32>
    %add3A_326 = arith.addf %dot_general3A_321, %mul3A_325 : vector<512x16xf32>
    %swap3A_327 = arith.constant 0 : index
    %swap3A_328 = arith.constant 16 : index
    %swap3A_329 = vector.load %arg16[%swap3A_327, %swap3A_328] : memref<512x128xf32, #tpu.memory_space<vmem>>, vector<512x16xf32>
    tpu.vector_store %arg16[%swap3A_327, %swap3A_328], %add3A_326 {strides = array<i32>} : memref<512x128xf32, #tpu.memory_space<vmem>>, vector<512x16xf32>,
    %broadcast_in_dim3A_330 = arith.constant 0.000000e+00 : f32
    %broadcast_in_dim3A_331 = vector.broadcast %broadcast_in_dim3A_330 : f32 to vector<512x128xf32>
    %broadcast_in_dim3A_332 = arith.constant 0.000000e+00 : f32
    %broadcast_in_dim3A_333 = vector.broadcast %broadcast_in_dim3A_332 : f32 to vector<512x1xf32>
    %slice3A_334 = vector.extract_strided_slice %div3A {offsets = [0, 2], sizes = [512, 1], strides = [1, 1]} : vector<512x128xf32> to vector<512x1xf32>
    %slice3A_335 = vector.extract_strided_slice %max3A_70 {offsets = [0, 0, 0], sizes = [512, 1, 128], strides = [1, 1, 1]} : vector<512x16x128xf32> to vector<512x1x128xf32>
    %squeeze3A_336 = vector.shape_cast %slice3A_335 : vector<512x1x128xf32> to vector<512x128xf32>
    %mul3A_337 = vector.broadcast %slice3A_334 : vector<512x1xf32> to vector<512x128xf32>
    %mul3A_338 = arith.mulf %mul3A_337, %squeeze3A_336 : vector<512x128xf32>
    %add3A_339 = arith.addf %broadcast_in_dim3A_331, %mul3A_338 : vector<512x128xf32>
    %add3A_340 = arith.addf %broadcast_in_dim3A_333, %slice3A_334 : vector<512x1xf32>
    %slice3A_341 = vector.extract_strided_slice %div3A {offsets = [0, 10], sizes = [512, 1], strides = [1, 1]} : vector<512x128xf32> to vector<512x1xf32>
    %slice3A_342 = vector.extract_strided_slice %max3A_70 {offsets = [0, 1, 0], sizes = [512, 1, 128], strides = [1, 1, 1]} : vector<512x16x128xf32> to vector<512x1x128xf32>
    %squeeze3A_343 = vector.shape_cast %slice3A_342 : vector<512x1x128xf32> to vector<512x128xf32>
    %mul3A_344 = vector.broadcast %slice3A_341 : vector<512x1xf32> to vector<512x128xf32>
    %mul3A_345 = arith.mulf %mul3A_344, %squeeze3A_343 : vector<512x128xf32>
    %add3A_346 = arith.addf %add3A_339, %mul3A_345 : vector<512x128xf32>
    %add3A_347 = arith.addf %add3A_340, %slice3A_341 : vector<512x1xf32>
    %slice3A_348 = vector.extract_strided_slice %div3A {offsets = [0, 18], sizes = [512, 1], strides = [1, 1]} : vector<512x128xf32> to vector<512x1xf32>
    %slice3A_349 = vector.extract_strided_slice %max3A_70 {offsets = [0, 2, 0], sizes = [512, 1, 128], strides = [1, 1, 1]} : vector<512x16x128xf32> to vector<512x1x128xf32>
    %squeeze3A_350 = vector.shape_cast %slice3A_349 : vector<512x1x128xf32> to vector<512x128xf32>
    %mul3A_351 = vector.broadcast %slice3A_348 : vector<512x1xf32> to vector<512x128xf32>
    %mul3A_352 = arith.mulf %mul3A_351, %squeeze3A_350 : vector<512x128xf32>
    %add3A_353 = arith.addf %add3A_346, %mul3A_352 : vector<512x128xf32>
    %add3A_354 = arith.addf %add3A_347, %slice3A_348 : vector<512x1xf32>
    %slice3A_355 = vector.extract_strided_slice %div3A {offsets = [0, 26], sizes = [512, 1], strides = [1, 1]} : vector<512x128xf32> to vector<512x1xf32>
    %slice3A_356 = vector.extract_strided_slice %max3A_70 {offsets = [0, 3, 0], sizes = [512, 1, 128], strides = [1, 1, 1]} : vector<512x16x128xf32> to vector<512x1x128xf32>
    %squeeze3A_357 = vector.shape_cast %slice3A_356 : vector<512x1x128xf32> to vector<512x128xf32>
    %mul3A_358 = vector.broadcast %slice3A_355 : vector<512x1xf32> to vector<512x128xf32>
    %mul3A_359 = arith.mulf %mul3A_358, %squeeze3A_357 : vector<512x128xf32>
    %add3A_360 = arith.addf %add3A_353, %mul3A_359 : vector<512x128xf32>
    %add3A_361 = arith.addf %add3A_354, %slice3A_355 : vector<512x1xf32>
    %slice3A_362 = vector.extract_strided_slice %div3A {offsets = [0, 34], sizes = [512, 1], strides = [1, 1]} : vector<512x128xf32> to vector<512x1xf32>
    %slice3A_363 = vector.extract_strided_slice %max3A_70 {offsets = [0, 4, 0], sizes = [512, 1, 128], strides = [1, 1, 1]} : vector<512x16x128xf32> to vector<512x1x128xf32>
    %squeeze3A_364 = vector.shape_cast %slice3A_363 : vector<512x1x128xf32> to vector<512x128xf32>
    %mul3A_365 = vector.broadcast %slice3A_362 : vector<512x1xf32> to vector<512x128xf32>
    %mul3A_366 = arith.mulf %mul3A_365, %squeeze3A_364 : vector<512x128xf32>
    %add3A_367 = arith.addf %add3A_360, %mul3A_366 : vector<512x128xf32>
    %add3A_368 = arith.addf %add3A_361, %slice3A_362 : vector<512x1xf32>
    %slice3A_369 = vector.extract_strided_slice %div3A {offsets = [0, 42], sizes = [512, 1], strides = [1, 1]} : vector<512x128xf32> to vector<512x1xf32>
    %slice3A_370 = vector.extract_strided_slice %max3A_70 {offsets = [0, 5, 0], sizes = [512, 1, 128], strides = [1, 1, 1]} : vector<512x16x128xf32> to vector<512x1x128xf32>
    %squeeze3A_371 = vector.shape_cast %slice3A_370 : vector<512x1x128xf32> to vector<512x128xf32>
    %mul3A_372 = vector.broadcast %slice3A_369 : vector<512x1xf32> to vector<512x128xf32>
    %mul3A_373 = arith.mulf %mul3A_372, %squeeze3A_371 : vector<512x128xf32>
    %add3A_374 = arith.addf %add3A_367, %mul3A_373 : vector<512x128xf32>
    %add3A_375 = arith.addf %add3A_368, %slice3A_369 : vector<512x1xf32>
    %slice3A_376 = vector.extract_strided_slice %div3A {offsets = [0, 50], sizes = [512, 1], strides = [1, 1]} : vector<512x128xf32> to vector<512x1xf32>
    %slice3A_377 = vector.extract_strided_slice %max3A_70 {offsets = [0, 6, 0], sizes = [512, 1, 128], strides = [1, 1, 1]} : vector<512x16x128xf32> to vector<512x1x128xf32>
    %squeeze3A_378 = vector.shape_cast %slice3A_377 : vector<512x1x128xf32> to vector<512x128xf32>
    %mul3A_379 = vector.broadcast %slice3A_376 : vector<512x1xf32> to vector<512x128xf32>
    %mul3A_380 = arith.mulf %mul3A_379, %squeeze3A_378 : vector<512x128xf32>
    %add3A_381 = arith.addf %add3A_374, %mul3A_380 : vector<512x128xf32>
    %add3A_382 = arith.addf %add3A_375, %slice3A_376 : vector<512x1xf32>
    %slice3A_383 = vector.extract_strided_slice %div3A {offsets = [0, 58], sizes = [512, 1], strides = [1, 1]} : vector<512x128xf32> to vector<512x1xf32>
    %slice3A_384 = vector.extract_strided_slice %max3A_70 {offsets = [0, 7, 0], sizes = [512, 1, 128], strides = [1, 1, 1]} : vector<512x16x128xf32> to vector<512x1x128xf32>
    %squeeze3A_385 = vector.shape_cast %slice3A_384 : vector<512x1x128xf32> to vector<512x128xf32>
    %mul3A_386 = vector.broadcast %slice3A_383 : vector<512x1xf32> to vector<512x128xf32>
    %mul3A_387 = arith.mulf %mul3A_386, %squeeze3A_385 : vector<512x128xf32>
    %add3A_388 = arith.addf %add3A_381, %mul3A_387 : vector<512x128xf32>
    %add3A_389 = arith.addf %add3A_382, %slice3A_383 : vector<512x1xf32>
    %slice3A_390 = vector.extract_strided_slice %div3A {offsets = [0, 66], sizes = [512, 1], strides = [1, 1]} : vector<512x128xf32> to vector<512x1xf32>
    %slice3A_391 = vector.extract_strided_slice %max3A_70 {offsets = [0, 8, 0], sizes = [512, 1, 128], strides = [1, 1, 1]} : vector<512x16x128xf32> to vector<512x1x128xf32>
    %squeeze3A_392 = vector.shape_cast %slice3A_391 : vector<512x1x128xf32> to vector<512x128xf32>
    %mul3A_393 = vector.broadcast %slice3A_390 : vector<512x1xf32> to vector<512x128xf32>
    %mul3A_394 = arith.mulf %mul3A_393, %squeeze3A_392 : vector<512x128xf32>
    %add3A_395 = arith.addf %add3A_388, %mul3A_394 : vector<512x128xf32>
    %add3A_396 = arith.addf %add3A_389, %slice3A_390 : vector<512x1xf32>
    %slice3A_397 = vector.extract_strided_slice %div3A {offsets = [0, 74], sizes = [512, 1], strides = [1, 1]} : vector<512x128xf32> to vector<512x1xf32>
    %slice3A_398 = vector.extract_strided_slice %max3A_70 {offsets = [0, 9, 0], sizes = [512, 1, 128], strides = [1, 1, 1]} : vector<512x16x128xf32> to vector<512x1x128xf32>
    %squeeze3A_399 = vector.shape_cast %slice3A_398 : vector<512x1x128xf32> to vector<512x128xf32>
    %mul3A_400 = vector.broadcast %slice3A_397 : vector<512x1xf32> to vector<512x128xf32>
    %mul3A_401 = arith.mulf %mul3A_400, %squeeze3A_399 : vector<512x128xf32>
    %add3A_402 = arith.addf %add3A_395, %mul3A_401 : vector<512x128xf32>
    %add3A_403 = arith.addf %add3A_396, %slice3A_397 : vector<512x1xf32>
    %slice3A_404 = vector.extract_strided_slice %div3A {offsets = [0, 82], sizes = [512, 1], strides = [1, 1]} : vector<512x128xf32> to vector<512x1xf32>
    %slice3A_405 = vector.extract_strided_slice %max3A_70 {offsets = [0, 10, 0], sizes = [512, 1, 128], strides = [1, 1, 1]} : vector<512x16x128xf32> to vector<512x1x128xf32>
    %squeeze3A_406 = vector.shape_cast %slice3A_405 : vector<512x1x128xf32> to vector<512x128xf32>
    %mul3A_407 = vector.broadcast %slice3A_404 : vector<512x1xf32> to vector<512x128xf32>
    %mul3A_408 = arith.mulf %mul3A_407, %squeeze3A_406 : vector<512x128xf32>
    %add3A_409 = arith.addf %add3A_402, %mul3A_408 : vector<512x128xf32>
    %add3A_410 = arith.addf %add3A_403, %slice3A_404 : vector<512x1xf32>
    %slice3A_411 = vector.extract_strided_slice %div3A {offsets = [0, 90], sizes = [512, 1], strides = [1, 1]} : vector<512x128xf32> to vector<512x1xf32>
    %slice3A_412 = vector.extract_strided_slice %max3A_70 {offsets = [0, 11, 0], sizes = [512, 1, 128], strides = [1, 1, 1]} : vector<512x16x128xf32> to vector<512x1x128xf32>
    %squeeze3A_413 = vector.shape_cast %slice3A_412 : vector<512x1x128xf32> to vector<512x128xf32>
    %mul3A_414 = vector.broadcast %slice3A_411 : vector<512x1xf32> to vector<512x128xf32>
    %mul3A_415 = arith.mulf %mul3A_414, %squeeze3A_413 : vector<512x128xf32>
    %add3A_416 = arith.addf %add3A_409, %mul3A_415 : vector<512x128xf32>
    %add3A_417 = arith.addf %add3A_410, %slice3A_411 : vector<512x1xf32>
    %slice3A_418 = vector.extract_strided_slice %div3A {offsets = [0, 98], sizes = [512, 1], strides = [1, 1]} : vector<512x128xf32> to vector<512x1xf32>
    %slice3A_419 = vector.extract_strided_slice %max3A_70 {offsets = [0, 12, 0], sizes = [512, 1, 128], strides = [1, 1, 1]} : vector<512x16x128xf32> to vector<512x1x128xf32>
    %squeeze3A_420 = vector.shape_cast %slice3A_419 : vector<512x1x128xf32> to vector<512x128xf32>
    %mul3A_421 = vector.broadcast %slice3A_418 : vector<512x1xf32> to vector<512x128xf32>
    %mul3A_422 = arith.mulf %mul3A_421, %squeeze3A_420 : vector<512x128xf32>
    %add3A_423 = arith.addf %add3A_416, %mul3A_422 : vector<512x128xf32>
    %add3A_424 = arith.addf %add3A_417, %slice3A_418 : vector<512x1xf32>
    %slice3A_425 = vector.extract_strided_slice %div3A {offsets = [0, 106], sizes = [512, 1], strides = [1, 1]} : vector<512x128xf32> to vector<512x1xf32>
    %slice3A_426 = vector.extract_strided_slice %max3A_70 {offsets = [0, 13, 0], sizes = [512, 1, 128], strides = [1, 1, 1]} : vector<512x16x128xf32> to vector<512x1x128xf32>
    %squeeze3A_427 = vector.shape_cast %slice3A_426 : vector<512x1x128xf32> to vector<512x128xf32>
    %mul3A_428 = vector.broadcast %slice3A_425 : vector<512x1xf32> to vector<512x128xf32>
    %mul3A_429 = arith.mulf %mul3A_428, %squeeze3A_427 : vector<512x128xf32>
    %add3A_430 = arith.addf %add3A_423, %mul3A_429 : vector<512x128xf32>
    %add3A_431 = arith.addf %add3A_424, %slice3A_425 : vector<512x1xf32>
    %slice3A_432 = vector.extract_strided_slice %div3A {offsets = [0, 114], sizes = [512, 1], strides = [1, 1]} : vector<512x128xf32> to vector<512x1xf32>
    %slice3A_433 = vector.extract_strided_slice %max3A_70 {offsets = [0, 14, 0], sizes = [512, 1, 128], strides = [1, 1, 1]} : vector<512x16x128xf32> to vector<512x1x128xf32>
    %squeeze3A_434 = vector.shape_cast %slice3A_433 : vector<512x1x128xf32> to vector<512x128xf32>
    %mul3A_435 = vector.broadcast %slice3A_432 : vector<512x1xf32> to vector<512x128xf32>
    %mul3A_436 = arith.mulf %mul3A_435, %squeeze3A_434 : vector<512x128xf32>
    %add3A_437 = arith.addf %add3A_430, %mul3A_436 : vector<512x128xf32>
    %add3A_438 = arith.addf %add3A_431, %slice3A_432 : vector<512x1xf32>
    %slice3A_439 = vector.extract_strided_slice %div3A {offsets = [0, 122], sizes = [512, 1], strides = [1, 1]} : vector<512x128xf32> to vector<512x1xf32>
    %slice3A_440 = vector.extract_strided_slice %max3A_70 {offsets = [0, 15, 0], sizes = [512, 1, 128], strides = [1, 1, 1]} : vector<512x16x128xf32> to vector<512x1x128xf32>
    %squeeze3A_441 = vector.shape_cast %slice3A_440 : vector<512x1x128xf32> to vector<512x128xf32>
    %mul3A_442 = vector.broadcast %slice3A_439 : vector<512x1xf32> to vector<512x128xf32>
    %mul3A_443 = arith.mulf %mul3A_442, %squeeze3A_441 : vector<512x128xf32>
    %add3A_444 = arith.addf %add3A_437, %mul3A_443 : vector<512x128xf32>
    %add3A_445 = arith.addf %add3A_438, %slice3A_439 : vector<512x1xf32>
    %get3A_446 = arith.constant 0 : index
    %get3A_447 = arith.constant 32 : index
    %get3A_448 = vector.load %arg14[%get3A_446, %get3A_447] : memref<128x128xf32, #tpu.memory_space<vmem>>, vector<128x16xf32>
    %dot_general3A_449 = arith.constant dense<0.000000e+00> : vector<512x16xf32>
    %dot_general3A_450 = tpu.matmul %add3A_444, %get3A_448, %dot_general3A_449 {dimension_numbers = #tpu.dot_dimension_numbers<[1], [0], [0], [1], [0, 0, 1, 1], [], []>, transpose_lhs_hint = false} : vector<512x128xf32>, vector<128x16xf32>, vector<512x16xf32> -> vector<512x16xf32>
    %slice3A_451 = vector.extract_strided_slice %get3A_73 {offsets = [0, 32], sizes = [1, 16], strides = [1, 1]} : vector<1x128xf32> to vector<1x16xf32>
    %mul3A_452 = vector.broadcast %add3A_445 : vector<512x1xf32> to vector<512x16xf32>
    %mul3A_453 = vector.broadcast %slice3A_451 : vector<1x16xf32> to vector<512x16xf32>
    %mul3A_454 = arith.mulf %mul3A_452, %mul3A_453 : vector<512x16xf32>
    %add3A_455 = arith.addf %dot_general3A_450, %mul3A_454 : vector<512x16xf32>
    %swap3A_456 = arith.constant 0 : index
    %swap3A_457 = arith.constant 32 : index
    %swap3A_458 = vector.load %arg16[%swap3A_456, %swap3A_457] : memref<512x128xf32, #tpu.memory_space<vmem>>, vector<512x16xf32>
    tpu.vector_store %arg16[%swap3A_456, %swap3A_457], %add3A_455 {strides = array<i32>} : memref<512x128xf32, #tpu.memory_space<vmem>>, vector<512x16xf32>,
    %broadcast_in_dim3A_459 = arith.constant 0.000000e+00 : f32
    %broadcast_in_dim3A_460 = vector.broadcast %broadcast_in_dim3A_459 : f32 to vector<512x128xf32>
    %broadcast_in_dim3A_461 = arith.constant 0.000000e+00 : f32
    %broadcast_in_dim3A_462 = vector.broadcast %broadcast_in_dim3A_461 : f32 to vector<512x1xf32>
    %slice3A_463 = vector.extract_strided_slice %div3A {offsets = [0, 3], sizes = [512, 1], strides = [1, 1]} : vector<512x128xf32> to vector<512x1xf32>
    %slice3A_464 = vector.extract_strided_slice %max3A_70 {offsets = [0, 0, 0], sizes = [512, 1, 128], strides = [1, 1, 1]} : vector<512x16x128xf32> to vector<512x1x128xf32>
    %squeeze3A_465 = vector.shape_cast %slice3A_464 : vector<512x1x128xf32> to vector<512x128xf32>
    %mul3A_466 = vector.broadcast %slice3A_463 : vector<512x1xf32> to vector<512x128xf32>
    %mul3A_467 = arith.mulf %mul3A_466, %squeeze3A_465 : vector<512x128xf32>
    %add3A_468 = arith.addf %broadcast_in_dim3A_460, %mul3A_467 : vector<512x128xf32>
    %add3A_469 = arith.addf %broadcast_in_dim3A_462, %slice3A_463 : vector<512x1xf32>
    %slice3A_470 = vector.extract_strided_slice %div3A {offsets = [0, 11], sizes = [512, 1], strides = [1, 1]} : vector<512x128xf32> to vector<512x1xf32>
    %slice3A_471 = vector.extract_strided_slice %max3A_70 {offsets = [0, 1, 0], sizes = [512, 1, 128], strides = [1, 1, 1]} : vector<512x16x128xf32> to vector<512x1x128xf32>
    %squeeze3A_472 = vector.shape_cast %slice3A_471 : vector<512x1x128xf32> to vector<512x128xf32>
    %mul3A_473 = vector.broadcast %slice3A_470 : vector<512x1xf32> to vector<512x128xf32>
    %mul3A_474 = arith.mulf %mul3A_473, %squeeze3A_472 : vector<512x128xf32>
    %add3A_475 = arith.addf %add3A_468, %mul3A_474 : vector<512x128xf32>
    %add3A_476 = arith.addf %add3A_469, %slice3A_470 : vector<512x1xf32>
    %slice3A_477 = vector.extract_strided_slice %div3A {offsets = [0, 19], sizes = [512, 1], strides = [1, 1]} : vector<512x128xf32> to vector<512x1xf32>
    %slice3A_478 = vector.extract_strided_slice %max3A_70 {offsets = [0, 2, 0], sizes = [512, 1, 128], strides = [1, 1, 1]} : vector<512x16x128xf32> to vector<512x1x128xf32>
    %squeeze3A_479 = vector.shape_cast %slice3A_478 : vector<512x1x128xf32> to vector<512x128xf32>
    %mul3A_480 = vector.broadcast %slice3A_477 : vector<512x1xf32> to vector<512x128xf32>
    %mul3A_481 = arith.mulf %mul3A_480, %squeeze3A_479 : vector<512x128xf32>
    %add3A_482 = arith.addf %add3A_475, %mul3A_481 : vector<512x128xf32>
    %add3A_483 = arith.addf %add3A_476, %slice3A_477 : vector<512x1xf32>
    %slice3A_484 = vector.extract_strided_slice %div3A {offsets = [0, 27], sizes = [512, 1], strides = [1, 1]} : vector<512x128xf32> to vector<512x1xf32>
    %slice3A_485 = vector.extract_strided_slice %max3A_70 {offsets = [0, 3, 0], sizes = [512, 1, 128], strides = [1, 1, 1]} : vector<512x16x128xf32> to vector<512x1x128xf32>
    %squeeze3A_486 = vector.shape_cast %slice3A_485 : vector<512x1x128xf32> to vector<512x128xf32>
    %mul3A_487 = vector.broadcast %slice3A_484 : vector<512x1xf32> to vector<512x128xf32>
    %mul3A_488 = arith.mulf %mul3A_487, %squeeze3A_486 : vector<512x128xf32>
    %add3A_489 = arith.addf %add3A_482, %mul3A_488 : vector<512x128xf32>
    %add3A_490 = arith.addf %add3A_483, %slice3A_484 : vector<512x1xf32>
    %slice3A_491 = vector.extract_strided_slice %div3A {offsets = [0, 35], sizes = [512, 1], strides = [1, 1]} : vector<512x128xf32> to vector<512x1xf32>
    %slice3A_492 = vector.extract_strided_slice %max3A_70 {offsets = [0, 4, 0], sizes = [512, 1, 128], strides = [1, 1, 1]} : vector<512x16x128xf32> to vector<512x1x128xf32>
    %squeeze3A_493 = vector.shape_cast %slice3A_492 : vector<512x1x128xf32> to vector<512x128xf32>
    %mul3A_494 = vector.broadcast %slice3A_491 : vector<512x1xf32> to vector<512x128xf32>
    %mul3A_495 = arith.mulf %mul3A_494, %squeeze3A_493 : vector<512x128xf32>
    %add3A_496 = arith.addf %add3A_489, %mul3A_495 : vector<512x128xf32>
    %add3A_497 = arith.addf %add3A_490, %slice3A_491 : vector<512x1xf32>
    %slice3A_498 = vector.extract_strided_slice %div3A {offsets = [0, 43], sizes = [512, 1], strides = [1, 1]} : vector<512x128xf32> to vector<512x1xf32>
    %slice3A_499 = vector.extract_strided_slice %max3A_70 {offsets = [0, 5, 0], sizes = [512, 1, 128], strides = [1, 1, 1]} : vector<512x16x128xf32> to vector<512x1x128xf32>
    %squeeze3A_500 = vector.shape_cast %slice3A_499 : vector<512x1x128xf32> to vector<512x128xf32>
    %mul3A_501 = vector.broadcast %slice3A_498 : vector<512x1xf32> to vector<512x128xf32>
    %mul3A_502 = arith.mulf %mul3A_501, %squeeze3A_500 : vector<512x128xf32>
    %add3A_503 = arith.addf %add3A_496, %mul3A_502 : vector<512x128xf32>
    %add3A_504 = arith.addf %add3A_497, %slice3A_498 : vector<512x1xf32>
    %slice3A_505 = vector.extract_strided_slice %div3A {offsets = [0, 51], sizes = [512, 1], strides = [1, 1]} : vector<512x128xf32> to vector<512x1xf32>
    %slice3A_506 = vector.extract_strided_slice %max3A_70 {offsets = [0, 6, 0], sizes = [512, 1, 128], strides = [1, 1, 1]} : vector<512x16x128xf32> to vector<512x1x128xf32>
    %squeeze3A_507 = vector.shape_cast %slice3A_506 : vector<512x1x128xf32> to vector<512x128xf32>
    %mul3A_508 = vector.broadcast %slice3A_505 : vector<512x1xf32> to vector<512x128xf32>
    %mul3A_509 = arith.mulf %mul3A_508, %squeeze3A_507 : vector<512x128xf32>
    %add3A_510 = arith.addf %add3A_503, %mul3A_509 : vector<512x128xf32>
    %add3A_511 = arith.addf %add3A_504, %slice3A_505 : vector<512x1xf32>
    %slice3A_512 = vector.extract_strided_slice %div3A {offsets = [0, 59], sizes = [512, 1], strides = [1, 1]} : vector<512x128xf32> to vector<512x1xf32>
    %slice3A_513 = vector.extract_strided_slice %max3A_70 {offsets = [0, 7, 0], sizes = [512, 1, 128], strides = [1, 1, 1]} : vector<512x16x128xf32> to vector<512x1x128xf32>
    %squeeze3A_514 = vector.shape_cast %slice3A_513 : vector<512x1x128xf32> to vector<512x128xf32>
    %mul3A_515 = vector.broadcast %slice3A_512 : vector<512x1xf32> to vector<512x128xf32>
    %mul3A_516 = arith.mulf %mul3A_515, %squeeze3A_514 : vector<512x128xf32>
    %add3A_517 = arith.addf %add3A_510, %mul3A_516 : vector<512x128xf32>
    %add3A_518 = arith.addf %add3A_511, %slice3A_512 : vector<512x1xf32>
    %slice3A_519 = vector.extract_strided_slice %div3A {offsets = [0, 67], sizes = [512, 1], strides = [1, 1]} : vector<512x128xf32> to vector<512x1xf32>
    %slice3A_520 = vector.extract_strided_slice %max3A_70 {offsets = [0, 8, 0], sizes = [512, 1, 128], strides = [1, 1, 1]} : vector<512x16x128xf32> to vector<512x1x128xf32>
    %squeeze3A_521 = vector.shape_cast %slice3A_520 : vector<512x1x128xf32> to vector<512x128xf32>
    %mul3A_522 = vector.broadcast %slice3A_519 : vector<512x1xf32> to vector<512x128xf32>
    %mul3A_523 = arith.mulf %mul3A_522, %squeeze3A_521 : vector<512x128xf32>
    %add3A_524 = arith.addf %add3A_517, %mul3A_523 : vector<512x128xf32>
    %add3A_525 = arith.addf %add3A_518, %slice3A_519 : vector<512x1xf32>
    %slice3A_526 = vector.extract_strided_slice %div3A {offsets = [0, 75], sizes = [512, 1], strides = [1, 1]} : vector<512x128xf32> to vector<512x1xf32>
    %slice3A_527 = vector.extract_strided_slice %max3A_70 {offsets = [0, 9, 0], sizes = [512, 1, 128], strides = [1, 1, 1]} : vector<512x16x128xf32> to vector<512x1x128xf32>
    %squeeze3A_528 = vector.shape_cast %slice3A_527 : vector<512x1x128xf32> to vector<512x128xf32>
    %mul3A_529 = vector.broadcast %slice3A_526 : vector<512x1xf32> to vector<512x128xf32>
    %mul3A_530 = arith.mulf %mul3A_529, %squeeze3A_528 : vector<512x128xf32>
    %add3A_531 = arith.addf %add3A_524, %mul3A_530 : vector<512x128xf32>
    %add3A_532 = arith.addf %add3A_525, %slice3A_526 : vector<512x1xf32>
    %slice3A_533 = vector.extract_strided_slice %div3A {offsets = [0, 83], sizes = [512, 1], strides = [1, 1]} : vector<512x128xf32> to vector<512x1xf32>
    %slice3A_534 = vector.extract_strided_slice %max3A_70 {offsets = [0, 10, 0], sizes = [512, 1, 128], strides = [1, 1, 1]} : vector<512x16x128xf32> to vector<512x1x128xf32>
    %squeeze3A_535 = vector.shape_cast %slice3A_534 : vector<512x1x128xf32> to vector<512x128xf32>
    %mul3A_536 = vector.broadcast %slice3A_533 : vector<512x1xf32> to vector<512x128xf32>
    %mul3A_537 = arith.mulf %mul3A_536, %squeeze3A_535 : vector<512x128xf32>
    %add3A_538 = arith.addf %add3A_531, %mul3A_537 : vector<512x128xf32>
    %add3A_539 = arith.addf %add3A_532, %slice3A_533 : vector<512x1xf32>
    %slice3A_540 = vector.extract_strided_slice %div3A {offsets = [0, 91], sizes = [512, 1], strides = [1, 1]} : vector<512x128xf32> to vector<512x1xf32>
    %slice3A_541 = vector.extract_strided_slice %max3A_70 {offsets = [0, 11, 0], sizes = [512, 1, 128], strides = [1, 1, 1]} : vector<512x16x128xf32> to vector<512x1x128xf32>
    %squeeze3A_542 = vector.shape_cast %slice3A_541 : vector<512x1x128xf32> to vector<512x128xf32>
    %mul3A_543 = vector.broadcast %slice3A_540 : vector<512x1xf32> to vector<512x128xf32>
    %mul3A_544 = arith.mulf %mul3A_543, %squeeze3A_542 : vector<512x128xf32>
    %add3A_545 = arith.addf %add3A_538, %mul3A_544 : vector<512x128xf32>
    %add3A_546 = arith.addf %add3A_539, %slice3A_540 : vector<512x1xf32>
    %slice3A_547 = vector.extract_strided_slice %div3A {offsets = [0, 99], sizes = [512, 1], strides = [1, 1]} : vector<512x128xf32> to vector<512x1xf32>
    %slice3A_548 = vector.extract_strided_slice %max3A_70 {offsets = [0, 12, 0], sizes = [512, 1, 128], strides = [1, 1, 1]} : vector<512x16x128xf32> to vector<512x1x128xf32>
    %squeeze3A_549 = vector.shape_cast %slice3A_548 : vector<512x1x128xf32> to vector<512x128xf32>
    %mul3A_550 = vector.broadcast %slice3A_547 : vector<512x1xf32> to vector<512x128xf32>
    %mul3A_551 = arith.mulf %mul3A_550, %squeeze3A_549 : vector<512x128xf32>
    %add3A_552 = arith.addf %add3A_545, %mul3A_551 : vector<512x128xf32>
    %add3A_553 = arith.addf %add3A_546, %slice3A_547 : vector<512x1xf32>
    %slice3A_554 = vector.extract_strided_slice %div3A {offsets = [0, 107], sizes = [512, 1], strides = [1, 1]} : vector<512x128xf32> to vector<512x1xf32>
    %slice3A_555 = vector.extract_strided_slice %max3A_70 {offsets = [0, 13, 0], sizes = [512, 1, 128], strides = [1, 1, 1]} : vector<512x16x128xf32> to vector<512x1x128xf32>
    %squeeze3A_556 = vector.shape_cast %slice3A_555 : vector<512x1x128xf32> to vector<512x128xf32>
    %mul3A_557 = vector.broadcast %slice3A_554 : vector<512x1xf32> to vector<512x128xf32>
    %mul3A_558 = arith.mulf %mul3A_557, %squeeze3A_556 : vector<512x128xf32>
    %add3A_559 = arith.addf %add3A_552, %mul3A_558 : vector<512x128xf32>
    %add3A_560 = arith.addf %add3A_553, %slice3A_554 : vector<512x1xf32>
    %slice3A_561 = vector.extract_strided_slice %div3A {offsets = [0, 115], sizes = [512, 1], strides = [1, 1]} : vector<512x128xf32> to vector<512x1xf32>
    %slice3A_562 = vector.extract_strided_slice %max3A_70 {offsets = [0, 14, 0], sizes = [512, 1, 128], strides = [1, 1, 1]} : vector<512x16x128xf32> to vector<512x1x128xf32>
    %squeeze3A_563 = vector.shape_cast %slice3A_562 : vector<512x1x128xf32> to vector<512x128xf32>
    %mul3A_564 = vector.broadcast %slice3A_561 : vector<512x1xf32> to vector<512x128xf32>
    %mul3A_565 = arith.mulf %mul3A_564, %squeeze3A_563 : vector<512x128xf32>
    %add3A_566 = arith.addf %add3A_559, %mul3A_565 : vector<512x128xf32>
    %add3A_567 = arith.addf %add3A_560, %slice3A_561 : vector<512x1xf32>
    %slice3A_568 = vector.extract_strided_slice %div3A {offsets = [0, 123], sizes = [512, 1], strides = [1, 1]} : vector<512x128xf32> to vector<512x1xf32>
    %slice3A_569 = vector.extract_strided_slice %max3A_70 {offsets = [0, 15, 0], sizes = [512, 1, 128], strides = [1, 1, 1]} : vector<512x16x128xf32> to vector<512x1x128xf32>
    %squeeze3A_570 = vector.shape_cast %slice3A_569 : vector<512x1x128xf32> to vector<512x128xf32>
    %mul3A_571 = vector.broadcast %slice3A_568 : vector<512x1xf32> to vector<512x128xf32>
    %mul3A_572 = arith.mulf %mul3A_571, %squeeze3A_570 : vector<512x128xf32>
    %add3A_573 = arith.addf %add3A_566, %mul3A_572 : vector<512x128xf32>
    %add3A_574 = arith.addf %add3A_567, %slice3A_568 : vector<512x1xf32>
    %get3A_575 = arith.constant 0 : index
    %get3A_576 = arith.constant 48 : index
    %get3A_577 = vector.load %arg14[%get3A_575, %get3A_576] : memref<128x128xf32, #tpu.memory_space<vmem>>, vector<128x16xf32>
    %dot_general3A_578 = arith.constant dense<0.000000e+00> : vector<512x16xf32>
    %dot_general3A_579 = tpu.matmul %add3A_573, %get3A_577, %dot_general3A_578 {dimension_numbers = #tpu.dot_dimension_numbers<[1], [0], [0], [1], [0, 0, 1, 1], [], []>, transpose_lhs_hint = false} : vector<512x128xf32>, vector<128x16xf32>, vector<512x16xf32> -> vector<512x16xf32>
    %slice3A_580 = vector.extract_strided_slice %get3A_73 {offsets = [0, 48], sizes = [1, 16], strides = [1, 1]} : vector<1x128xf32> to vector<1x16xf32>
    %mul3A_581 = vector.broadcast %add3A_574 : vector<512x1xf32> to vector<512x16xf32>
    %mul3A_582 = vector.broadcast %slice3A_580 : vector<1x16xf32> to vector<512x16xf32>
    %mul3A_583 = arith.mulf %mul3A_581, %mul3A_582 : vector<512x16xf32>
    %add3A_584 = arith.addf %dot_general3A_579, %mul3A_583 : vector<512x16xf32>
    %swap3A_585 = arith.constant 0 : index
    %swap3A_586 = arith.constant 48 : index
    %swap3A_587 = vector.load %arg16[%swap3A_585, %swap3A_586] : memref<512x128xf32, #tpu.memory_space<vmem>>, vector<512x16xf32>
    tpu.vector_store %arg16[%swap3A_585, %swap3A_586], %add3A_584 {strides = array<i32>} : memref<512x128xf32, #tpu.memory_space<vmem>>, vector<512x16xf32>,
    %broadcast_in_dim3A_588 = arith.constant 0.000000e+00 : f32
    %broadcast_in_dim3A_589 = vector.broadcast %broadcast_in_dim3A_588 : f32 to vector<512x128xf32>
    %broadcast_in_dim3A_590 = arith.constant 0.000000e+00 : f32
    %broadcast_in_dim3A_591 = vector.broadcast %broadcast_in_dim3A_590 : f32 to vector<512x1xf32>
    %slice3A_592 = vector.extract_strided_slice %div3A {offsets = [0, 4], sizes = [512, 1], strides = [1, 1]} : vector<512x128xf32> to vector<512x1xf32>
    %slice3A_593 = vector.extract_strided_slice %max3A_70 {offsets = [0, 0, 0], sizes = [512, 1, 128], strides = [1, 1, 1]} : vector<512x16x128xf32> to vector<512x1x128xf32>
    %squeeze3A_594 = vector.shape_cast %slice3A_593 : vector<512x1x128xf32> to vector<512x128xf32>
    %mul3A_595 = vector.broadcast %slice3A_592 : vector<512x1xf32> to vector<512x128xf32>
    %mul3A_596 = arith.mulf %mul3A_595, %squeeze3A_594 : vector<512x128xf32>
    %add3A_597 = arith.addf %broadcast_in_dim3A_589, %mul3A_596 : vector<512x128xf32>
    %add3A_598 = arith.addf %broadcast_in_dim3A_591, %slice3A_592 : vector<512x1xf32>
    %slice3A_599 = vector.extract_strided_slice %div3A {offsets = [0, 12], sizes = [512, 1], strides = [1, 1]} : vector<512x128xf32> to vector<512x1xf32>
    %slice3A_600 = vector.extract_strided_slice %max3A_70 {offsets = [0, 1, 0], sizes = [512, 1, 128], strides = [1, 1, 1]} : vector<512x16x128xf32> to vector<512x1x128xf32>
    %squeeze3A_601 = vector.shape_cast %slice3A_600 : vector<512x1x128xf32> to vector<512x128xf32>
    %mul3A_602 = vector.broadcast %slice3A_599 : vector<512x1xf32> to vector<512x128xf32>
    %mul3A_603 = arith.mulf %mul3A_602, %squeeze3A_601 : vector<512x128xf32>
    %add3A_604 = arith.addf %add3A_597, %mul3A_603 : vector<512x128xf32>
    %add3A_605 = arith.addf %add3A_598, %slice3A_599 : vector<512x1xf32>
    %slice3A_606 = vector.extract_strided_slice %div3A {offsets = [0, 20], sizes = [512, 1], strides = [1, 1]} : vector<512x128xf32> to vector<512x1xf32>
    %slice3A_607 = vector.extract_strided_slice %max3A_70 {offsets = [0, 2, 0], sizes = [512, 1, 128], strides = [1, 1, 1]} : vector<512x16x128xf32> to vector<512x1x128xf32>
    %squeeze3A_608 = vector.shape_cast %slice3A_607 : vector<512x1x128xf32> to vector<512x128xf32>
    %mul3A_609 = vector.broadcast %slice3A_606 : vector<512x1xf32> to vector<512x128xf32>
    %mul3A_610 = arith.mulf %mul3A_609, %squeeze3A_608 : vector<512x128xf32>
    %add3A_611 = arith.addf %add3A_604, %mul3A_610 : vector<512x128xf32>
    %add3A_612 = arith.addf %add3A_605, %slice3A_606 : vector<512x1xf32>
    %slice3A_613 = vector.extract_strided_slice %div3A {offsets = [0, 28], sizes = [512, 1], strides = [1, 1]} : vector<512x128xf32> to vector<512x1xf32>
    %slice3A_614 = vector.extract_strided_slice %max3A_70 {offsets = [0, 3, 0], sizes = [512, 1, 128], strides = [1, 1, 1]} : vector<512x16x128xf32> to vector<512x1x128xf32>
    %squeeze3A_615 = vector.shape_cast %slice3A_614 : vector<512x1x128xf32> to vector<512x128xf32>
    %mul3A_616 = vector.broadcast %slice3A_613 : vector<512x1xf32> to vector<512x128xf32>
    %mul3A_617 = arith.mulf %mul3A_616, %squeeze3A_615 : vector<512x128xf32>
    %add3A_618 = arith.addf %add3A_611, %mul3A_617 : vector<512x128xf32>
    %add3A_619 = arith.addf %add3A_612, %slice3A_613 : vector<512x1xf32>
    %slice3A_620 = vector.extract_strided_slice %div3A {offsets = [0, 36], sizes = [512, 1], strides = [1, 1]} : vector<512x128xf32> to vector<512x1xf32>
    %slice3A_621 = vector.extract_strided_slice %max3A_70 {offsets = [0, 4, 0], sizes = [512, 1, 128], strides = [1, 1, 1]} : vector<512x16x128xf32> to vector<512x1x128xf32>
    %squeeze3A_622 = vector.shape_cast %slice3A_621 : vector<512x1x128xf32> to vector<512x128xf32>
    %mul3A_623 = vector.broadcast %slice3A_620 : vector<512x1xf32> to vector<512x128xf32>
    %mul3A_624 = arith.mulf %mul3A_623, %squeeze3A_622 : vector<512x128xf32>
    %add3A_625 = arith.addf %add3A_618, %mul3A_624 : vector<512x128xf32>
    %add3A_626 = arith.addf %add3A_619, %slice3A_620 : vector<512x1xf32>
    %slice3A_627 = vector.extract_strided_slice %div3A {offsets = [0, 44], sizes = [512, 1], strides = [1, 1]} : vector<512x128xf32> to vector<512x1xf32>
    %slice3A_628 = vector.extract_strided_slice %max3A_70 {offsets = [0, 5, 0], sizes = [512, 1, 128], strides = [1, 1, 1]} : vector<512x16x128xf32> to vector<512x1x128xf32>
    %squeeze3A_629 = vector.shape_cast %slice3A_628 : vector<512x1x128xf32> to vector<512x128xf32>
    %mul3A_630 = vector.broadcast %slice3A_627 : vector<512x1xf32> to vector<512x128xf32>
    %mul3A_631 = arith.mulf %mul3A_630, %squeeze3A_629 : vector<512x128xf32>
    %add3A_632 = arith.addf %add3A_625, %mul3A_631 : vector<512x128xf32>
    %add3A_633 = arith.addf %add3A_626, %slice3A_627 : vector<512x1xf32>
    %slice3A_634 = vector.extract_strided_slice %div3A {offsets = [0, 52], sizes = [512, 1], strides = [1, 1]} : vector<512x128xf32> to vector<512x1xf32>
    %slice3A_635 = vector.extract_strided_slice %max3A_70 {offsets = [0, 6, 0], sizes = [512, 1, 128], strides = [1, 1, 1]} : vector<512x16x128xf32> to vector<512x1x128xf32>
    %squeeze3A_636 = vector.shape_cast %slice3A_635 : vector<512x1x128xf32> to vector<512x128xf32>
    %mul3A_637 = vector.broadcast %slice3A_634 : vector<512x1xf32> to vector<512x128xf32>
    %mul3A_638 = arith.mulf %mul3A_637, %squeeze3A_636 : vector<512x128xf32>
    %add3A_639 = arith.addf %add3A_632, %mul3A_638 : vector<512x128xf32>
    %add3A_640 = arith.addf %add3A_633, %slice3A_634 : vector<512x1xf32>
    %slice3A_641 = vector.extract_strided_slice %div3A {offsets = [0, 60], sizes = [512, 1], strides = [1, 1]} : vector<512x128xf32> to vector<512x1xf32>
    %slice3A_642 = vector.extract_strided_slice %max3A_70 {offsets = [0, 7, 0], sizes = [512, 1, 128], strides = [1, 1, 1]} : vector<512x16x128xf32> to vector<512x1x128xf32>
    %squeeze3A_643 = vector.shape_cast %slice3A_642 : vector<512x1x128xf32> to vector<512x128xf32>
    %mul3A_644 = vector.broadcast %slice3A_641 : vector<512x1xf32> to vector<512x128xf32>
    %mul3A_645 = arith.mulf %mul3A_644, %squeeze3A_643 : vector<512x128xf32>
    %add3A_646 = arith.addf %add3A_639, %mul3A_645 : vector<512x128xf32>
    %add3A_647 = arith.addf %add3A_640, %slice3A_641 : vector<512x1xf32>
    %slice3A_648 = vector.extract_strided_slice %div3A {offsets = [0, 68], sizes = [512, 1], strides = [1, 1]} : vector<512x128xf32> to vector<512x1xf32>
    %slice3A_649 = vector.extract_strided_slice %max3A_70 {offsets = [0, 8, 0], sizes = [512, 1, 128], strides = [1, 1, 1]} : vector<512x16x128xf32> to vector<512x1x128xf32>
    %squeeze3A_650 = vector.shape_cast %slice3A_649 : vector<512x1x128xf32> to vector<512x128xf32>
    %mul3A_651 = vector.broadcast %slice3A_648 : vector<512x1xf32> to vector<512x128xf32>
    %mul3A_652 = arith.mulf %mul3A_651, %squeeze3A_650 : vector<512x128xf32>
    %add3A_653 = arith.addf %add3A_646, %mul3A_652 : vector<512x128xf32>
    %add3A_654 = arith.addf %add3A_647, %slice3A_648 : vector<512x1xf32>
    %slice3A_655 = vector.extract_strided_slice %div3A {offsets = [0, 76], sizes = [512, 1], strides = [1, 1]} : vector<512x128xf32> to vector<512x1xf32>
    %slice3A_656 = vector.extract_strided_slice %max3A_70 {offsets = [0, 9, 0], sizes = [512, 1, 128], strides = [1, 1, 1]} : vector<512x16x128xf32> to vector<512x1x128xf32>
    %squeeze3A_657 = vector.shape_cast %slice3A_656 : vector<512x1x128xf32> to vector<512x128xf32>
    %mul3A_658 = vector.broadcast %slice3A_655 : vector<512x1xf32> to vector<512x128xf32>
    %mul3A_659 = arith.mulf %mul3A_658, %squeeze3A_657 : vector<512x128xf32>
    %add3A_660 = arith.addf %add3A_653, %mul3A_659 : vector<512x128xf32>
    %add3A_661 = arith.addf %add3A_654, %slice3A_655 : vector<512x1xf32>
    %slice3A_662 = vector.extract_strided_slice %div3A {offsets = [0, 84], sizes = [512, 1], strides = [1, 1]} : vector<512x128xf32> to vector<512x1xf32>
    %slice3A_663 = vector.extract_strided_slice %max3A_70 {offsets = [0, 10, 0], sizes = [512, 1, 128], strides = [1, 1, 1]} : vector<512x16x128xf32> to vector<512x1x128xf32>
    %squeeze3A_664 = vector.shape_cast %slice3A_663 : vector<512x1x128xf32> to vector<512x128xf32>
    %mul3A_665 = vector.broadcast %slice3A_662 : vector<512x1xf32> to vector<512x128xf32>
    %mul3A_666 = arith.mulf %mul3A_665, %squeeze3A_664 : vector<512x128xf32>
    %add3A_667 = arith.addf %add3A_660, %mul3A_666 : vector<512x128xf32>
    %add3A_668 = arith.addf %add3A_661, %slice3A_662 : vector<512x1xf32>
    %slice3A_669 = vector.extract_strided_slice %div3A {offsets = [0, 92], sizes = [512, 1], strides = [1, 1]} : vector<512x128xf32> to vector<512x1xf32>
    %slice3A_670 = vector.extract_strided_slice %max3A_70 {offsets = [0, 11, 0], sizes = [512, 1, 128], strides = [1, 1, 1]} : vector<512x16x128xf32> to vector<512x1x128xf32>
    %squeeze3A_671 = vector.shape_cast %slice3A_670 : vector<512x1x128xf32> to vector<512x128xf32>
    %mul3A_672 = vector.broadcast %slice3A_669 : vector<512x1xf32> to vector<512x128xf32>
    %mul3A_673 = arith.mulf %mul3A_672, %squeeze3A_671 : vector<512x128xf32>
    %add3A_674 = arith.addf %add3A_667, %mul3A_673 : vector<512x128xf32>
    %add3A_675 = arith.addf %add3A_668, %slice3A_669 : vector<512x1xf32>
    %slice3A_676 = vector.extract_strided_slice %div3A {offsets = [0, 100], sizes = [512, 1], strides = [1, 1]} : vector<512x128xf32> to vector<512x1xf32>
    %slice3A_677 = vector.extract_strided_slice %max3A_70 {offsets = [0, 12, 0], sizes = [512, 1, 128], strides = [1, 1, 1]} : vector<512x16x128xf32> to vector<512x1x128xf32>
    %squeeze3A_678 = vector.shape_cast %slice3A_677 : vector<512x1x128xf32> to vector<512x128xf32>
    %mul3A_679 = vector.broadcast %slice3A_676 : vector<512x1xf32> to vector<512x128xf32>
    %mul3A_680 = arith.mulf %mul3A_679, %squeeze3A_678 : vector<512x128xf32>
    %add3A_681 = arith.addf %add3A_674, %mul3A_680 : vector<512x128xf32>
    %add3A_682 = arith.addf %add3A_675, %slice3A_676 : vector<512x1xf32>
    %slice3A_683 = vector.extract_strided_slice %div3A {offsets = [0, 108], sizes = [512, 1], strides = [1, 1]} : vector<512x128xf32> to vector<512x1xf32>
    %slice3A_684 = vector.extract_strided_slice %max3A_70 {offsets = [0, 13, 0], sizes = [512, 1, 128], strides = [1, 1, 1]} : vector<512x16x128xf32> to vector<512x1x128xf32>
    %squeeze3A_685 = vector.shape_cast %slice3A_684 : vector<512x1x128xf32> to vector<512x128xf32>
    %mul3A_686 = vector.broadcast %slice3A_683 : vector<512x1xf32> to vector<512x128xf32>
    %mul3A_687 = arith.mulf %mul3A_686, %squeeze3A_685 : vector<512x128xf32>
    %add3A_688 = arith.addf %add3A_681, %mul3A_687 : vector<512x128xf32>
    %add3A_689 = arith.addf %add3A_682, %slice3A_683 : vector<512x1xf32>
    %slice3A_690 = vector.extract_strided_slice %div3A {offsets = [0, 116], sizes = [512, 1], strides = [1, 1]} : vector<512x128xf32> to vector<512x1xf32>
    %slice3A_691 = vector.extract_strided_slice %max3A_70 {offsets = [0, 14, 0], sizes = [512, 1, 128], strides = [1, 1, 1]} : vector<512x16x128xf32> to vector<512x1x128xf32>
    %squeeze3A_692 = vector.shape_cast %slice3A_691 : vector<512x1x128xf32> to vector<512x128xf32>
    %mul3A_693 = vector.broadcast %slice3A_690 : vector<512x1xf32> to vector<512x128xf32>
    %mul3A_694 = arith.mulf %mul3A_693, %squeeze3A_692 : vector<512x128xf32>
    %add3A_695 = arith.addf %add3A_688, %mul3A_694 : vector<512x128xf32>
    %add3A_696 = arith.addf %add3A_689, %slice3A_690 : vector<512x1xf32>
    %slice3A_697 = vector.extract_strided_slice %div3A {offsets = [0, 124], sizes = [512, 1], strides = [1, 1]} : vector<512x128xf32> to vector<512x1xf32>
    %slice3A_698 = vector.extract_strided_slice %max3A_70 {offsets = [0, 15, 0], sizes = [512, 1, 128], strides = [1, 1, 1]} : vector<512x16x128xf32> to vector<512x1x128xf32>
    %squeeze3A_699 = vector.shape_cast %slice3A_698 : vector<512x1x128xf32> to vector<512x128xf32>
    %mul3A_700 = vector.broadcast %slice3A_697 : vector<512x1xf32> to vector<512x128xf32>
    %mul3A_701 = arith.mulf %mul3A_700, %squeeze3A_699 : vector<512x128xf32>
    %add3A_702 = arith.addf %add3A_695, %mul3A_701 : vector<512x128xf32>
    %add3A_703 = arith.addf %add3A_696, %slice3A_697 : vector<512x1xf32>
    %get3A_704 = arith.constant 0 : index
    %get3A_705 = arith.constant 64 : index
    %get3A_706 = vector.load %arg14[%get3A_704, %get3A_705] : memref<128x128xf32, #tpu.memory_space<vmem>>, vector<128x16xf32>
    %dot_general3A_707 = arith.constant dense<0.000000e+00> : vector<512x16xf32>
    %dot_general3A_708 = tpu.matmul %add3A_702, %get3A_706, %dot_general3A_707 {dimension_numbers = #tpu.dot_dimension_numbers<[1], [0], [0], [1], [0, 0, 1, 1], [], []>, transpose_lhs_hint = false} : vector<512x128xf32>, vector<128x16xf32>, vector<512x16xf32> -> vector<512x16xf32>
    %slice3A_709 = vector.extract_strided_slice %get3A_73 {offsets = [0, 64], sizes = [1, 16], strides = [1, 1]} : vector<1x128xf32> to vector<1x16xf32>
    %mul3A_710 = vector.broadcast %add3A_703 : vector<512x1xf32> to vector<512x16xf32>
    %mul3A_711 = vector.broadcast %slice3A_709 : vector<1x16xf32> to vector<512x16xf32>
    %mul3A_712 = arith.mulf %mul3A_710, %mul3A_711 : vector<512x16xf32>
    %add3A_713 = arith.addf %dot_general3A_708, %mul3A_712 : vector<512x16xf32>
    %swap3A_714 = arith.constant 0 : index
    %swap3A_715 = arith.constant 64 : index
    %swap3A_716 = vector.load %arg16[%swap3A_714, %swap3A_715] : memref<512x128xf32, #tpu.memory_space<vmem>>, vector<512x16xf32>
    tpu.vector_store %arg16[%swap3A_714, %swap3A_715], %add3A_713 {strides = array<i32>} : memref<512x128xf32, #tpu.memory_space<vmem>>, vector<512x16xf32>,
    %broadcast_in_dim3A_717 = arith.constant 0.000000e+00 : f32
    %broadcast_in_dim3A_718 = vector.broadcast %broadcast_in_dim3A_717 : f32 to vector<512x128xf32>
    %broadcast_in_dim3A_719 = arith.constant 0.000000e+00 : f32
    %broadcast_in_dim3A_720 = vector.broadcast %broadcast_in_dim3A_719 : f32 to vector<512x1xf32>
    %slice3A_721 = vector.extract_strided_slice %div3A {offsets = [0, 5], sizes = [512, 1], strides = [1, 1]} : vector<512x128xf32> to vector<512x1xf32>
    %slice3A_722 = vector.extract_strided_slice %max3A_70 {offsets = [0, 0, 0], sizes = [512, 1, 128], strides = [1, 1, 1]} : vector<512x16x128xf32> to vector<512x1x128xf32>
    %squeeze3A_723 = vector.shape_cast %slice3A_722 : vector<512x1x128xf32> to vector<512x128xf32>
    %mul3A_724 = vector.broadcast %slice3A_721 : vector<512x1xf32> to vector<512x128xf32>
    %mul3A_725 = arith.mulf %mul3A_724, %squeeze3A_723 : vector<512x128xf32>
    %add3A_726 = arith.addf %broadcast_in_dim3A_718, %mul3A_725 : vector<512x128xf32>
    %add3A_727 = arith.addf %broadcast_in_dim3A_720, %slice3A_721 : vector<512x1xf32>
    %slice3A_728 = vector.extract_strided_slice %div3A {offsets = [0, 13], sizes = [512, 1], strides = [1, 1]} : vector<512x128xf32> to vector<512x1xf32>
    %slice3A_729 = vector.extract_strided_slice %max3A_70 {offsets = [0, 1, 0], sizes = [512, 1, 128], strides = [1, 1, 1]} : vector<512x16x128xf32> to vector<512x1x128xf32>
    %squeeze3A_730 = vector.shape_cast %slice3A_729 : vector<512x1x128xf32> to vector<512x128xf32>
    %mul3A_731 = vector.broadcast %slice3A_728 : vector<512x1xf32> to vector<512x128xf32>
    %mul3A_732 = arith.mulf %mul3A_731, %squeeze3A_730 : vector<512x128xf32>
    %add3A_733 = arith.addf %add3A_726, %mul3A_732 : vector<512x128xf32>
    %add3A_734 = arith.addf %add3A_727, %slice3A_728 : vector<512x1xf32>
    %slice3A_735 = vector.extract_strided_slice %div3A {offsets = [0, 21], sizes = [512, 1], strides = [1, 1]} : vector<512x128xf32> to vector<512x1xf32>
    %slice3A_736 = vector.extract_strided_slice %max3A_70 {offsets = [0, 2, 0], sizes = [512, 1, 128], strides = [1, 1, 1]} : vector<512x16x128xf32> to vector<512x1x128xf32>
    %squeeze3A_737 = vector.shape_cast %slice3A_736 : vector<512x1x128xf32> to vector<512x128xf32>
    %mul3A_738 = vector.broadcast %slice3A_735 : vector<512x1xf32> to vector<512x128xf32>
    %mul3A_739 = arith.mulf %mul3A_738, %squeeze3A_737 : vector<512x128xf32>
    %add3A_740 = arith.addf %add3A_733, %mul3A_739 : vector<512x128xf32>
    %add3A_741 = arith.addf %add3A_734, %slice3A_735 : vector<512x1xf32>
    %slice3A_742 = vector.extract_strided_slice %div3A {offsets = [0, 29], sizes = [512, 1], strides = [1, 1]} : vector<512x128xf32> to vector<512x1xf32>
    %slice3A_743 = vector.extract_strided_slice %max3A_70 {offsets = [0, 3, 0], sizes = [512, 1, 128], strides = [1, 1, 1]} : vector<512x16x128xf32> to vector<512x1x128xf32>
    %squeeze3A_744 = vector.shape_cast %slice3A_743 : vector<512x1x128xf32> to vector<512x128xf32>
    %mul3A_745 = vector.broadcast %slice3A_742 : vector<512x1xf32> to vector<512x128xf32>
    %mul3A_746 = arith.mulf %mul3A_745, %squeeze3A_744 : vector<512x128xf32>
    %add3A_747 = arith.addf %add3A_740, %mul3A_746 : vector<512x128xf32>
    %add3A_748 = arith.addf %add3A_741, %slice3A_742 : vector<512x1xf32>
    %slice3A_749 = vector.extract_strided_slice %div3A {offsets = [0, 37], sizes = [512, 1], strides = [1, 1]} : vector<512x128xf32> to vector<512x1xf32>
    %slice3A_750 = vector.extract_strided_slice %max3A_70 {offsets = [0, 4, 0], sizes = [512, 1, 128], strides = [1, 1, 1]} : vector<512x16x128xf32> to vector<512x1x128xf32>
    %squeeze3A_751 = vector.shape_cast %slice3A_750 : vector<512x1x128xf32> to vector<512x128xf32>
    %mul3A_752 = vector.broadcast %slice3A_749 : vector<512x1xf32> to vector<512x128xf32>
    %mul3A_753 = arith.mulf %mul3A_752, %squeeze3A_751 : vector<512x128xf32>
    %add3A_754 = arith.addf %add3A_747, %mul3A_753 : vector<512x128xf32>
    %add3A_755 = arith.addf %add3A_748, %slice3A_749 : vector<512x1xf32>
    %slice3A_756 = vector.extract_strided_slice %div3A {offsets = [0, 45], sizes = [512, 1], strides = [1, 1]} : vector<512x128xf32> to vector<512x1xf32>
    %slice3A_757 = vector.extract_strided_slice %max3A_70 {offsets = [0, 5, 0], sizes = [512, 1, 128], strides = [1, 1, 1]} : vector<512x16x128xf32> to vector<512x1x128xf32>
    %squeeze3A_758 = vector.shape_cast %slice3A_757 : vector<512x1x128xf32> to vector<512x128xf32>
    %mul3A_759 = vector.broadcast %slice3A_756 : vector<512x1xf32> to vector<512x128xf32>
    %mul3A_760 = arith.mulf %mul3A_759, %squeeze3A_758 : vector<512x128xf32>
    %add3A_761 = arith.addf %add3A_754, %mul3A_760 : vector<512x128xf32>
    %add3A_762 = arith.addf %add3A_755, %slice3A_756 : vector<512x1xf32>
    %slice3A_763 = vector.extract_strided_slice %div3A {offsets = [0, 53], sizes = [512, 1], strides = [1, 1]} : vector<512x128xf32> to vector<512x1xf32>
    %slice3A_764 = vector.extract_strided_slice %max3A_70 {offsets = [0, 6, 0], sizes = [512, 1, 128], strides = [1, 1, 1]} : vector<512x16x128xf32> to vector<512x1x128xf32>
    %squeeze3A_765 = vector.shape_cast %slice3A_764 : vector<512x1x128xf32> to vector<512x128xf32>
    %mul3A_766 = vector.broadcast %slice3A_763 : vector<512x1xf32> to vector<512x128xf32>
    %mul3A_767 = arith.mulf %mul3A_766, %squeeze3A_765 : vector<512x128xf32>
    %add3A_768 = arith.addf %add3A_761, %mul3A_767 : vector<512x128xf32>
    %add3A_769 = arith.addf %add3A_762, %slice3A_763 : vector<512x1xf32>
    %slice3A_770 = vector.extract_strided_slice %div3A {offsets = [0, 61], sizes = [512, 1], strides = [1, 1]} : vector<512x128xf32> to vector<512x1xf32>
    %slice3A_771 = vector.extract_strided_slice %max3A_70 {offsets = [0, 7, 0], sizes = [512, 1, 128], strides = [1, 1, 1]} : vector<512x16x128xf32> to vector<512x1x128xf32>
    %squeeze3A_772 = vector.shape_cast %slice3A_771 : vector<512x1x128xf32> to vector<512x128xf32>
    %mul3A_773 = vector.broadcast %slice3A_770 : vector<512x1xf32> to vector<512x128xf32>
    %mul3A_774 = arith.mulf %mul3A_773, %squeeze3A_772 : vector<512x128xf32>
    %add3A_775 = arith.addf %add3A_768, %mul3A_774 : vector<512x128xf32>
    %add3A_776 = arith.addf %add3A_769, %slice3A_770 : vector<512x1xf32>
    %slice3A_777 = vector.extract_strided_slice %div3A {offsets = [0, 69], sizes = [512, 1], strides = [1, 1]} : vector<512x128xf32> to vector<512x1xf32>
    %slice3A_778 = vector.extract_strided_slice %max3A_70 {offsets = [0, 8, 0], sizes = [512, 1, 128], strides = [1, 1, 1]} : vector<512x16x128xf32> to vector<512x1x128xf32>
    %squeeze3A_779 = vector.shape_cast %slice3A_778 : vector<512x1x128xf32> to vector<512x128xf32>
    %mul3A_780 = vector.broadcast %slice3A_777 : vector<512x1xf32> to vector<512x128xf32>
    %mul3A_781 = arith.mulf %mul3A_780, %squeeze3A_779 : vector<512x128xf32>
    %add3A_782 = arith.addf %add3A_775, %mul3A_781 : vector<512x128xf32>
    %add3A_783 = arith.addf %add3A_776, %slice3A_777 : vector<512x1xf32>
    %slice3A_784 = vector.extract_strided_slice %div3A {offsets = [0, 77], sizes = [512, 1], strides = [1, 1]} : vector<512x128xf32> to vector<512x1xf32>
    %slice3A_785 = vector.extract_strided_slice %max3A_70 {offsets = [0, 9, 0], sizes = [512, 1, 128], strides = [1, 1, 1]} : vector<512x16x128xf32> to vector<512x1x128xf32>
    %squeeze3A_786 = vector.shape_cast %slice3A_785 : vector<512x1x128xf32> to vector<512x128xf32>
    %mul3A_787 = vector.broadcast %slice3A_784 : vector<512x1xf32> to vector<512x128xf32>
    %mul3A_788 = arith.mulf %mul3A_787, %squeeze3A_786 : vector<512x128xf32>
    %add3A_789 = arith.addf %add3A_782, %mul3A_788 : vector<512x128xf32>
    %add3A_790 = arith.addf %add3A_783, %slice3A_784 : vector<512x1xf32>
    %slice3A_791 = vector.extract_strided_slice %div3A {offsets = [0, 85], sizes = [512, 1], strides = [1, 1]} : vector<512x128xf32> to vector<512x1xf32>
    %slice3A_792 = vector.extract_strided_slice %max3A_70 {offsets = [0, 10, 0], sizes = [512, 1, 128], strides = [1, 1, 1]} : vector<512x16x128xf32> to vector<512x1x128xf32>
    %squeeze3A_793 = vector.shape_cast %slice3A_792 : vector<512x1x128xf32> to vector<512x128xf32>
    %mul3A_794 = vector.broadcast %slice3A_791 : vector<512x1xf32> to vector<512x128xf32>
    %mul3A_795 = arith.mulf %mul3A_794, %squeeze3A_793 : vector<512x128xf32>
    %add3A_796 = arith.addf %add3A_789, %mul3A_795 : vector<512x128xf32>
    %add3A_797 = arith.addf %add3A_790, %slice3A_791 : vector<512x1xf32>
    %slice3A_798 = vector.extract_strided_slice %div3A {offsets = [0, 93], sizes = [512, 1], strides = [1, 1]} : vector<512x128xf32> to vector<512x1xf32>
    %slice3A_799 = vector.extract_strided_slice %max3A_70 {offsets = [0, 11, 0], sizes = [512, 1, 128], strides = [1, 1, 1]} : vector<512x16x128xf32> to vector<512x1x128xf32>
    %squeeze3A_800 = vector.shape_cast %slice3A_799 : vector<512x1x128xf32> to vector<512x128xf32>
    %mul3A_801 = vector.broadcast %slice3A_798 : vector<512x1xf32> to vector<512x128xf32>
    %mul3A_802 = arith.mulf %mul3A_801, %squeeze3A_800 : vector<512x128xf32>
    %add3A_803 = arith.addf %add3A_796, %mul3A_802 : vector<512x128xf32>
    %add3A_804 = arith.addf %add3A_797, %slice3A_798 : vector<512x1xf32>
    %slice3A_805 = vector.extract_strided_slice %div3A {offsets = [0, 101], sizes = [512, 1], strides = [1, 1]} : vector<512x128xf32> to vector<512x1xf32>
    %slice3A_806 = vector.extract_strided_slice %max3A_70 {offsets = [0, 12, 0], sizes = [512, 1, 128], strides = [1, 1, 1]} : vector<512x16x128xf32> to vector<512x1x128xf32>
    %squeeze3A_807 = vector.shape_cast %slice3A_806 : vector<512x1x128xf32> to vector<512x128xf32>
    %mul3A_808 = vector.broadcast %slice3A_805 : vector<512x1xf32> to vector<512x128xf32>
    %mul3A_809 = arith.mulf %mul3A_808, %squeeze3A_807 : vector<512x128xf32>
    %add3A_810 = arith.addf %add3A_803, %mul3A_809 : vector<512x128xf32>
    %add3A_811 = arith.addf %add3A_804, %slice3A_805 : vector<512x1xf32>
    %slice3A_812 = vector.extract_strided_slice %div3A {offsets = [0, 109], sizes = [512, 1], strides = [1, 1]} : vector<512x128xf32> to vector<512x1xf32>
    %slice3A_813 = vector.extract_strided_slice %max3A_70 {offsets = [0, 13, 0], sizes = [512, 1, 128], strides = [1, 1, 1]} : vector<512x16x128xf32> to vector<512x1x128xf32>
    %squeeze3A_814 = vector.shape_cast %slice3A_813 : vector<512x1x128xf32> to vector<512x128xf32>
    %mul3A_815 = vector.broadcast %slice3A_812 : vector<512x1xf32> to vector<512x128xf32>
    %mul3A_816 = arith.mulf %mul3A_815, %squeeze3A_814 : vector<512x128xf32>
    %add3A_817 = arith.addf %add3A_810, %mul3A_816 : vector<512x128xf32>
    %add3A_818 = arith.addf %add3A_811, %slice3A_812 : vector<512x1xf32>
    %slice3A_819 = vector.extract_strided_slice %div3A {offsets = [0, 117], sizes = [512, 1], strides = [1, 1]} : vector<512x128xf32> to vector<512x1xf32>
    %slice3A_820 = vector.extract_strided_slice %max3A_70 {offsets = [0, 14, 0], sizes = [512, 1, 128], strides = [1, 1, 1]} : vector<512x16x128xf32> to vector<512x1x128xf32>
    %squeeze3A_821 = vector.shape_cast %slice3A_820 : vector<512x1x128xf32> to vector<512x128xf32>
    %mul3A_822 = vector.broadcast %slice3A_819 : vector<512x1xf32> to vector<512x128xf32>
    %mul3A_823 = arith.mulf %mul3A_822, %squeeze3A_821 : vector<512x128xf32>
    %add3A_824 = arith.addf %add3A_817, %mul3A_823 : vector<512x128xf32>
    %add3A_825 = arith.addf %add3A_818, %slice3A_819 : vector<512x1xf32>
    %slice3A_826 = vector.extract_strided_slice %div3A {offsets = [0, 125], sizes = [512, 1], strides = [1, 1]} : vector<512x128xf32> to vector<512x1xf32>
    %slice3A_827 = vector.extract_strided_slice %max3A_70 {offsets = [0, 15, 0], sizes = [512, 1, 128], strides = [1, 1, 1]} : vector<512x16x128xf32> to vector<512x1x128xf32>
    %squeeze3A_828 = vector.shape_cast %slice3A_827 : vector<512x1x128xf32> to vector<512x128xf32>
    %mul3A_829 = vector.broadcast %slice3A_826 : vector<512x1xf32> to vector<512x128xf32>
    %mul3A_830 = arith.mulf %mul3A_829, %squeeze3A_828 : vector<512x128xf32>
    %add3A_831 = arith.addf %add3A_824, %mul3A_830 : vector<512x128xf32>
    %add3A_832 = arith.addf %add3A_825, %slice3A_826 : vector<512x1xf32>
    %get3A_833 = arith.constant 0 : index
    %get3A_834 = arith.constant 80 : index
    %get3A_835 = vector.load %arg14[%get3A_833, %get3A_834] : memref<128x128xf32, #tpu.memory_space<vmem>>, vector<128x16xf32>
    %dot_general3A_836 = arith.constant dense<0.000000e+00> : vector<512x16xf32>
    %dot_general3A_837 = tpu.matmul %add3A_831, %get3A_835, %dot_general3A_836 {dimension_numbers = #tpu.dot_dimension_numbers<[1], [0], [0], [1], [0, 0, 1, 1], [], []>, transpose_lhs_hint = false} : vector<512x128xf32>, vector<128x16xf32>, vector<512x16xf32> -> vector<512x16xf32>
    %slice3A_838 = vector.extract_strided_slice %get3A_73 {offsets = [0, 80], sizes = [1, 16], strides = [1, 1]} : vector<1x128xf32> to vector<1x16xf32>
    %mul3A_839 = vector.broadcast %add3A_832 : vector<512x1xf32> to vector<512x16xf32>
    %mul3A_840 = vector.broadcast %slice3A_838 : vector<1x16xf32> to vector<512x16xf32>
    %mul3A_841 = arith.mulf %mul3A_839, %mul3A_840 : vector<512x16xf32>
    %add3A_842 = arith.addf %dot_general3A_837, %mul3A_841 : vector<512x16xf32>
    %swap3A_843 = arith.constant 0 : index
    %swap3A_844 = arith.constant 80 : index
    %swap3A_845 = vector.load %arg16[%swap3A_843, %swap3A_844] : memref<512x128xf32, #tpu.memory_space<vmem>>, vector<512x16xf32>
    tpu.vector_store %arg16[%swap3A_843, %swap3A_844], %add3A_842 {strides = array<i32>} : memref<512x128xf32, #tpu.memory_space<vmem>>, vector<512x16xf32>,
    %broadcast_in_dim3A_846 = arith.constant 0.000000e+00 : f32
    %broadcast_in_dim3A_847 = vector.broadcast %broadcast_in_dim3A_846 : f32 to vector<512x128xf32>
    %broadcast_in_dim3A_848 = arith.constant 0.000000e+00 : f32
    %broadcast_in_dim3A_849 = vector.broadcast %broadcast_in_dim3A_848 : f32 to vector<512x1xf32>
    %slice3A_850 = vector.extract_strided_slice %div3A {offsets = [0, 6], sizes = [512, 1], strides = [1, 1]} : vector<512x128xf32> to vector<512x1xf32>
    %slice3A_851 = vector.extract_strided_slice %max3A_70 {offsets = [0, 0, 0], sizes = [512, 1, 128], strides = [1, 1, 1]} : vector<512x16x128xf32> to vector<512x1x128xf32>
    %squeeze3A_852 = vector.shape_cast %slice3A_851 : vector<512x1x128xf32> to vector<512x128xf32>
    %mul3A_853 = vector.broadcast %slice3A_850 : vector<512x1xf32> to vector<512x128xf32>
    %mul3A_854 = arith.mulf %mul3A_853, %squeeze3A_852 : vector<512x128xf32>
    %add3A_855 = arith.addf %broadcast_in_dim3A_847, %mul3A_854 : vector<512x128xf32>
    %add3A_856 = arith.addf %broadcast_in_dim3A_849, %slice3A_850 : vector<512x1xf32>
    %slice3A_857 = vector.extract_strided_slice %div3A {offsets = [0, 14], sizes = [512, 1], strides = [1, 1]} : vector<512x128xf32> to vector<512x1xf32>
    %slice3A_858 = vector.extract_strided_slice %max3A_70 {offsets = [0, 1, 0], sizes = [512, 1, 128], strides = [1, 1, 1]} : vector<512x16x128xf32> to vector<512x1x128xf32>
    %squeeze3A_859 = vector.shape_cast %slice3A_858 : vector<512x1x128xf32> to vector<512x128xf32>
    %mul3A_860 = vector.broadcast %slice3A_857 : vector<512x1xf32> to vector<512x128xf32>
    %mul3A_861 = arith.mulf %mul3A_860, %squeeze3A_859 : vector<512x128xf32>
    %add3A_862 = arith.addf %add3A_855, %mul3A_861 : vector<512x128xf32>
    %add3A_863 = arith.addf %add3A_856, %slice3A_857 : vector<512x1xf32>
    %slice3A_864 = vector.extract_strided_slice %div3A {offsets = [0, 22], sizes = [512, 1], strides = [1, 1]} : vector<512x128xf32> to vector<512x1xf32>
    %slice3A_865 = vector.extract_strided_slice %max3A_70 {offsets = [0, 2, 0], sizes = [512, 1, 128], strides = [1, 1, 1]} : vector<512x16x128xf32> to vector<512x1x128xf32>
    %squeeze3A_866 = vector.shape_cast %slice3A_865 : vector<512x1x128xf32> to vector<512x128xf32>
    %mul3A_867 = vector.broadcast %slice3A_864 : vector<512x1xf32> to vector<512x128xf32>
    %mul3A_868 = arith.mulf %mul3A_867, %squeeze3A_866 : vector<512x128xf32>
    %add3A_869 = arith.addf %add3A_862, %mul3A_868 : vector<512x128xf32>
    %add3A_870 = arith.addf %add3A_863, %slice3A_864 : vector<512x1xf32>
    %slice3A_871 = vector.extract_strided_slice %div3A {offsets = [0, 30], sizes = [512, 1], strides = [1, 1]} : vector<512x128xf32> to vector<512x1xf32>
    %slice3A_872 = vector.extract_strided_slice %max3A_70 {offsets = [0, 3, 0], sizes = [512, 1, 128], strides = [1, 1, 1]} : vector<512x16x128xf32> to vector<512x1x128xf32>
    %squeeze3A_873 = vector.shape_cast %slice3A_872 : vector<512x1x128xf32> to vector<512x128xf32>
    %mul3A_874 = vector.broadcast %slice3A_871 : vector<512x1xf32> to vector<512x128xf32>
    %mul3A_875 = arith.mulf %mul3A_874, %squeeze3A_873 : vector<512x128xf32>
    %add3A_876 = arith.addf %add3A_869, %mul3A_875 : vector<512x128xf32>
    %add3A_877 = arith.addf %add3A_870, %slice3A_871 : vector<512x1xf32>
    %slice3A_878 = vector.extract_strided_slice %div3A {offsets = [0, 38], sizes = [512, 1], strides = [1, 1]} : vector<512x128xf32> to vector<512x1xf32>
    %slice3A_879 = vector.extract_strided_slice %max3A_70 {offsets = [0, 4, 0], sizes = [512, 1, 128], strides = [1, 1, 1]} : vector<512x16x128xf32> to vector<512x1x128xf32>
    %squeeze3A_880 = vector.shape_cast %slice3A_879 : vector<512x1x128xf32> to vector<512x128xf32>
    %mul3A_881 = vector.broadcast %slice3A_878 : vector<512x1xf32> to vector<512x128xf32>
    %mul3A_882 = arith.mulf %mul3A_881, %squeeze3A_880 : vector<512x128xf32>
    %add3A_883 = arith.addf %add3A_876, %mul3A_882 : vector<512x128xf32>
    %add3A_884 = arith.addf %add3A_877, %slice3A_878 : vector<512x1xf32>
    %slice3A_885 = vector.extract_strided_slice %div3A {offsets = [0, 46], sizes = [512, 1], strides = [1, 1]} : vector<512x128xf32> to vector<512x1xf32>
    %slice3A_886 = vector.extract_strided_slice %max3A_70 {offsets = [0, 5, 0], sizes = [512, 1, 128], strides = [1, 1, 1]} : vector<512x16x128xf32> to vector<512x1x128xf32>
    %squeeze3A_887 = vector.shape_cast %slice3A_886 : vector<512x1x128xf32> to vector<512x128xf32>
    %mul3A_888 = vector.broadcast %slice3A_885 : vector<512x1xf32> to vector<512x128xf32>
    %mul3A_889 = arith.mulf %mul3A_888, %squeeze3A_887 : vector<512x128xf32>
    %add3A_890 = arith.addf %add3A_883, %mul3A_889 : vector<512x128xf32>
    %add3A_891 = arith.addf %add3A_884, %slice3A_885 : vector<512x1xf32>
    %slice3A_892 = vector.extract_strided_slice %div3A {offsets = [0, 54], sizes = [512, 1], strides = [1, 1]} : vector<512x128xf32> to vector<512x1xf32>
    %slice3A_893 = vector.extract_strided_slice %max3A_70 {offsets = [0, 6, 0], sizes = [512, 1, 128], strides = [1, 1, 1]} : vector<512x16x128xf32> to vector<512x1x128xf32>
    %squeeze3A_894 = vector.shape_cast %slice3A_893 : vector<512x1x128xf32> to vector<512x128xf32>
    %mul3A_895 = vector.broadcast %slice3A_892 : vector<512x1xf32> to vector<512x128xf32>
    %mul3A_896 = arith.mulf %mul3A_895, %squeeze3A_894 : vector<512x128xf32>
    %add3A_897 = arith.addf %add3A_890, %mul3A_896 : vector<512x128xf32>
    %add3A_898 = arith.addf %add3A_891, %slice3A_892 : vector<512x1xf32>
    %slice3A_899 = vector.extract_strided_slice %div3A {offsets = [0, 62], sizes = [512, 1], strides = [1, 1]} : vector<512x128xf32> to vector<512x1xf32>
    %slice3A_900 = vector.extract_strided_slice %max3A_70 {offsets = [0, 7, 0], sizes = [512, 1, 128], strides = [1, 1, 1]} : vector<512x16x128xf32> to vector<512x1x128xf32>
    %squeeze3A_901 = vector.shape_cast %slice3A_900 : vector<512x1x128xf32> to vector<512x128xf32>
    %mul3A_902 = vector.broadcast %slice3A_899 : vector<512x1xf32> to vector<512x128xf32>
    %mul3A_903 = arith.mulf %mul3A_902, %squeeze3A_901 : vector<512x128xf32>
    %add3A_904 = arith.addf %add3A_897, %mul3A_903 : vector<512x128xf32>
    %add3A_905 = arith.addf %add3A_898, %slice3A_899 : vector<512x1xf32>
    %slice3A_906 = vector.extract_strided_slice %div3A {offsets = [0, 70], sizes = [512, 1], strides = [1, 1]} : vector<512x128xf32> to vector<512x1xf32>
    %slice3A_907 = vector.extract_strided_slice %max3A_70 {offsets = [0, 8, 0], sizes = [512, 1, 128], strides = [1, 1, 1]} : vector<512x16x128xf32> to vector<512x1x128xf32>
    %squeeze3A_908 = vector.shape_cast %slice3A_907 : vector<512x1x128xf32> to vector<512x128xf32>
    %mul3A_909 = vector.broadcast %slice3A_906 : vector<512x1xf32> to vector<512x128xf32>
    %mul3A_910 = arith.mulf %mul3A_909, %squeeze3A_908 : vector<512x128xf32>
    %add3A_911 = arith.addf %add3A_904, %mul3A_910 : vector<512x128xf32>
    %add3A_912 = arith.addf %add3A_905, %slice3A_906 : vector<512x1xf32>
    %slice3A_913 = vector.extract_strided_slice %div3A {offsets = [0, 78], sizes = [512, 1], strides = [1, 1]} : vector<512x128xf32> to vector<512x1xf32>
    %slice3A_914 = vector.extract_strided_slice %max3A_70 {offsets = [0, 9, 0], sizes = [512, 1, 128], strides = [1, 1, 1]} : vector<512x16x128xf32> to vector<512x1x128xf32>
    %squeeze3A_915 = vector.shape_cast %slice3A_914 : vector<512x1x128xf32> to vector<512x128xf32>
    %mul3A_916 = vector.broadcast %slice3A_913 : vector<512x1xf32> to vector<512x128xf32>
    %mul3A_917 = arith.mulf %mul3A_916, %squeeze3A_915 : vector<512x128xf32>
    %add3A_918 = arith.addf %add3A_911, %mul3A_917 : vector<512x128xf32>
    %add3A_919 = arith.addf %add3A_912, %slice3A_913 : vector<512x1xf32>
    %slice3A_920 = vector.extract_strided_slice %div3A {offsets = [0, 86], sizes = [512, 1], strides = [1, 1]} : vector<512x128xf32> to vector<512x1xf32>
    %slice3A_921 = vector.extract_strided_slice %max3A_70 {offsets = [0, 10, 0], sizes = [512, 1, 128], strides = [1, 1, 1]} : vector<512x16x128xf32> to vector<512x1x128xf32>
    %squeeze3A_922 = vector.shape_cast %slice3A_921 : vector<512x1x128xf32> to vector<512x128xf32>
    %mul3A_923 = vector.broadcast %slice3A_920 : vector<512x1xf32> to vector<512x128xf32>
    %mul3A_924 = arith.mulf %mul3A_923, %squeeze3A_922 : vector<512x128xf32>
    %add3A_925 = arith.addf %add3A_918, %mul3A_924 : vector<512x128xf32>
    %add3A_926 = arith.addf %add3A_919, %slice3A_920 : vector<512x1xf32>
    %slice3A_927 = vector.extract_strided_slice %div3A {offsets = [0, 94], sizes = [512, 1], strides = [1, 1]} : vector<512x128xf32> to vector<512x1xf32>
    %slice3A_928 = vector.extract_strided_slice %max3A_70 {offsets = [0, 11, 0], sizes = [512, 1, 128], strides = [1, 1, 1]} : vector<512x16x128xf32> to vector<512x1x128xf32>
    %squeeze3A_929 = vector.shape_cast %slice3A_928 : vector<512x1x128xf32> to vector<512x128xf32>
    %mul3A_930 = vector.broadcast %slice3A_927 : vector<512x1xf32> to vector<512x128xf32>
    %mul3A_931 = arith.mulf %mul3A_930, %squeeze3A_929 : vector<512x128xf32>
    %add3A_932 = arith.addf %add3A_925, %mul3A_931 : vector<512x128xf32>
    %add3A_933 = arith.addf %add3A_926, %slice3A_927 : vector<512x1xf32>
    %slice3A_934 = vector.extract_strided_slice %div3A {offsets = [0, 102], sizes = [512, 1], strides = [1, 1]} : vector<512x128xf32> to vector<512x1xf32>
    %slice3A_935 = vector.extract_strided_slice %max3A_70 {offsets = [0, 12, 0], sizes = [512, 1, 128], strides = [1, 1, 1]} : vector<512x16x128xf32> to vector<512x1x128xf32>
    %squeeze3A_936 = vector.shape_cast %slice3A_935 : vector<512x1x128xf32> to vector<512x128xf32>
    %mul3A_937 = vector.broadcast %slice3A_934 : vector<512x1xf32> to vector<512x128xf32>
    %mul3A_938 = arith.mulf %mul3A_937, %squeeze3A_936 : vector<512x128xf32>
    %add3A_939 = arith.addf %add3A_932, %mul3A_938 : vector<512x128xf32>
    %add3A_940 = arith.addf %add3A_933, %slice3A_934 : vector<512x1xf32>
    %slice3A_941 = vector.extract_strided_slice %div3A {offsets = [0, 110], sizes = [512, 1], strides = [1, 1]} : vector<512x128xf32> to vector<512x1xf32>
    %slice3A_942 = vector.extract_strided_slice %max3A_70 {offsets = [0, 13, 0], sizes = [512, 1, 128], strides = [1, 1, 1]} : vector<512x16x128xf32> to vector<512x1x128xf32>
    %squeeze3A_943 = vector.shape_cast %slice3A_942 : vector<512x1x128xf32> to vector<512x128xf32>
    %mul3A_944 = vector.broadcast %slice3A_941 : vector<512x1xf32> to vector<512x128xf32>
    %mul3A_945 = arith.mulf %mul3A_944, %squeeze3A_943 : vector<512x128xf32>
    %add3A_946 = arith.addf %add3A_939, %mul3A_945 : vector<512x128xf32>
    %add3A_947 = arith.addf %add3A_940, %slice3A_941 : vector<512x1xf32>
    %slice3A_948 = vector.extract_strided_slice %div3A {offsets = [0, 118], sizes = [512, 1], strides = [1, 1]} : vector<512x128xf32> to vector<512x1xf32>
    %slice3A_949 = vector.extract_strided_slice %max3A_70 {offsets = [0, 14, 0], sizes = [512, 1, 128], strides = [1, 1, 1]} : vector<512x16x128xf32> to vector<512x1x128xf32>
    %squeeze3A_950 = vector.shape_cast %slice3A_949 : vector<512x1x128xf32> to vector<512x128xf32>
    %mul3A_951 = vector.broadcast %slice3A_948 : vector<512x1xf32> to vector<512x128xf32>
    %mul3A_952 = arith.mulf %mul3A_951, %squeeze3A_950 : vector<512x128xf32>
    %add3A_953 = arith.addf %add3A_946, %mul3A_952 : vector<512x128xf32>
    %add3A_954 = arith.addf %add3A_947, %slice3A_948 : vector<512x1xf32>
    %slice3A_955 = vector.extract_strided_slice %div3A {offsets = [0, 126], sizes = [512, 1], strides = [1, 1]} : vector<512x128xf32> to vector<512x1xf32>
    %slice3A_956 = vector.extract_strided_slice %max3A_70 {offsets = [0, 15, 0], sizes = [512, 1, 128], strides = [1, 1, 1]} : vector<512x16x128xf32> to vector<512x1x128xf32>
    %squeeze3A_957 = vector.shape_cast %slice3A_956 : vector<512x1x128xf32> to vector<512x128xf32>
    %mul3A_958 = vector.broadcast %slice3A_955 : vector<512x1xf32> to vector<512x128xf32>
    %mul3A_959 = arith.mulf %mul3A_958, %squeeze3A_957 : vector<512x128xf32>
    %add3A_960 = arith.addf %add3A_953, %mul3A_959 : vector<512x128xf32>
    %add3A_961 = arith.addf %add3A_954, %slice3A_955 : vector<512x1xf32>
    %get3A_962 = arith.constant 0 : index
    %get3A_963 = arith.constant 96 : index
    %get3A_964 = vector.load %arg14[%get3A_962, %get3A_963] : memref<128x128xf32, #tpu.memory_space<vmem>>, vector<128x16xf32>
    %dot_general3A_965 = arith.constant dense<0.000000e+00> : vector<512x16xf32>
    %dot_general3A_966 = tpu.matmul %add3A_960, %get3A_964, %dot_general3A_965 {dimension_numbers = #tpu.dot_dimension_numbers<[1], [0], [0], [1], [0, 0, 1, 1], [], []>, transpose_lhs_hint = false} : vector<512x128xf32>, vector<128x16xf32>, vector<512x16xf32> -> vector<512x16xf32>
    %slice3A_967 = vector.extract_strided_slice %get3A_73 {offsets = [0, 96], sizes = [1, 16], strides = [1, 1]} : vector<1x128xf32> to vector<1x16xf32>
    %mul3A_968 = vector.broadcast %add3A_961 : vector<512x1xf32> to vector<512x16xf32>
    %mul3A_969 = vector.broadcast %slice3A_967 : vector<1x16xf32> to vector<512x16xf32>
    %mul3A_970 = arith.mulf %mul3A_968, %mul3A_969 : vector<512x16xf32>
    %add3A_971 = arith.addf %dot_general3A_966, %mul3A_970 : vector<512x16xf32>
    %swap3A_972 = arith.constant 0 : index
    %swap3A_973 = arith.constant 96 : index
    %swap3A_974 = vector.load %arg16[%swap3A_972, %swap3A_973] : memref<512x128xf32, #tpu.memory_space<vmem>>, vector<512x16xf32>
    tpu.vector_store %arg16[%swap3A_972, %swap3A_973], %add3A_971 {strides = array<i32>} : memref<512x128xf32, #tpu.memory_space<vmem>>, vector<512x16xf32>,
    %broadcast_in_dim3A_975 = arith.constant 0.000000e+00 : f32
    %broadcast_in_dim3A_976 = vector.broadcast %broadcast_in_dim3A_975 : f32 to vector<512x128xf32>
    %broadcast_in_dim3A_977 = arith.constant 0.000000e+00 : f32
    %broadcast_in_dim3A_978 = vector.broadcast %broadcast_in_dim3A_977 : f32 to vector<512x1xf32>
    %slice3A_979 = vector.extract_strided_slice %div3A {offsets = [0, 7], sizes = [512, 1], strides = [1, 1]} : vector<512x128xf32> to vector<512x1xf32>
    %slice3A_980 = vector.extract_strided_slice %max3A_70 {offsets = [0, 0, 0], sizes = [512, 1, 128], strides = [1, 1, 1]} : vector<512x16x128xf32> to vector<512x1x128xf32>
    %squeeze3A_981 = vector.shape_cast %slice3A_980 : vector<512x1x128xf32> to vector<512x128xf32>
    %mul3A_982 = vector.broadcast %slice3A_979 : vector<512x1xf32> to vector<512x128xf32>
    %mul3A_983 = arith.mulf %mul3A_982, %squeeze3A_981 : vector<512x128xf32>
    %add3A_984 = arith.addf %broadcast_in_dim3A_976, %mul3A_983 : vector<512x128xf32>
    %add3A_985 = arith.addf %broadcast_in_dim3A_978, %slice3A_979 : vector<512x1xf32>
    %slice3A_986 = vector.extract_strided_slice %div3A {offsets = [0, 15], sizes = [512, 1], strides = [1, 1]} : vector<512x128xf32> to vector<512x1xf32>
    %slice3A_987 = vector.extract_strided_slice %max3A_70 {offsets = [0, 1, 0], sizes = [512, 1, 128], strides = [1, 1, 1]} : vector<512x16x128xf32> to vector<512x1x128xf32>
    %squeeze3A_988 = vector.shape_cast %slice3A_987 : vector<512x1x128xf32> to vector<512x128xf32>
    %mul3A_989 = vector.broadcast %slice3A_986 : vector<512x1xf32> to vector<512x128xf32>
    %mul3A_990 = arith.mulf %mul3A_989, %squeeze3A_988 : vector<512x128xf32>
    %add3A_991 = arith.addf %add3A_984, %mul3A_990 : vector<512x128xf32>
    %add3A_992 = arith.addf %add3A_985, %slice3A_986 : vector<512x1xf32>
    %slice3A_993 = vector.extract_strided_slice %div3A {offsets = [0, 23], sizes = [512, 1], strides = [1, 1]} : vector<512x128xf32> to vector<512x1xf32>
    %slice3A_994 = vector.extract_strided_slice %max3A_70 {offsets = [0, 2, 0], sizes = [512, 1, 128], strides = [1, 1, 1]} : vector<512x16x128xf32> to vector<512x1x128xf32>
    %squeeze3A_995 = vector.shape_cast %slice3A_994 : vector<512x1x128xf32> to vector<512x128xf32>
    %mul3A_996 = vector.broadcast %slice3A_993 : vector<512x1xf32> to vector<512x128xf32>
    %mul3A_997 = arith.mulf %mul3A_996, %squeeze3A_995 : vector<512x128xf32>
    %add3A_998 = arith.addf %add3A_991, %mul3A_997 : vector<512x128xf32>
    %add3A_999 = arith.addf %add3A_992, %slice3A_993 : vector<512x1xf32>
    %slice3A_1000 = vector.extract_strided_slice %div3A {offsets = [0, 31], sizes = [512, 1], strides = [1, 1]} : vector<512x128xf32> to vector<512x1xf32>
    %slice3A_1001 = vector.extract_strided_slice %max3A_70 {offsets = [0, 3, 0], sizes = [512, 1, 128], strides = [1, 1, 1]} : vector<512x16x128xf32> to vector<512x1x128xf32>
    %squeeze3A_1002 = vector.shape_cast %slice3A_1001 : vector<512x1x128xf32> to vector<512x128xf32>
    %mul3A_1003 = vector.broadcast %slice3A_1000 : vector<512x1xf32> to vector<512x128xf32>
    %mul3A_1004 = arith.mulf %mul3A_1003, %squeeze3A_1002 : vector<512x128xf32>
    %add3A_1005 = arith.addf %add3A_998, %mul3A_1004 : vector<512x128xf32>
    %add3A_1006 = arith.addf %add3A_999, %slice3A_1000 : vector<512x1xf32>
    %slice3A_1007 = vector.extract_strided_slice %div3A {offsets = [0, 39], sizes = [512, 1], strides = [1, 1]} : vector<512x128xf32> to vector<512x1xf32>
    %slice3A_1008 = vector.extract_strided_slice %max3A_70 {offsets = [0, 4, 0], sizes = [512, 1, 128], strides = [1, 1, 1]} : vector<512x16x128xf32> to vector<512x1x128xf32>
    %squeeze3A_1009 = vector.shape_cast %slice3A_1008 : vector<512x1x128xf32> to vector<512x128xf32>
    %mul3A_1010 = vector.broadcast %slice3A_1007 : vector<512x1xf32> to vector<512x128xf32>
    %mul3A_1011 = arith.mulf %mul3A_1010, %squeeze3A_1009 : vector<512x128xf32>
    %add3A_1012 = arith.addf %add3A_1005, %mul3A_1011 : vector<512x128xf32>
    %add3A_1013 = arith.addf %add3A_1006, %slice3A_1007 : vector<512x1xf32>
    %slice3A_1014 = vector.extract_strided_slice %div3A {offsets = [0, 47], sizes = [512, 1], strides = [1, 1]} : vector<512x128xf32> to vector<512x1xf32>
    %slice3A_1015 = vector.extract_strided_slice %max3A_70 {offsets = [0, 5, 0], sizes = [512, 1, 128], strides = [1, 1, 1]} : vector<512x16x128xf32> to vector<512x1x128xf32>
    %squeeze3A_1016 = vector.shape_cast %slice3A_1015 : vector<512x1x128xf32> to vector<512x128xf32>
    %mul3A_1017 = vector.broadcast %slice3A_1014 : vector<512x1xf32> to vector<512x128xf32>
    %mul3A_1018 = arith.mulf %mul3A_1017, %squeeze3A_1016 : vector<512x128xf32>
    %add3A_1019 = arith.addf %add3A_1012, %mul3A_1018 : vector<512x128xf32>
    %add3A_1020 = arith.addf %add3A_1013, %slice3A_1014 : vector<512x1xf32>
    %slice3A_1021 = vector.extract_strided_slice %div3A {offsets = [0, 55], sizes = [512, 1], strides = [1, 1]} : vector<512x128xf32> to vector<512x1xf32>
    %slice3A_1022 = vector.extract_strided_slice %max3A_70 {offsets = [0, 6, 0], sizes = [512, 1, 128], strides = [1, 1, 1]} : vector<512x16x128xf32> to vector<512x1x128xf32>
    %squeeze3A_1023 = vector.shape_cast %slice3A_1022 : vector<512x1x128xf32> to vector<512x128xf32>
    %mul3A_1024 = vector.broadcast %slice3A_1021 : vector<512x1xf32> to vector<512x128xf32>
    %mul3A_1025 = arith.mulf %mul3A_1024, %squeeze3A_1023 : vector<512x128xf32>
    %add3A_1026 = arith.addf %add3A_1019, %mul3A_1025 : vector<512x128xf32>
    %add3A_1027 = arith.addf %add3A_1020, %slice3A_1021 : vector<512x1xf32>
    %slice3A_1028 = vector.extract_strided_slice %div3A {offsets = [0, 63], sizes = [512, 1], strides = [1, 1]} : vector<512x128xf32> to vector<512x1xf32>
    %slice3A_1029 = vector.extract_strided_slice %max3A_70 {offsets = [0, 7, 0], sizes = [512, 1, 128], strides = [1, 1, 1]} : vector<512x16x128xf32> to vector<512x1x128xf32>
    %squeeze3A_1030 = vector.shape_cast %slice3A_1029 : vector<512x1x128xf32> to vector<512x128xf32>
    %mul3A_1031 = vector.broadcast %slice3A_1028 : vector<512x1xf32> to vector<512x128xf32>
    %mul3A_1032 = arith.mulf %mul3A_1031, %squeeze3A_1030 : vector<512x128xf32>
    %add3A_1033 = arith.addf %add3A_1026, %mul3A_1032 : vector<512x128xf32>
    %add3A_1034 = arith.addf %add3A_1027, %slice3A_1028 : vector<512x1xf32>
    %slice3A_1035 = vector.extract_strided_slice %div3A {offsets = [0, 71], sizes = [512, 1], strides = [1, 1]} : vector<512x128xf32> to vector<512x1xf32>
    %slice3A_1036 = vector.extract_strided_slice %max3A_70 {offsets = [0, 8, 0], sizes = [512, 1, 128], strides = [1, 1, 1]} : vector<512x16x128xf32> to vector<512x1x128xf32>
    %squeeze3A_1037 = vector.shape_cast %slice3A_1036 : vector<512x1x128xf32> to vector<512x128xf32>
    %mul3A_1038 = vector.broadcast %slice3A_1035 : vector<512x1xf32> to vector<512x128xf32>
    %mul3A_1039 = arith.mulf %mul3A_1038, %squeeze3A_1037 : vector<512x128xf32>
    %add3A_1040 = arith.addf %add3A_1033, %mul3A_1039 : vector<512x128xf32>
    %add3A_1041 = arith.addf %add3A_1034, %slice3A_1035 : vector<512x1xf32>
    %slice3A_1042 = vector.extract_strided_slice %div3A {offsets = [0, 79], sizes = [512, 1], strides = [1, 1]} : vector<512x128xf32> to vector<512x1xf32>
    %slice3A_1043 = vector.extract_strided_slice %max3A_70 {offsets = [0, 9, 0], sizes = [512, 1, 128], strides = [1, 1, 1]} : vector<512x16x128xf32> to vector<512x1x128xf32>
    %squeeze3A_1044 = vector.shape_cast %slice3A_1043 : vector<512x1x128xf32> to vector<512x128xf32>
    %mul3A_1045 = vector.broadcast %slice3A_1042 : vector<512x1xf32> to vector<512x128xf32>
    %mul3A_1046 = arith.mulf %mul3A_1045, %squeeze3A_1044 : vector<512x128xf32>
    %add3A_1047 = arith.addf %add3A_1040, %mul3A_1046 : vector<512x128xf32>
    %add3A_1048 = arith.addf %add3A_1041, %slice3A_1042 : vector<512x1xf32>
    %slice3A_1049 = vector.extract_strided_slice %div3A {offsets = [0, 87], sizes = [512, 1], strides = [1, 1]} : vector<512x128xf32> to vector<512x1xf32>
    %slice3A_1050 = vector.extract_strided_slice %max3A_70 {offsets = [0, 10, 0], sizes = [512, 1, 128], strides = [1, 1, 1]} : vector<512x16x128xf32> to vector<512x1x128xf32>
    %squeeze3A_1051 = vector.shape_cast %slice3A_1050 : vector<512x1x128xf32> to vector<512x128xf32>
    %mul3A_1052 = vector.broadcast %slice3A_1049 : vector<512x1xf32> to vector<512x128xf32>
    %mul3A_1053 = arith.mulf %mul3A_1052, %squeeze3A_1051 : vector<512x128xf32>
    %add3A_1054 = arith.addf %add3A_1047, %mul3A_1053 : vector<512x128xf32>
    %add3A_1055 = arith.addf %add3A_1048, %slice3A_1049 : vector<512x1xf32>
    %slice3A_1056 = vector.extract_strided_slice %div3A {offsets = [0, 95], sizes = [512, 1], strides = [1, 1]} : vector<512x128xf32> to vector<512x1xf32>
    %slice3A_1057 = vector.extract_strided_slice %max3A_70 {offsets = [0, 11, 0], sizes = [512, 1, 128], strides = [1, 1, 1]} : vector<512x16x128xf32> to vector<512x1x128xf32>
    %squeeze3A_1058 = vector.shape_cast %slice3A_1057 : vector<512x1x128xf32> to vector<512x128xf32>
    %mul3A_1059 = vector.broadcast %slice3A_1056 : vector<512x1xf32> to vector<512x128xf32>
    %mul3A_1060 = arith.mulf %mul3A_1059, %squeeze3A_1058 : vector<512x128xf32>
    %add3A_1061 = arith.addf %add3A_1054, %mul3A_1060 : vector<512x128xf32>
    %add3A_1062 = arith.addf %add3A_1055, %slice3A_1056 : vector<512x1xf32>
    %slice3A_1063 = vector.extract_strided_slice %div3A {offsets = [0, 103], sizes = [512, 1], strides = [1, 1]} : vector<512x128xf32> to vector<512x1xf32>
    %slice3A_1064 = vector.extract_strided_slice %max3A_70 {offsets = [0, 12, 0], sizes = [512, 1, 128], strides = [1, 1, 1]} : vector<512x16x128xf32> to vector<512x1x128xf32>
    %squeeze3A_1065 = vector.shape_cast %slice3A_1064 : vector<512x1x128xf32> to vector<512x128xf32>
    %mul3A_1066 = vector.broadcast %slice3A_1063 : vector<512x1xf32> to vector<512x128xf32>
    %mul3A_1067 = arith.mulf %mul3A_1066, %squeeze3A_1065 : vector<512x128xf32>
    %add3A_1068 = arith.addf %add3A_1061, %mul3A_1067 : vector<512x128xf32>
    %add3A_1069 = arith.addf %add3A_1062, %slice3A_1063 : vector<512x1xf32>
    %slice3A_1070 = vector.extract_strided_slice %div3A {offsets = [0, 111], sizes = [512, 1], strides = [1, 1]} : vector<512x128xf32> to vector<512x1xf32>
    %slice3A_1071 = vector.extract_strided_slice %max3A_70 {offsets = [0, 13, 0], sizes = [512, 1, 128], strides = [1, 1, 1]} : vector<512x16x128xf32> to vector<512x1x128xf32>
    %squeeze3A_1072 = vector.shape_cast %slice3A_1071 : vector<512x1x128xf32> to vector<512x128xf32>
    %mul3A_1073 = vector.broadcast %slice3A_1070 : vector<512x1xf32> to vector<512x128xf32>
    %mul3A_1074 = arith.mulf %mul3A_1073, %squeeze3A_1072 : vector<512x128xf32>
    %add3A_1075 = arith.addf %add3A_1068, %mul3A_1074 : vector<512x128xf32>
    %add3A_1076 = arith.addf %add3A_1069, %slice3A_1070 : vector<512x1xf32>
    %slice3A_1077 = vector.extract_strided_slice %div3A {offsets = [0, 119], sizes = [512, 1], strides = [1, 1]} : vector<512x128xf32> to vector<512x1xf32>
    %slice3A_1078 = vector.extract_strided_slice %max3A_70 {offsets = [0, 14, 0], sizes = [512, 1, 128], strides = [1, 1, 1]} : vector<512x16x128xf32> to vector<512x1x128xf32>
    %squeeze3A_1079 = vector.shape_cast %slice3A_1078 : vector<512x1x128xf32> to vector<512x128xf32>
    %mul3A_1080 = vector.broadcast %slice3A_1077 : vector<512x1xf32> to vector<512x128xf32>
    %mul3A_1081 = arith.mulf %mul3A_1080, %squeeze3A_1079 : vector<512x128xf32>
    %add3A_1082 = arith.addf %add3A_1075, %mul3A_1081 : vector<512x128xf32>
    %add3A_1083 = arith.addf %add3A_1076, %slice3A_1077 : vector<512x1xf32>
    %slice3A_1084 = vector.extract_strided_slice %div3A {offsets = [0, 127], sizes = [512, 1], strides = [1, 1]} : vector<512x128xf32> to vector<512x1xf32>
    %slice3A_1085 = vector.extract_strided_slice %max3A_70 {offsets = [0, 15, 0], sizes = [512, 1, 128], strides = [1, 1, 1]} : vector<512x16x128xf32> to vector<512x1x128xf32>
    %squeeze3A_1086 = vector.shape_cast %slice3A_1085 : vector<512x1x128xf32> to vector<512x128xf32>
    %mul3A_1087 = vector.broadcast %slice3A_1084 : vector<512x1xf32> to vector<512x128xf32>
    %mul3A_1088 = arith.mulf %mul3A_1087, %squeeze3A_1086 : vector<512x128xf32>
    %add3A_1089 = arith.addf %add3A_1082, %mul3A_1088 : vector<512x128xf32>
    %add3A_1090 = arith.addf %add3A_1083, %slice3A_1084 : vector<512x1xf32>
    %get3A_1091 = arith.constant 0 : index
    %get3A_1092 = arith.constant 112 : index
    %get3A_1093 = vector.load %arg14[%get3A_1091, %get3A_1092] : memref<128x128xf32, #tpu.memory_space<vmem>>, vector<128x16xf32>
    %dot_general3A_1094 = arith.constant dense<0.000000e+00> : vector<512x16xf32>
    %dot_general3A_1095 = tpu.matmul %add3A_1089, %get3A_1093, %dot_general3A_1094 {dimension_numbers = #tpu.dot_dimension_numbers<[1], [0], [0], [1], [0, 0, 1, 1], [], []>, transpose_lhs_hint = false} : vector<512x128xf32>, vector<128x16xf32>, vector<512x16xf32> -> vector<512x16xf32>
    %slice3A_1096 = vector.extract_strided_slice %get3A_73 {offsets = [0, 112], sizes = [1, 16], strides = [1, 1]} : vector<1x128xf32> to vector<1x16xf32>
    %mul3A_1097 = vector.broadcast %add3A_1090 : vector<512x1xf32> to vector<512x16xf32>
    %mul3A_1098 = vector.broadcast %slice3A_1096 : vector<1x16xf32> to vector<512x16xf32>
    %mul3A_1099 = arith.mulf %mul3A_1097, %mul3A_1098 : vector<512x16xf32>
    %add3A_1100 = arith.addf %dot_general3A_1095, %mul3A_1099 : vector<512x16xf32>
    %swap3A_1101 = arith.constant 0 : index
    %swap3A_1102 = arith.constant 112 : index
    %swap3A_1103 = vector.load %arg16[%swap3A_1101, %swap3A_1102] : memref<512x128xf32, #tpu.memory_space<vmem>>, vector<512x16xf32>
    tpu.vector_store %arg16[%swap3A_1101, %swap3A_1102], %add3A_1100 {strides = array<i32>} : memref<512x128xf32, #tpu.memory_space<vmem>>, vector<512x16xf32>,
    return
  }
  func.func @transform_0(%arg0: i32) -> (i32, i32) {
    %c0_i32 = arith.constant 0 : i32
    %c0_i32_0 = arith.constant 0 : i32
    return %arg0, %c0_i32 : i32, i32
  }
  func.func @transform_1(%arg0: i32) -> (i32, i32) {
    %c0_i32 = arith.constant 0 : i32
    %c0_i32_0 = arith.constant 0 : i32
    return %arg0, %c0_i32 : i32, i32
  }
  func.func @transform_2(%arg0: i32) -> (i32, i32) {
    %c0_i32 = arith.constant 0 : i32
    %c0_i32_0 = arith.constant 0 : i32
    return %arg0, %c0_i32 : i32, i32
  }
  func.func @transform_3(%arg0: i32) -> (i32, i32) {
    %c0_i32 = arith.constant 0 : i32
    %c0_i32_0 = arith.constant 0 : i32
    return %arg0, %c0_i32 : i32, i32
  }
  func.func @transform_4(%arg0: i32) -> (i32, i32) {
    %c0_i32 = arith.constant 0 : i32
    %c0_i32_0 = arith.constant 0 : i32
    %c0_i32_1 = arith.constant 0 : i32
    return %c0_i32, %c0_i32_0 : i32, i32
  }
  func.func @transform_5(%arg0: i32) -> (i32, i32) {
    %c0_i32 = arith.constant 0 : i32
    %c0_i32_0 = arith.constant 0 : i32
    %c0_i32_1 = arith.constant 0 : i32
    return %c0_i32, %c0_i32_0 : i32, i32
  }
  func.func @transform_6(%arg0: i32) -> (i32, i32) {
    %c0_i32 = arith.constant 0 : i32
    %c0_i32_0 = arith.constant 0 : i32
    %c0_i32_1 = arith.constant 0 : i32
    return %c0_i32, %c0_i32_0 : i32, i32
  }
  func.func @transform_7(%arg0: i32) -> (i32, i32) {
    %c0_i32 = arith.constant 0 : i32
    %c0_i32_0 = arith.constant 0 : i32
    %c0_i32_1 = arith.constant 0 : i32
    return %c0_i32, %c0_i32_0 : i32, i32
  }
  func.func @transform_8(%arg0: i32) -> (i32, i32) {
    %c0_i32 = arith.constant 0 : i32
    %c0_i32_0 = arith.constant 0 : i32
    %c0_i32_1 = arith.constant 0 : i32
    return %c0_i32, %c0_i32_0 : i32, i32
  }
  func.func @transform_9(%arg0: i32) -> (i32, i32) {
    %c0_i32 = arith.constant 0 : i32
    %c0_i32_0 = arith.constant 0 : i32
    %c0_i32_1 = arith.constant 0 : i32
    return %c0_i32, %c0_i32_0 : i32, i32
  }
  func.func @transform_10(%arg0: i32) -> (i32, i32) {
    %c0_i32 = arith.constant 0 : i32
    %c0_i32_0 = arith.constant 0 : i32
    %c0_i32_1 = arith.constant 0 : i32
    return %c0_i32, %c0_i32_0 : i32, i32
  }
  func.func @transform_11(%arg0: i32) -> (i32, i32) {
    %c0_i32 = arith.constant 0 : i32
    %c0_i32_0 = arith.constant 0 : i32
    %c0_i32_1 = arith.constant 0 : i32
    return %c0_i32, %c0_i32_0 : i32, i32
  }
  func.func @transform_12(%arg0: i32) -> (i32, i32) {
    %c0_i32 = arith.constant 0 : i32
    %c0_i32_0 = arith.constant 0 : i32
    %c0_i32_1 = arith.constant 0 : i32
    return %c0_i32, %c0_i32_0 : i32, i32
  }
  func.func @transform_13(%arg0: i32) -> (i32, i32) {
    %c0_i32 = arith.constant 0 : i32
    %c0_i32_0 = arith.constant 0 : i32
    %c0_i32_1 = arith.constant 0 : i32
    return %c0_i32, %c0_i32_0 : i32, i32
  }
  func.func @transform_14(%arg0: i32) -> (i32, i32) {
    %c0_i32 = arith.constant 0 : i32
    %c0_i32_0 = arith.constant 0 : i32
    %c0_i32_1 = arith.constant 0 : i32
    return %c0_i32, %c0_i32_0 : i32, i32
  }
  func.func @transform_15(%arg0: i32) -> (i32, i32) {
    %c0_i32 = arith.constant 0 : i32
    %c0_i32_0 = arith.constant 0 : i32
    return %arg0, %c0_i32 : i32, i32
  }
  func.func @transform_16(%arg0: i32) -> (i32, i32) {
    %c0_i32 = arith.constant 0 : i32
    %c0_i32_0 = arith.constant 0 : i32
    return %arg0, %c0_i32 : i32, i32
  }
}

</mosaic_0001>

<sc_bundles>
// kernel: kernel.7.cloned.1.call-start
scs
__scs_entry_jumppad:
0x0: {  	(pc) =	sbr.rel $0x88, $3  }
0x1: {  	(tag) =	ssettag $0x0;
	lr =	simm.s32 $0x1  }
0x2: {  	[smem:$0x3F88] =	sst lr;
	_ =	strace $0xD0000000  }
0x3: {  	_ = 	snop  }
0x4: {  	_ = 	snop  }
0x5: {  	_ = 	snop  }
0x6: {  	_ = 	snop  }
0x7: {  	_ = 	snop  }
__scs_overlays_trampoline_lowered:
0x8: {  	[smem:$0x3F97] =	sst s0  }
0x9: {  	[smem:$0x3F98] =	sst s1  }
0xa: {  	[smem:$0x3F99] =	sst s2  }
0xb: {  	[smem:$0x3F9A] =	sst s3  }
0xc: {  	[smem:$0x3F9B] =	sst s4  }
0xd: {  	[smem:$0x3F9C] =	sst s5  }
0xe: {  	[smem:$0x3F9D] =	sst s6  }
0xf: {  	[smem:$0x3F9E] =	sst s7  }
0x10: {  	[smem:$0x3F9F] =	sst s8  }
0x11: {  	[smem:$0x3FA0] =	sst s9;
	s0 =	simm.s32 @!p0 $0x0  }
0x12: {  	s1 =	sld [smem:$0x3F86];
	s0 =	simm.s32 @p0 $0x1  }
0x13: {  	[smem:$0x3FA1] =	sst s0;
	s0 =	simm.s32 @!p1 $0x0  }
0x14: {  	s2 =	sld [smem:$0x3F85];
	s0 =	simm.s32 @p1 $0x1  }
0x15: {  	[smem:$0x3FA2] =	sst s0;
	s0 =	simm.s32 @!p2 $0x0  }
0x16: {  	s3 =	sld [smem:$0x3FDB];
	s0 =	simm.s32 @p2 $0x1  }
0x17: {  	s4 =	simm.s32 $0x1BF5;
	[smem:$0x3FA4] =	sst s0  }
0x18: {  	s0 =	sld [smem:$0x3F87];
	_ =	swait.ge [sflag:s4], $0x0  }
0x19: {  	s7 =	sld [smem:$0x3F88]  }
0x1a: {  	s8 =	sadd.s32 $0xFFFFE003, lr  }
0x1b: {  	s9 =	sadd.s32 $0xFFFFFEF7, lr;
	s5 =	simm.s32 $0xFFFFFFFF;
	p2 =	slt.u32 s8, $0xFFFFF086  }
0x1c: {  	p1 =	slt.u32 s9, $0xF7A;
	s5 =	simm.s32 @!p2 $0x0  }
0x1d: {  	s5 =	simm.s32 @p1 $0x1;
	p0 =	seq.s32 s7, s2  }
0x1e: {  	s7 =	smul.u32 @!p0 $0xF7A, s2;
	p2 =	seq.s32 @!p0 s5, $0x0  }
0x1f: {  	s9 =	smul.u32 $0xF7A, s1;
	s8 =	simm.s32 @!p0 $0x1BF5;
	p2 =	por !p2, p0  }
0x20: {  	[sflag:s8] =	ssyncset.s32 @!p0 $0xFFFFF086;
	s6 =	sadd.s32 @!p0 s3, s7;
	s7 =	simm.s32 @!p0 $0x108  }
0x21: {  	s3 =	sadd.s32 s3, s9;
	s6 =	sadd.s32 @!p0 $0x88, s6;
	s7 =	simm.s32 @p2 $0x1082  }
0x22: {  	[simem:s7], [sflag:s8] =	dma.local @!p0 [hbm:s6], $0xF7A  }
0x23: {  	s9 =	sor.u32 $0xD0000000, s2;
	s6 =	simm.s32 $0x108;
	_ =	swait.ge @!p0 [sflag:s8], $0x0  }
0x24: {  	s3 =	sadd.s32 $0x88, s3;
	s6 =	simm.s32 @!p1 $0x1082;
	[sflag:s4] =	ssyncset.s32 $0xFFFFF086  }
0x25: {  	[simem:s6], [sflag:s4] =	dma.local [hbm:s3], $0xF7A  }
0x26: {  	[smem:$0x3F88] =	sst s1;
	(tag) =	ssettag s2;
	_ =	strace s9  }
0x27: {  	s1 =	sld [smem:$0x3F98]  }
0x28: {  	s2 =	sld [smem:$0x3F99]  }
0x29: {  	s4 =	sld [smem:$0x3F9B]  }
0x2a: {  	p0 =	seq.s32 s5, $0x0;
	s5 =	sld [smem:$0x3F9C]  }
0x2b: {  	s6 =	sld [smem:$0x3F9D]  }
0x2c: {  	s7 =	sld [smem:$0x3F9E]  }
0x2d: {  	s3 =	simm.s32 $0x108;
	s8 =	sld [smem:$0x3F9F]  }
0x2e: {  	s3 =	simm.s32 @!p0 $0x1082;
	s9 =	sld [smem:$0x3FA0]  }
0x2f: {  	lr =	sadd.s32 s0, s3;
	s0 =	sld [smem:$0x3F97]  }
0x30: {  	s3 =	sld [smem:$0x3F9A]  }
0x31: {  	[smem:$0x3FA3] =	sst s10  }
0x32: {  	s10 =	sld [smem:$0x3FA1];
	_ =	sdelay $0x3  }
0x33: {  	p0 =	seq.s32 s10, $0x1;
	s10 =	sld [smem:$0x3FA3];
	_ =	sdelay $0x3  }
0x34: {  	[smem:$0x3FA3] =	sst s10  }
0x35: {  	s10 =	sld [smem:$0x3FA2];
	_ =	sdelay $0x3  }
0x36: {  	p1 =	seq.s32 s10, $0x1;
	s10 =	sld [smem:$0x3FA3];
	_ =	sdelay $0x3  }
0x37: {  	[smem:$0x3FA3] =	sst s10  }
0x38: {  	s10 =	sld [smem:$0x3FA4]  }
0x39: {  	_ = 	snop;
	(pc) =	sbr.ind lr, $3  }
0x3a: {  	_ = 	snop  }
0x3b: {  	_ = 	snop  }
0x3c: {  	p2 =	seq.s32 s10, $0x1;
	s10 =	sld [smem:$0x3FA3]  }
0x3d: {  	_ =	shalt  }
0x3e: {  	_ =	shalt  }
0x3f: {  	_ =	shalt  }
0x40: {  	_ =	shalt  }
0x41: {  	_ =	shalt  }
0x42: {  	_ =	shalt  }
0x43: {  	_ =	shalt  }
0x44: {  	_ =	shalt  }
0x45: {  	_ =	shalt  }
0x46: {  	_ =	shalt  }
0x47: {  	_ =	shalt  }
0x48: {  	_ =	shalt  }
0x49: {  	_ =	shalt  }
0x4a: {  	_ =	shalt  }
0x4b: {  	_ =	shalt  }
0x4c: {  	_ =	shalt  }
0x4d: {  	_ =	shalt  }
0x4e: {  	_ =	shalt  }
0x4f: {  	_ =	shalt  }
0x50: {  	_ =	shalt  }
0x51: {  	_ =	shalt  }
0x52: {  	_ =	shalt  }
0x53: {  	_ =	shalt  }
0x54: {  	_ =	shalt  }
0x55: {  	_ =	shalt  }
0x56: {  	_ =	shalt  }
0x57: {  	_ =	shalt  }
0x58: {  	_ =	shalt  }
0x59: {  	_ =	shalt  }
0x5a: {  	_ =	shalt  }
0x5b: {  	_ =	shalt  }
0x5c: {  	_ =	shalt  }
0x5d: {  	_ =	shalt  }
0x5e: {  	_ =	shalt  }
0x5f: {  	_ =	shalt  }
0x60: {  	_ =	shalt  }
0x61: {  	_ =	shalt  }
0x62: {  	_ =	shalt  }
0x63: {  	_ =	shalt  }
0x64: {  	_ =	shalt  }
0x65: {  	_ =	shalt  }
0x66: {  	_ =	shalt  }
0x67: {  	_ =	shalt  }
0x68: {  	_ =	shalt  }
0x69: {  	_ =	shalt  }
0x6a: {  	_ =	shalt  }
0x6b: {  	_ =	shalt  }
0x6c: {  	_ =	shalt  }
0x6d: {  	_ =	shalt  }
0x6e: {  	_ =	shalt  }
0x6f: {  	_ =	shalt  }
0x70: {  	_ =	shalt  }
0x71: {  	_ =	shalt  }
0x72: {  	_ =	shalt  }
0x73: {  	_ =	shalt  }
0x74: {  	_ =	shalt  }
0x75: {  	_ =	shalt  }
0x76: {  	_ =	shalt  }
0x77: {  	_ =	shalt  }
0x78: {  	_ =	shalt  }
0x79: {  	_ =	shalt  }
0x7a: {  	_ =	shalt  }
0x7b: {  	_ =	shalt  }
0x7c: {  	_ =	shalt  }
0x7d: {  	_ =	shalt  }
0x7e: {  	_ =	shalt  }
0x7f: {  	_ =	shalt  }
0x80: {  	_ =	shalt  }
0x81: {  	_ =	shalt  }
0x82: {  	_ =	shalt  }
0x83: {  	_ =	shalt  }
0x84: {  	_ =	shalt  }
0x85: {  	_ =	shalt  }
0x86: {  	_ =	shalt  }
0x87: {  	_ =	shalt  }
.Lfunc_end0:
.L_simem_size_0:
called_computation_lowered:
.L_overlay_start_0:
0x88: {  	s2 =	sld [smem:$0x3FD9]  }
0x89: {  	s3 =	sld [smem:$0x3FFE];
	_ =	sdelay $0x1  }
0x8a: {  	s1 =	srdreg.scid  }
0x8b: {  	s0 =	sand.u32 $0x1, s1  }
0x8c: {  	s17 =	sshll.u32 s0, $0xA;
	s2 =	sadd.s32 s3, s2  }
0x8d: {  	s2 =	sadd.s32 s2, s17  }
0x8e: {  	[smem:$0x3FAF] =	sst s2  }
0x8f: {  	_ = 	snop  }
0x90: {  	s2 =	sld [smem:$0x3FD0];
	(tm) =	ssettm $0x1  }
0x91: {  	s18 =	sld [smem:$0x3FFB];
	_ =	sdelay $0x3  }
0x92: {  	_ =	strace s18  }
0x93: {  	s3 =	sld [smem:$0x3FFC];
	_ =	sdelay $0x3  }
0x94: {  	_ =	strace s3  }
0x95: {  	s3 =	sld [smem:$0x3FFD];
	_ =	sdelay $0x3  }
0x96: {  	_ =	strace s3  }
0x97: {  	_ =	strace $0x8FFFFFFF  }
0x98: {  	s19 =	sld [smem:$0x3FDB];
	_ =	sdelay $0x1  }
0x99: {  	s4 =	simm.s32 $_scs_section_size  }
0x9a: {  	s5 =	simm.s32 $_size__tile_overlayer_lowered;
	s6 =	simm.s32 $_tile_overlayer_lowered  }
0x9b: {  	s22 =	simm.s32 $0x1BFF;
	s21 =	sshll.u32 s6, $0x1;
	s3 =	sadd.s32 s4, s19  }
0x9c: {  	s7 =	simm.s32 $0x0;
	s20 =	sshll.u32 s5, $0x1;
	s5 =	sadd.s32 s21, s3  }
0x9d: {  	[timem:s7], [sflag:s22] =	dma.local [hbm:s5], s20  }
0x9e: {  	_ =	swait.ge [sflag:s22], s20  }
0x9f: {  	s4 =	ssub.s32 $0x0, s20;
	[sflag:s22] =	ssyncset.done $0x0  }
0xa0: {  	[sflag:s22] =	ssyncadd.s32 s4;
	_ =	sdelay $0x1  }
0xa1: {  	s23 =	simm.s32 $0x1B8B  }
0xa2: {  	_ =	swait.ge [sflag:s23], $0x1  }
0xa3: {  	[sflag:s23] =	ssyncset.done $0x0  }
0xa4: {  	s25 =	simm.s32 $0x1B8E;
	s24 =	sld [smem:$0x3FFE];
	[sflag:s23] =	ssyncadd.s32 $0xFFFFFFFF  }
0xa5: {  	s26 =	simm.s32 $execute0_lowered;
	[smem:$0x3FD2] =	sst s25  }
0xa6: {  	s5 =	sshll.u32 s26, $0x1;
	_ =	strace $0x80000046;
	[dreg:$0x1] =	wrdreg $0xFFFFFFFF  }
0xa7: {  	s28 =	simm.s32 $_size_execute0_lowered;
	s3 =	sadd.s32 s3, s5;
	[dreg:$0x0] =	wrdreg $0x0  }
0xa8: {  	s5 =	sshll.u32 s28, $0x1;
	[dreg:$0x2] =	wrdreg s3  }
0xa9: {  	[dreg:$0x3] =	wrdreg s5  }
0xaa: {  	[dreg:$0x4] =	wrdreg $0xC0  }
0xab: {  	_ =	task [dreg:s7], $0x5FFFF  }
0xac: {  	[dreg:$0x1] =	wrdreg $0xFFFFFFFF  }
0xad: {  	[dreg:$0x0] =	wrdreg $0x60  }
0xae: {  	[dreg:$0x2] =	wrdreg s24  }
0xaf: {  	[dreg:$0x3] =	wrdreg s2  }
0xb0: {  	[dreg:$0x4] =	wrdreg $0x9  }
0xb1: {  	_ =	task.clear_ibuf [dreg:s7], $0x5FFFF;
	_ =	strace $0x90000046  }
0xb2: {  	s29 =	simm.s32 $0x9;
	_ =	strace $0x80000048  }
0xb3: {  	_ =	swait.ge [sflag:s29], $0x1  }
0xb4: {  	[sflag:s29] =	ssyncadd.s32 $0xFFFFFFFF  }
0xb5: {  	_ =	strace $0x90000048  }
0xb6: {  	_ =	sfence  }
0xb7: {  	s30 =	sld [smem:$0x0];
	_ =	sdelay $0x2  }
0xb8: {  	s31 =	sshll.u32 s1, $0xD;
	s1 =	sshrl.u32 s1, $0x2  }
0xb9: {  	s3 =	sand.u32 $0x4000, s31;
	s1 =	sadd.s32 s1, s30  }
0xba: {  	s0 =	sor.u32 s3, s0;
	s1 =	sshll.u32 s1, $0x11  }
0xbb: {  	s0 =	sor.u32 s1, s0  }
0xbc: {  	s0 =	sadd.s32 $0x8F2B, s0  }
0xbd: {  	[sflag:s0] =	ssyncadd.remote.s32 $0x1  }
0xbe: {  	_ =	sfence.sel $0xFFFF  }
0xbf: {  	[dreg:$0x0] =	wrdreg $0xFFFFFFFF;
	(pc) =	sbr.abs _section_cstart, $3  }
0xc0: {  	[dreg:$0x1] =	wrdreg $0xFFFFFFFF  }
0xc1: {  	_ =	task.clear_ibuf [dreg:s7], $0x2FFFF;
	_ =	strace $0x9FFFFFFF  }
0xc2: {  	(tm) =	ssettm $0x7FFFFFFF  }
0xc3: {  	_ =	shalt  }
tec
execute0_lowered:
.L_overlay_start_1:
0x0: {  	(tag) =	ssettag $0x1  }
0x1: {  	s7 =	rddreg [dreg:$0x0]  }
0x2: {  	s8 =	rddreg [dreg:$0x1];
	s3 =	srdreg.scid  }
0x3: {  	s1 =	stileid.u32;
	s2 =	simm.s32 $0x0;
	s18 =	simm.s32 $0x5000  }
0x4: {  	s19 =	simm.s32 $0x1400;
	s20 =	simm.s32 $0x8C00;
	s21 =	simm.s32 $0x1  }
0x5: {  	s22 =	simm.s32 $0x12C00;
	s23 =	simm.s32 $0x14000;
	s24 =	simm.s32 $0x15400  }
0x6: {  	s25 =	simm.s32 $0x16800;
	s26 =	simm.s32 $0x0;
	s9 =	sand.u32 $0x1, s3  }
0x7: {  	s30 =	sshll.u32 s1, $0x1;
	[smem:$0x7FF] =	sst s2;
	s31 =	smul.u32 $0x280, s1  }
0x8: {  	s3 =	sadd.s32 $0x2DC00, s7;
	s10 =	sor.u32 s9, s30;
	s17 =	smul.u32 $0x140, s9  }
0x9: {  	s4 =	sadd.s32 $0x2D600, s7;
	s5 =	sadd.s32 $0x2D000, s7;
	s11 =	smul.u32 $0x280, s10  }
0xa: {  	s6 =	sadd.s32 $0x2A800, s7;
	s13 =	ssub.s32 $0x2, s9;
	s12 =	smul.u32 $0x1400, s10  }
0xb: {  	_ =	strace $0x80000047;
	s10 =	smul.u32 $0x12, s10;
	s15 =	sshrl.u32 s13, $0x1  }
0xc: {  	s13 =	ssub.s32 s13, s15;
	s15 =	simm.s32 $0x7800;
	s14 =	sadd.s32 s11, s7  }
0xd: {  	s12 =	sadd.s32 s12, s7;
	s16 =	sadd.s32 s10, s7;
	s7 =	sadd.s32 s8, s11  }
0xe: {  	s13 =	smax.u32 s13, $0x1;
	s8 =	sadd.s32 $0x3D600, s12;
	s9 =	sadd.s32 $0x33600, s14  }
0xf: {  	s10 =	sadd.s32 $0x38600, s14;
	s11 =	sadd.s32 $0x2E600, s14;
	s12 =	sadd.s32 $0x2E200, s16  }
0x10: {  	s14 =	sadd.s32 s17, s31;
	s16 =	simm.s32 $0x2;
	s17 =	simm.s32 $0x2800  }
.LBB2_1:
0x11: {  	[tilespmem:s15], [sflag:$0x2] =	stream.linear.gather [hbm4b:s7+s2], $0x1400, $0x38;
	[tilespmem:$0x16890] =	vst v63  }
0x12: {  	_ =	swait.ge [sflag:s16], $0x1400  }
0x13: {  	[sflag:s16] =	ssyncset.done $0x0  }
0x14: {  	[sflag:s16] =	ssyncadd.s32 $0xFFFFEC00  }
0x15: {  	[tilespmem:s2], [sflag:$0x2] =	stream.linear.gather [hbm4b:s3+s2], $0x2800, $0x38;
	[tilespmem:$0x16890] =	vst v63  }
0x16: {  	_ =	swait.ge [sflag:s16], $0x2800  }
0x17: {  	[sflag:s16] =	ssyncset.done $0x0  }
0x18: {  	[sflag:s16] =	ssyncadd.s32 $0xFFFFD800  }
0x19: {  	[tilespmem:s17], [sflag:$0x2] =	stream.linear.gather [hbm4b:s4+s2], $0x2800, $0x38;
	[tilespmem:$0x16890] =	vst v63  }
0x1a: {  	_ =	swait.ge [sflag:s16], $0x2800  }
0x1b: {  	[sflag:s16] =	ssyncset.done $0x0  }
0x1c: {  	[sflag:s16] =	ssyncadd.s32 $0xFFFFD800  }
0x1d: {  	[tilespmem:s18], [sflag:$0x2] =	stream.linear.gather [hbm4b:s5+s2], $0x2800, $0x38;
	[tilespmem:$0x16890] =	vst v63  }
0x1e: {  	_ =	swait.ge [sflag:s16], $0x2800  }
0x1f: {  	[sflag:s16] =	ssyncset.done $0x0  }
0x20: {  	[sflag:s16] =	ssyncadd.s32 $0xFFFFD800  }
0x21: {  	[tilespmem:s20], [sflag:$0x1] =	stream.indirect.gather [hbm4b:s6+s19], $0x8, s15, s19, $0xb8;
	[tilespmem:$0x16890] =	vst v63  }
0x22: {  	_ =	swait.ge [sflag:s21], $0xA000  }
0x23: {  	[sflag:s21] =	ssyncset.done $0x0  }
0x24: {  	[sflag:s21] =	ssyncadd.s32 $0xFFFF6000  }
0x25: {  	[hbm4b:s8+s2] =	stream.linear.scatter [tilespmem:s20], [sflag:$0x2], $0xA000, $0x38;
	[tilespmem:$0x16890] =	vst v63  }
0x26: {  	_ =	swait.ge [sflag:s16], $0xA000  }
0x27: {  	[sflag:s16] =	ssyncset.done $0x0  }
0x28: {  	s28 =	simm.s32 $0x0;
	[sflag:s16] =	ssyncadd.s32 $0xFFFF6000  }
0x29: {  	v0 =	vld [tilespmem:s28+$0x7800]  }
0x2a: {  	v1 =	vmov s14;
	_ =	sdelay $0x4  }
0x2b: {  	v2 =	vld.idx.msk [tilespmem:v1+s17+$0x0], $0xffff  }
0x2c: {  	v3 =	vld.idx.msk [tilespmem:v1+s18+$0x0], $0xffff  }
0x2d: {  	v4 =	vld.idx.msk [tilespmem:v0+s18+$0x0], $0xffff  }
0x2e: {  	v5 =	vld.idx.msk [tilespmem:v0+s17+$0x0], $0xffff  }
0x2f: {  	v13 =	vld.idx.msk [tilespmem:v1+s2+$0x0], $0xffff  }
0x30: {  	v14 =	vld.idx.msk [tilespmem:v0+s2+$0x0], $0xffff  }
0x31: {  	s29 =	sadd.s32 $0x1, s14;
	v7 =	vimm.f32 $0.0e+00;
	v8 =	vimm.f32 $0.0e+00;
	v6 =	vimm.f32 $0.0e+00  }
0x32: {  	s30 =	simm.s32 $0x10;
	v12 =	vmov s29;
	v1 =	vimm.f32 $0.0e+00;
	v0 =	vimm.f32 $0.0e+00  }
0x33: {  	v9 =	vld [tilespmem:s30+$0x7800];
	v11 =	vsub.f32 v4, v3;
	v10 =	vsub.f32 v5, v2;
	v5 =	vimm.f32 $0.0e+00  }
0x34: {  	s31 =	simm.s32 $0x80;
	v2 =	vimm.f32 $0.0e+00;
	v3 =	vimm.f32 $0.0e+00;
	v4 =	vimm.f32 $0.0e+00  }
.LBB2_2:
0x35: {  	p0 =	sne.s32 s31, $0x4FC0;
	v14 =	vsub.f32 v14, v13;
	[tilespmem:s28+$0x15400] =	vst v11;
	v7 =	vadd.f32 v11, v7;
	s0 =	smov.u32 s31;
	s31 =	sadd.s32 $0x40, s31  }
0x36: {  	v16 =	vmul.f32 v11, v11;
	[tilespmem:s28+$0x14000] =	vst v10;
	v5 =	vadd.f32 v10, v5;
	v15 =	vmul.f32 v10, v10  }
0x37: {  	[tilespmem:s28+$0x12C00] =	vst v14;
	v8 =	vadd.f32 v14, v8;
	v17 =	vmul.f32 v11, v14;
	v11 =	vmul.f32 v11, v10;
	s28 =	smov.u32 s30  }
0x38: {  	v18 =	vmul.f32 v14, v14;
	v10 =	vmul.f32 v10, v14;
	v0 =	vadd.f32 v16, v0;
	v13 =	vld.idx.msk [tilespmem:v12+s2+$0x0], $0xffff  }
0x39: {  	v16 =	vld.idx.msk [tilespmem:v12+s17+$0x0], $0xffff;
	v2 =	vadd.f32 v17, v2;
	v1 =	vadd.f32 v11, v1  }
0x3a: {  	v3 =	vadd.f32 v15, v3;
	v6 =	vadd.f32 v18, v6;
	v11 =	vld.idx.msk [tilespmem:v12+s18+$0x0], $0xffff  }
0x3b: {  	v4 =	vadd.f32 v10, v4;
	v15 =	vld.idx.msk [tilespmem:v9+s18+$0x0], $0xffff  }
0x3c: {  	v10 =	vld.idx.msk [tilespmem:v9+s17+$0x0], $0xffff  }
0x3d: {  	v14 =	vld.idx.msk [tilespmem:v9+s2+$0x0], $0xffff  }
.Ltmp0:
0x3e: {  	s30 =	sshra.s32 s0, $0x2;
	(pc) =	sbr.rel @p0 .LBB2_2-.Ltmp0, $4  }
0x3f: {  	v9 =	vld [tilespmem:s30+$0x7800]  }
0x40: {  	s29 =	sadd.s32 $0x1, s29  }
0x41: {  	v12 =	vmov s29;
	v11 =	vsub.f32 v15, v11  }
0x42: {  	v10 =	vsub.f32 v10, v16  }
0x43: {  	_ = 	snop  }
0x44: {  	v13 =	vsub.f32 v14, v13;
	[tilespmem:s28+$0x15400] =	vst v11  }
0x45: {  	[tilespmem:s28+$0x14000] =	vst v10  }
0x46: {  	[tilespmem:s28+$0x12C00] =	vst v13  }
0x47: {  	v50 =	vld.idx.msk [tilespmem:v12+s2+$0x0], $0xffff  }
0x48: {  	v15 =	vld.idx.msk [tilespmem:v12+s17+$0x0], $0xffff  }
0x49: {  	v51 =	vld.idx.msk [tilespmem:v12+s18+$0x0], $0xffff  }
0x4a: {  	v16 =	vld.idx.msk [tilespmem:v9+s18+$0x0], $0xffff  }
0x4b: {  	v17 =	vld.idx.msk [tilespmem:v9+s17+$0x0], $0xffff  }
0x4c: {  	v52 =	vld.idx.msk [tilespmem:v9+s2+$0x0], $0xffff;
	_ =	sdelay $0x2  }
0x4d: {  	v7 =	vadd.f32 v11, v7  }
0x4e: {  	v53 =	vmul.f32 v11, v11;
	v8 =	vadd.f32 v13, v8;
	v12 =	vsub.f32 v16, v51  }
0x4f: {  	v18 =	vmul.f32 v10, v10;
	v15 =	vsub.f32 v17, v15;
	v9 =	vsub.f32 v52, v50  }
0x50: {  	v5 =	vadd.f32 v10, v5;
	v56 =	vmul.f32 v11, v10;
	v55 =	vmul.f32 v13, v13;
	[tilespmem:s30+$0x15400] =	vst v12  }
0x51: {  	v54 =	vmul.f32 v11, v13;
	v57 =	vmul.f32 v10, v13;
	[tilespmem:s30+$0x14000] =	vst v15;
	v8 =	vadd.f32 v9, v8  }
0x52: {  	v6 =	vadd.f32 v55, v6;
	v5 =	vadd.f32 v15, v5;
	[tilespmem:s30+$0x12C00] =	vst v9;
	v58 =	vmul.f32 v9, v9  }
0x53: {  	v4 =	vadd.f32 v57, v4;
	v7 =	vadd.f32 v12, v7;
	v59 =	vmul.f32 v15, v9;
	[tilespmem:$0x16800] =	vst v8  }
0x54: {  	v2 =	vadd.f32 v54, v2;
	v60 =	vmul.f32 v12, v9;
	v6 =	vadd.f32 v58, v6;
	[tilespmem:$0x16810] =	vst v5  }
0x55: {  	v3 =	vadd.f32 v18, v3;
	v61 =	vmul.f32 v15, v15;
	v4 =	vadd.f32 v59, v4;
	[tilespmem:$0x16820] =	vst v7  }
0x56: {  	v1 =	vadd.f32 v56, v1;
	v62 =	vmul.f32 v12, v15;
	v2 =	vadd.f32 v60, v2;
	[tilespmem:$0x16830] =	vst v6  }
0x57: {  	v0 =	vadd.f32 v53, v0;
	v63 =	vmul.f32 v12, v12;
	v3 =	vadd.f32 v61, v3;
	[tilespmem:$0x16840] =	vst v4  }
0x58: {  	v1 =	vadd.f32 v62, v1;
	[tilespmem:$0x16850] =	vst v2  }
0x59: {  	v0 =	vadd.f32 v63, v0;
	[tilespmem:$0x16860] =	vst v3  }
0x5a: {  	[tilespmem:$0x16870] =	vst v1  }
0x5b: {  	[tilespmem:$0x16880] =	vst v0  }
0x5c: {  	[hbm4b:s9+s2] =	stream.linear.scatter [tilespmem:s22], [sflag:$0x2], $0x1400, $0x38;
	[tilespmem:$0x16890] =	vst v63  }
0x5d: {  	_ =	swait.ge [sflag:s16], $0x1400  }
0x5e: {  	[sflag:s16] =	ssyncset.done $0x0  }
0x5f: {  	[sflag:s16] =	ssyncadd.s32 $0xFFFFEC00  }
0x60: {  	[hbm4b:s10+s2] =	stream.linear.scatter [tilespmem:s23], [sflag:$0x2], $0x1400, $0x38;
	[tilespmem:$0x16890] =	vst v63  }
0x61: {  	_ =	swait.ge [sflag:s16], $0x1400  }
0x62: {  	[sflag:s16] =	ssyncset.done $0x0  }
0x63: {  	[sflag:s16] =	ssyncadd.s32 $0xFFFFEC00  }
0x64: {  	[hbm4b:s11+s2] =	stream.linear.scatter [tilespmem:s24], [sflag:$0x2], $0x1400, $0x38;
	[tilespmem:$0x16890] =	vst v63  }
0x65: {  	s26 =	sadd.s32 $0x1, s26;
	_ =	swait.ge [sflag:s16], $0x1400  }
0x66: {  	p0 =	sne.s32 s26, s13;
	[sflag:s16] =	ssyncset.done $0x0  }
.Ltmp1:
0x67: {  	[sflag:s16] =	ssyncadd.s32 $0xFFFFEC00;
	(pc) =	sbr.rel @p0 .LBB2_1-.Ltmp1, $4  }
0x68: {  	[hbm4b:s12+s2] =	stream.linear.scatter [tilespmem:s25], [sflag:$0x2], $0x90, $0x38;
	[tilespmem:$0x16890] =	vst v63  }
0x69: {  	_ =	swait.ge [sflag:s16], $0x90  }
0x6a: {  	[sflag:s16] =	ssyncset.done $0x0  }
0x6b: {  	[sflag:s16] =	ssyncadd.s32 $0xFFFFFF70  }
0x6c: {  	_ =	sfence.sel $0x180000  }
0x6d: {  	[bflag:$0x0] =	sbarrier.arrive $0xFFFF  }
0x6e: {  	_ =	strace $0x90000047  }
0x6f: {  	[bflag:$0x2] =	sbarrier.arrive $0xFFFF  }
0x70: {  	p0 =	sne.s32 s1, $0x0;
	s0 =	rddreg [dreg:$0x2]  }
0x71: {  	s0 =	sadd.s32 @!p0 $0x100000, s0  }
0x72: {  	[sflag:s0] =	ssyncadd.tile.s32 @!p0 $0x1;
	_ =	shalt  }
.Lfunc_end2:
_tile_overlayer_lowered:
.L_overlay_start_2:
0x73: {  	(tag) =	ssettag $0x2  }
0x74: {  	s0 =	rddreg [dreg:$0x0];
	s2 =	stileid.u32  }
0x75: {  	s1 =	rddreg [dreg:$0x1];
	p0 =	sne.s32 s2, $0x0  }
0x76: {  	s3 =	rddreg [dreg:$0x2];
	[bflag:$0x3] =	sbarrier.arrive $0xFFFF;
	s2 =	simm.s32 @!p0 $0x1C02  }
0x77: {  	[timem:s3], [sflag:s2] =	dma.local @!p0 [hbm:s0], s1  }
0x78: {  	s0 =	simm.s32 @!p0 $0x2  }
0x79: {  	_ =	swait.ge @!p0 [sflag:s0], s1  }
0x7a: {  	s1 =	ssub.s32 @!p0 $0x0, s1;
	[sflag:s0] =	ssyncset.done @!p0 $0x0  }
0x7b: {  	[sflag:s0] =	ssyncadd.s32 @!p0 s1  }
0x7c: {  	[bflag:$0x3] =	sbarrier.arrive $0xFFFF  }
0x7d: {  	_ =	shalt  }

</sc_bundles>
